<compile_context>
chip_gen: v7x
topology: tpu7x:2x2x1
jax: 0.10.2.dev20260603
libtpu: 0.0.44.dev20260713+nightly
codegen_flags: <defaults>
</compile_context>

<pallas_src>
import functools

import jax
import jax.numpy as jnp
from jax import lax
from jax.experimental import pallas as pl
from jax.experimental.pallas import tpu as pltpu
from jax.experimental.pallas import tpu_sc as plsc

NC = 2
NS = 16
NW = NC * NS

CH = 80
ZR = 80

_MESH = dict(core_axis_name="c", subcore_axis_name="s", num_cores=NC,
             num_subcores=NS)


def _linear2(x, Wl, bl, Wr, br):
    n, din = x.shape
    hc = Wl.shape[1]
    bn = 1000
    assert n % bn == 0

    def body(x_ref, wl_ref, bl_ref, wr_ref, br_ref, xl_ref, xr_ref):
        xb = x_ref[...]
        xl_ref[...] = jnp.dot(xb, wl_ref[...], preferred_element_type=jnp.float32) + bl_ref[...]
        xr_ref[...] = jnp.dot(xb, wr_ref[...], preferred_element_type=jnp.float32) + br_ref[...]

    return pl.pallas_call(
        body,
        grid=(n // bn,),
        in_specs=[
            pl.BlockSpec((bn, din), lambda i: (i, 0)),
            pl.BlockSpec((din, hc), lambda i: (0, 0)),
            pl.BlockSpec((1, hc), lambda i: (0, 0)),
            pl.BlockSpec((din, hc), lambda i: (0, 0)),
            pl.BlockSpec((1, hc), lambda i: (0, 0)),
        ],
        out_specs=[
            pl.BlockSpec((bn, hc), lambda i: (i, 0)),
            pl.BlockSpec((bn, hc), lambda i: (i, 0)),
        ],
        out_shape=[jax.ShapeDtypeStruct((n, hc), jnp.float32)] * 2,
    )(x, Wl, bl.reshape(1, hc), Wr, br.reshape(1, hc))


def _gather2(xl, xr, src, dst):
    n, hc = xl.shape
    e = src.shape[0]
    ew = e // NW
    assert ew % CH == 0
    mesh = plsc.VectorSubcoreMesh(**_MESH)

    @functools.partial(
        pl.kernel,
        out_type=[jax.ShapeDtypeStruct((e, hc), jnp.float32)] * 2,
        mesh=mesh,
        scratch_types=[
            pltpu.VMEM((CH,), jnp.int32),
            pltpu.VMEM((CH, hc), jnp.float32),
            pltpu.SemaphoreType.DMA,
        ],
    )
    def run(xl_hbm, xr_hbm, src_hbm, dst_hbm, xj_hbm, xi_hbm, idx_v, row_v, sem):
        c = lax.axis_index("c")
        s = lax.axis_index("s")
        base = (s * NC + c) * ew

        @pl.loop(0, ew // CH)
        def _(g):
            e0 = base + g * CH
            pltpu.sync_copy(src_hbm.at[pl.ds(e0, CH)], idx_v)
            pltpu.async_copy(xl_hbm.at[idx_v], row_v, sem).wait()
            pltpu.sync_copy(row_v, xj_hbm.at[pl.ds(e0, CH)])
            pltpu.sync_copy(dst_hbm.at[pl.ds(e0, CH)], idx_v)
            pltpu.async_copy(xr_hbm.at[idx_v], row_v, sem).wait()
            pltpu.sync_copy(row_v, xi_hbm.at[pl.ds(e0, CH)])

    return run(xl, xr, src, dst)


def _score(xj, xi, edge_attr, We, att, H, C):
    e, hc = xj.shape
    be = 2048

    def body(xj_ref, xi_ref, ea_ref, we_ref, att_ref, w_ref, *ex_refs):
        xjb = xj_ref[...]
        sm = xjb + xi_ref[...] + ea_ref[...] * we_ref[...]
        m = jnp.where(sm > 0, sm, 0.2 * sm)
        mm = m * att_ref[...]
        for h in range(H):
            a = jnp.sum(mm[:, h * C:(h + 1) * C], axis=1, keepdims=True)
            w_ref[h] = xj_ref[:, h * C:(h + 1) * C] * jnp.exp(a)
            ex_refs[h][...] = jnp.exp(jnp.sum(mm[:, h * C:(h + 1) * C], axis=1))

    outs = pl.pallas_call(
        body,
        grid=((e + be - 1) // be,),
        in_specs=[
            pl.BlockSpec((be, hc), lambda i: (i, 0)),
            pl.BlockSpec((be, hc), lambda i: (i, 0)),
            pl.BlockSpec((be, 1), lambda i: (i, 0)),
            pl.BlockSpec((1, hc), lambda i: (0, 0)),
            pl.BlockSpec((1, hc), lambda i: (0, 0)),
        ],
        out_specs=[pl.BlockSpec((H, be, C), lambda i: (0, i, 0))]
        + [pl.BlockSpec((be,), lambda i: (i,))] * H,
        out_shape=[jax.ShapeDtypeStruct((H, e, C), jnp.float32)]
        + [jax.ShapeDtypeStruct((e,), jnp.float32)] * H,
    )(xj, xi, edge_attr, We.reshape(1, hc), att.reshape(1, hc))
    return outs[0], outs[1:]


def _scatter_add(wext, exs, dst, n, split_heads):
    e = wext.shape[1]
    C = wext.shape[2]
    ew = e // NS if split_heads else e // NW
    assert ew % CH == 0 and n % ZR == 0 and n % 16 == 0
    nzc = n // ZR
    mesh = plsc.VectorSubcoreMesh(**_MESH)

    @functools.partial(
        pl.kernel,
        out_type=[
            jax.ShapeDtypeStruct((NC, n, C), jnp.float32),
            jax.ShapeDtypeStruct((NW, 8, n), jnp.float32),
        ],
        compiler_params=pltpu.CompilerParams(needs_layout_passes=False),
        mesh=mesh,
        scratch_types=[
            pltpu.VMEM((CH,), jnp.int32),
            pltpu.VMEM((CH, C), jnp.float32),
            pltpu.VMEM((CH,), jnp.float32),
            pltpu.VMEM((ZR, C), jnp.float32),
            pltpu.VMEM((n,), jnp.float32),
            pltpu.VMEM_SHARED((n, C), jnp.float32),
        ],
    )
    def run(wext_hbm, exs_hbm, dst_hbm, num_hbm, den_hbm,
            idx_v, row_v, ex_v, z_v, den_v, acc_sh):
        c = lax.axis_index("c")
        s = lax.axis_index("s")

        @pl.loop(0, ZR)
        def _(i):
            for j in range(C // 16):
                z_v[i, pl.ds(j * 16, 16)] = jnp.zeros((16,), jnp.float32)

        @pl.loop(0, n // 16)
        def _(i):
            den_v[pl.ds(i * 16, 16)] = jnp.zeros((16,), jnp.float32)

        @pl.loop(s, nzc, step=NS)
        def _(k):
            pltpu.sync_copy(z_v, acc_sh.at[pl.ds(k * ZR, ZR)])

        plsc.subcore_barrier()

        hsel = c if split_heads else 0
        ebase = s * ew if split_heads else (c * NS + s) * ew

        @pl.loop(0, ew // CH)
        def _(g):
            e0 = ebase + g * CH
            pltpu.sync_copy(dst_hbm.at[pl.ds(e0, CH)], idx_v)
            pltpu.sync_copy(wext_hbm.at[hsel, pl.ds(e0, CH)], row_v)
            pltpu.sync_copy(row_v, acc_sh.at[idx_v], add=True)
            pltpu.sync_copy(exs_hbm.at[pl.ds(hsel * e + e0, CH)], ex_v)
            for k in range(CH // 16):
                i16 = idx_v[pl.ds(k * 16, 16)]
                e16 = ex_v[pl.ds(k * 16, 16)]
                plsc.addupdate_scatter(den_v, [i16], e16)

        plsc.subcore_barrier()

        @pl.loop(s, nzc, step=NS)
        def _(k):
            pltpu.sync_copy(acc_sh.at[pl.ds(k * ZR, ZR)], z_v)
            pltpu.sync_copy(z_v, num_hbm.at[c, pl.ds(k * ZR, ZR)])

        pltpu.sync_copy(den_v, den_hbm.at[c * NS + s, 0])

    return run(wext, exs, dst)


def _finalize(num, den, bias, H, C, elu):
    n = num.shape[1]
    hc = H * C
    bn = 1024
    grid = (n + bn - 1) // bn

    def body(num_ref, den_ref, b_ref, o_ref):
        d = den_ref[:, 0, :]
        if H == 2:
            d0 = jnp.sum(d[:NS], axis=0)
            d1 = jnp.sum(d[NS:], axis=0)
            o = jnp.concatenate(
                [num_ref[0] / (d0[:, None] + 1e-16),
                 num_ref[1] / (d1[:, None] + 1e-16)], axis=1)
        else:
            ds_ = jnp.sum(d, axis=0)
            o = (num_ref[0] + num_ref[1]) / (ds_[:, None] + 1e-16)
        o = o + b_ref[...]
        if elu:
            o = jnp.where(o > 0, o, jnp.exp(o) - 1.0)
        o_ref[...] = o

    return pl.pallas_call(
        body,
        grid=(grid,),
        in_specs=[
            pl.BlockSpec((NC, bn, C), lambda i: (0, i, 0)),
            pl.BlockSpec((NW, 8, bn), lambda i: (0, 0, i)),
            pl.BlockSpec((1, hc), lambda i: (0, 0)),
        ],
        out_specs=pl.BlockSpec((bn, hc), lambda i: (i, 0)),
        out_shape=jax.ShapeDtypeStruct((n, hc), jnp.float32),
    )(num, den, bias.reshape(1, hc))


def _gatv2_layer_k(x, src, dst, edge_attr, Wl, bl, Wr, br, We, att, bias, H, C, elu):
    n = x.shape[0]
    xl, xr = _linear2(x, Wl, bl, Wr, br)
    xj, xi = _gather2(xl, xr, src, dst)
    wext, exs = _score(xj, xi, edge_attr, We, att, H, C)
    ex_cat = jnp.concatenate(exs) if H == 2 else exs[0]
    num, den = _scatter_add(wext, ex_cat, dst, n, split_heads=(H == 2))
    return _finalize(num, den, bias, H, C, elu=elu)


def kernel(x, edge_index, edge_attr, W1l, b1l, W1r, b1r, We1, att1, bias1,
           W2l, b2l, W2r, b2r, We2, att2, bias2):
    src = edge_index[0]
    dst = edge_index[1]
    h = _gatv2_layer_k(x, src, dst, edge_attr, W1l, b1l, W1r, b1r, We1, att1,
                       bias1, H=2, C=128, elu=True)
    out = _gatv2_layer_k(h, src, dst, edge_attr, W2l, b2l, W2r, b2r, We2, att2,
                         bias2, H=1, C=128, elu=False)
    return out

# --- scband reference (transcript-rebuilt; emitter-appended) ---
"""Pipeline reference for scband-gatv2-model-4922032521307 (READ-ONLY COPY).

The authoritative reference and input builder live on the scoring server;
editing this copy changes nothing except your own understanding.
"""

import jax, jax.numpy as jnp
import numpy as np

N = 10000
E = 320000
DIN = 128
H1 = 2
C1 = 128
H2 = 1
C2 = 128


def setup_inputs(seed: int = 0):
    key = jax.random.key(seed)
    ks = jax.random.split(key, 16)
    s = 0.05
    return {
        "x": jax.random.normal(ks[0], (N, DIN), dtype=jnp.float32),
        "edge_index": jax.random.randint(ks[1], (2, E), 0, N, dtype=jnp.int32),
        "edge_attr": jax.random.normal(ks[2], (E, 1), dtype=jnp.float32),
        "W1l": jax.random.normal(ks[3], (DIN, H1 * C1), dtype=jnp.float32) * s,
        "b1l": jnp.zeros((H1 * C1,), dtype=jnp.float32),
        "W1r": jax.random.normal(ks[4], (DIN, H1 * C1), dtype=jnp.float32) * s,
        "b1r": jnp.zeros((H1 * C1,), dtype=jnp.float32),
        "We1": jax.random.normal(ks[5], (1, H1 * C1), dtype=jnp.float32) * s,
        "att1": jax.random.normal(ks[6], (H1, C1), dtype=jnp.float32) * s,
        "bias1": jnp.zeros((H1 * C1,), dtype=jnp.float32),
        "W2l": jax.random.normal(ks[7], (H1 * C1, H2 * C2), dtype=jnp.float32) * s,
        "b2l": jnp.zeros((H2 * C2,), dtype=jnp.float32),
        "W2r": jax.random.normal(ks[8], (H1 * C1, H2 * C2), dtype=jnp.float32) * s,
        "b2r": jnp.zeros((H2 * C2,), dtype=jnp.float32),
        "We2": jax.random.normal(ks[9], (1, H2 * C2), dtype=jnp.float32) * s,
        "att2": jax.random.normal(ks[10], (H2, C2), dtype=jnp.float32) * s,
        "bias2": jnp.zeros((H2 * C2,), dtype=jnp.float32),
    }


def _gatv2_layer(x, src, dst, edge_attr, Wl, bl, Wr, br, We, att, bias, H, C, n_nodes):
    # PyG GATv2Conv (concat=True, negative_slope=0.2, eval mode -> no dropout)
    xl = (x @ Wl + bl).reshape(n_nodes, H, C)
    xr = (x @ Wr + br).reshape(n_nodes, H, C)
    xj = xl[src]  # messages from source nodes (lin_l)
    xi = xr[dst]  # target nodes (lin_r)
    ea = (edge_attr @ We).reshape(-1, H, C)
    m = jax.nn.leaky_relu(xi + xj + ea, negative_slope=0.2)
    alpha = jnp.sum(m * att[None, :, :], axis=-1)  # [E, H]
    amax = jax.ops.segment_max(alpha, dst, num_segments=n_nodes)
    amax = jnp.where(jnp.isfinite(amax), amax, 0.0)
    amax = jax.lax.stop_gradient(amax)
    ex = jnp.exp(alpha - amax[dst])
    denom = jax.ops.segment_sum(ex, dst, num_segments=n_nodes)
    a = ex / (denom[dst] + 1e-16)
    out = jax.ops.segment_sum(xj * a[:, :, None], dst, num_segments=n_nodes)
    return out.reshape(n_nodes, H * C) + bias


def reference(x, edge_index, edge_attr, W1l, b1l, W1r, b1r, We1, att1, bias1, W2l, b2l, W2r, b2r, We2, att2, bias2):
    src = edge_index[0]
    dst = edge_index[1]
    h = _gatv2_layer(x, src, dst, edge_attr, W1l, b1l, W1r, b1r, We1, att1, bias1, H1, C1, N)
    h = jax.nn.elu(h)
    out = _gatv2_layer(h, src, dst, edge_attr, W2l, b2l, W2r, b2r, We2, att2, bias2, H2, C2, N)
    return out

if __name__ == "__main__":
    import jax
    _d = setup_inputs()
    print(jax.jit(kernel)(*tuple(_d.values())))

</pallas_src>

<mosaic_0001>
#map = affine_map<(d0, d1) -> (0, 0)>
#map1 = affine_map<(d0, d1) -> (0)>
module attributes {stable_mosaic.version = 14 : i64} {
  func.func @run(%arg0: i32, %arg1: i32, %arg2: memref<10000x128xf32, #tpu.memory_space<hbm>>, %arg3: memref<10000x128xf32, #tpu.memory_space<hbm>>, %arg4: memref<320000xi32, #tpu.memory_space<hbm>>, %arg5: memref<320000xi32, #tpu.memory_space<hbm>>, %arg6: memref<320000x128xf32, #tpu.memory_space<hbm>>, %arg7: memref<320000x128xf32, #tpu.memory_space<hbm>>, %arg8: memref<80xi32, #tpu.memory_space<vmem>>, %arg9: memref<80x128xf32, #tpu.memory_space<vmem>>, %arg10: memref<!tpu.dma_semaphore, #tpu.memory_space<semaphore_mem>>) attributes {dimension_semantics = [#tpu.dimension_semantics<core_parallel>, #tpu.dimension_semantics<subcore_parallel>], iteration_bounds = array<i64: 2, 16>, scalar_prefetch = 0 : i64, scratch_operands = 3 : i64, tpu.core_type = #tpu.core_type<sc_vector_subcore>, window_params = [{transform_indices = #map}, {transform_indices = #map}, {transform_indices = #map1}, {transform_indices = #map1}, {transform_indices = #map}, {transform_indices = #map}]} {
    %mul3A = arith.constant 2 : i32
    %mul3A_0 = arith.muli %arg1, %mul3A : i32
    %add3A = arith.addi %mul3A_0, %arg0 : i32
    %mul3A_1 = arith.constant 10000 : i32
    %mul3A_2 = arith.muli %add3A, %mul3A_1 : i32
    %scan3A = arith.constant 0 : i32
    %scan3A_3 = arith.constant 125 : i32
    %scan3A_4 = arith.addi %scan3A, %scan3A_3 : i32
    %scan3A_5 = arith.constant 1 : i32
    scf.for %scan3A_7 = %scan3A to %scan3A_4 step %scan3A_5  : i32 {
      %mul3A_8 = arith.constant 1 : i32
      %mul3A_9 = arith.muli %scan3A_7, %mul3A_8 : i32
      %add3A_10 = arith.constant 0 : i32
      %add3A_11 = arith.addi %add3A_10, %mul3A_9 : i32
      %mul3A_12 = arith.constant 80 : i32
      %mul3A_13 = arith.muli %add3A_11, %mul3A_12 : i32
      %add3A_14 = arith.addi %mul3A_2, %mul3A_13 : i32
      "tpu.region"() ({
        %run_scoped3A = tpu.sem_alloc : memref<!tpu.dma_semaphore, #tpu.memory_space<semaphore_mem>>
        %dma_start3A_25 = tpu.memref_slice %arg4[%add3A_14] : memref<320000xi32, #tpu.memory_space<hbm>> -> memref<80xi32, #tpu.memory_space<hbm>>
        %dma_start3A_26 = tpu.memref_slice %arg4[%add3A_14] : memref<320000xi32, #tpu.memory_space<hbm>> -> memref<80xi32, #tpu.memory_space<hbm>>
        tpu.enqueue_dma source(%dma_start3A_26 : memref<80xi32, #tpu.memory_space<hbm>>) target(%arg8 : memref<80xi32, #tpu.memory_space<vmem>>) target_semaphore(%run_scoped3A : memref<!tpu.dma_semaphore, #tpu.memory_space<semaphore_mem>>)
        %dma_wait3A_27 = tpu.memref_slice %arg4[%add3A_14] : memref<320000xi32, #tpu.memory_space<hbm>> -> memref<80xi32, #tpu.memory_space<hbm>>
        %dma_wait3A_28 = tpu.memref_slice %arg4[%add3A_14] : memref<320000xi32, #tpu.memory_space<hbm>> -> memref<80xi32, #tpu.memory_space<hbm>>
        tpu.wait_dma2 semaphore(%run_scoped3A : memref<!tpu.dma_semaphore, #tpu.memory_space<semaphore_mem>>) src(%dma_wait3A_28 : memref<80xi32, #tpu.memory_space<hbm>>) dst(%arg8 : memref<80xi32, #tpu.memory_space<vmem>>)
        tpu.yield
      }) : () -> ()
      %dma_start3A = arith.constant 0 : i32
      %dma_start3A_15 = arith.constant 0 : i32
      %dma_start3A_16 = tpu.memref_slice %arg2[%dma_start3A, %dma_start3A_15] : memref<10000x128xf32, #tpu.memory_space<hbm>> -> memref<10000x128xf32, #tpu.memory_space<hbm>>
      tpu.enqueue_indirect_dma source(%dma_start3A_16 : memref<10000x128xf32, #tpu.memory_space<hbm>>) target(%arg9 : memref<80x128xf32, #tpu.memory_space<vmem>>) offsets(%arg8 : memref<80xi32, #tpu.memory_space<vmem>>) semaphore(%arg10 : memref<!tpu.dma_semaphore, #tpu.memory_space<semaphore_mem>>)
      %dma_wait3A = arith.constant 0 : i32
      %dma_wait3A_17 = arith.constant 0 : i32
      %dma_wait3A_18 = tpu.memref_slice %arg2[%dma_wait3A, %dma_wait3A_17] : memref<10000x128xf32, #tpu.memory_space<hbm>> -> memref<10000x128xf32, #tpu.memory_space<hbm>>
      tpu.wait_indirect_dma semaphore(%arg10 : memref<!tpu.dma_semaphore, #tpu.memory_space<semaphore_mem>>) src(%dma_wait3A_18 : memref<10000x128xf32, #tpu.memory_space<hbm>>) dst(%arg9 : memref<80x128xf32, #tpu.memory_space<vmem>>)
      "tpu.region"() ({
        %run_scoped3A = tpu.sem_alloc : memref<!tpu.dma_semaphore, #tpu.memory_space<semaphore_mem>>
        %dma_start3A_25 = arith.constant 0 : i32
        %dma_start3A_26 = tpu.memref_slice %arg6[%add3A_14, %dma_start3A_25] : memref<320000x128xf32, #tpu.memory_space<hbm>> -> memref<80x128xf32, #tpu.memory_space<hbm>>
        %dma_start3A_27 = arith.constant 0 : i32
        %dma_start3A_28 = tpu.memref_slice %arg6[%add3A_14, %dma_start3A_27] : memref<320000x128xf32, #tpu.memory_space<hbm>> -> memref<80x128xf32, #tpu.memory_space<hbm>>
        tpu.enqueue_dma source(%arg9 : memref<80x128xf32, #tpu.memory_space<vmem>>) target(%dma_start3A_28 : memref<80x128xf32, #tpu.memory_space<hbm>>) target_semaphore(%run_scoped3A : memref<!tpu.dma_semaphore, #tpu.memory_space<semaphore_mem>>)
        %dma_wait3A_29 = arith.constant 0 : i32
        %dma_wait3A_30 = tpu.memref_slice %arg6[%add3A_14, %dma_wait3A_29] : memref<320000x128xf32, #tpu.memory_space<hbm>> -> memref<80x128xf32, #tpu.memory_space<hbm>>
        %dma_wait3A_31 = arith.constant 0 : i32
        %dma_wait3A_32 = tpu.memref_slice %arg6[%add3A_14, %dma_wait3A_31] : memref<320000x128xf32, #tpu.memory_space<hbm>> -> memref<80x128xf32, #tpu.memory_space<hbm>>
        tpu.wait_dma2 semaphore(%run_scoped3A : memref<!tpu.dma_semaphore, #tpu.memory_space<semaphore_mem>>) src(%arg9 : memref<80x128xf32, #tpu.memory_space<vmem>>) dst(%dma_wait3A_32 : memref<80x128xf32, #tpu.memory_space<hbm>>)
        tpu.yield
      }) : () -> ()
      "tpu.region"() ({
        %run_scoped3A = tpu.sem_alloc : memref<!tpu.dma_semaphore, #tpu.memory_space<semaphore_mem>>
        %dma_start3A_25 = tpu.memref_slice %arg5[%add3A_14] : memref<320000xi32, #tpu.memory_space<hbm>> -> memref<80xi32, #tpu.memory_space<hbm>>
        %dma_start3A_26 = tpu.memref_slice %arg5[%add3A_14] : memref<320000xi32, #tpu.memory_space<hbm>> -> memref<80xi32, #tpu.memory_space<hbm>>
        tpu.enqueue_dma source(%dma_start3A_26 : memref<80xi32, #tpu.memory_space<hbm>>) target(%arg8 : memref<80xi32, #tpu.memory_space<vmem>>) target_semaphore(%run_scoped3A : memref<!tpu.dma_semaphore, #tpu.memory_space<semaphore_mem>>)
        %dma_wait3A_27 = tpu.memref_slice %arg5[%add3A_14] : memref<320000xi32, #tpu.memory_space<hbm>> -> memref<80xi32, #tpu.memory_space<hbm>>
        %dma_wait3A_28 = tpu.memref_slice %arg5[%add3A_14] : memref<320000xi32, #tpu.memory_space<hbm>> -> memref<80xi32, #tpu.memory_space<hbm>>
        tpu.wait_dma2 semaphore(%run_scoped3A : memref<!tpu.dma_semaphore, #tpu.memory_space<semaphore_mem>>) src(%dma_wait3A_28 : memref<80xi32, #tpu.memory_space<hbm>>) dst(%arg8 : memref<80xi32, #tpu.memory_space<vmem>>)
        tpu.yield
      }) : () -> ()
      %dma_start3A_19 = arith.constant 0 : i32
      %dma_start3A_20 = arith.constant 0 : i32
      %dma_start3A_21 = tpu.memref_slice %arg3[%dma_start3A_19, %dma_start3A_20] : memref<10000x128xf32, #tpu.memory_space<hbm>> -> memref<10000x128xf32, #tpu.memory_space<hbm>>
      tpu.enqueue_indirect_dma source(%dma_start3A_21 : memref<10000x128xf32, #tpu.memory_space<hbm>>) target(%arg9 : memref<80x128xf32, #tpu.memory_space<vmem>>) offsets(%arg8 : memref<80xi32, #tpu.memory_space<vmem>>) semaphore(%arg10 : memref<!tpu.dma_semaphore, #tpu.memory_space<semaphore_mem>>)
      %dma_wait3A_22 = arith.constant 0 : i32
      %dma_wait3A_23 = arith.constant 0 : i32
      %dma_wait3A_24 = tpu.memref_slice %arg3[%dma_wait3A_22, %dma_wait3A_23] : memref<10000x128xf32, #tpu.memory_space<hbm>> -> memref<10000x128xf32, #tpu.memory_space<hbm>>
      tpu.wait_indirect_dma semaphore(%arg10 : memref<!tpu.dma_semaphore, #tpu.memory_space<semaphore_mem>>) src(%dma_wait3A_24 : memref<10000x128xf32, #tpu.memory_space<hbm>>) dst(%arg9 : memref<80x128xf32, #tpu.memory_space<vmem>>)
      "tpu.region"() ({
        %run_scoped3A = tpu.sem_alloc : memref<!tpu.dma_semaphore, #tpu.memory_space<semaphore_mem>>
        %dma_start3A_25 = arith.constant 0 : i32
        %dma_start3A_26 = tpu.memref_slice %arg7[%add3A_14, %dma_start3A_25] : memref<320000x128xf32, #tpu.memory_space<hbm>> -> memref<80x128xf32, #tpu.memory_space<hbm>>
        %dma_start3A_27 = arith.constant 0 : i32
        %dma_start3A_28 = tpu.memref_slice %arg7[%add3A_14, %dma_start3A_27] : memref<320000x128xf32, #tpu.memory_space<hbm>> -> memref<80x128xf32, #tpu.memory_space<hbm>>
        tpu.enqueue_dma source(%arg9 : memref<80x128xf32, #tpu.memory_space<vmem>>) target(%dma_start3A_28 : memref<80x128xf32, #tpu.memory_space<hbm>>) target_semaphore(%run_scoped3A : memref<!tpu.dma_semaphore, #tpu.memory_space<semaphore_mem>>)
        %dma_wait3A_29 = arith.constant 0 : i32
        %dma_wait3A_30 = tpu.memref_slice %arg7[%add3A_14, %dma_wait3A_29] : memref<320000x128xf32, #tpu.memory_space<hbm>> -> memref<80x128xf32, #tpu.memory_space<hbm>>
        %dma_wait3A_31 = arith.constant 0 : i32
        %dma_wait3A_32 = tpu.memref_slice %arg7[%add3A_14, %dma_wait3A_31] : memref<320000x128xf32, #tpu.memory_space<hbm>> -> memref<80x128xf32, #tpu.memory_space<hbm>>
        tpu.wait_dma2 semaphore(%run_scoped3A : memref<!tpu.dma_semaphore, #tpu.memory_space<semaphore_mem>>) src(%arg9 : memref<80x128xf32, #tpu.memory_space<vmem>>) dst(%dma_wait3A_32 : memref<80x128xf32, #tpu.memory_space<hbm>>)
        tpu.yield
      }) : () -> ()
    }
    %scan3A_6 = arith.constant 125 : i32
    return
  }
}

#map = affine_map<(d0, d1) -> (0, 0, 0)>
#map1 = affine_map<(d0, d1) -> (0)>
module attributes {stable_mosaic.version = 14 : i64} {
  func.func @run(%arg0: i32, %arg1: i32, %arg2: memref<2x320000x128xf32, #tpu.memory_space<hbm>>, %arg3: memref<640000xf32, #tpu.memory_space<hbm>>, %arg4: memref<320000xi32, #tpu.memory_space<hbm>>, %arg5: memref<2x10000x128xf32, #tpu.memory_space<hbm>>, %arg6: memref<32x8x10000xf32, #tpu.memory_space<hbm>>, %arg7: memref<80xi32, #tpu.memory_space<vmem>>, %arg8: memref<80x128xf32, #tpu.memory_space<vmem>>, %arg9: memref<80xf32, #tpu.memory_space<vmem>>, %arg10: memref<80x128xf32, #tpu.memory_space<vmem>>, %arg11: memref<10000xf32, #tpu.memory_space<vmem>>, %arg12: memref<10000x128xf32, #tpu.memory_space<vmem_shared>>) attributes {dimension_semantics = [#tpu.dimension_semantics<core_parallel>, #tpu.dimension_semantics<subcore_parallel>], iteration_bounds = array<i64: 2, 16>, scalar_prefetch = 0 : i64, scratch_operands = 6 : i64, tpu.core_type = #tpu.core_type<sc_vector_subcore>, window_params = [{transform_indices = #map}, {transform_indices = #map1}, {transform_indices = #map1}, {transform_indices = #map}, {transform_indices = #map}]} {
    %scan3A = arith.constant 0 : i32
    %scan3A_0 = arith.constant 80 : i32
    %scan3A_1 = arith.addi %scan3A, %scan3A_0 : i32
    %scan3A_2 = arith.constant 1 : i32
    scf.for %scan3A_51 = %scan3A to %scan3A_1 step %scan3A_2  : i32 {
      %mul3A_52 = arith.constant 1 : i32
      %mul3A_53 = arith.muli %scan3A_51, %mul3A_52 : i32
      %add3A_54 = arith.constant 0 : i32
      %add3A_55 = arith.addi %add3A_54, %mul3A_53 : i32
      %broadcast_in_dim3A = arith.constant 0.000000e+00 : f32
      %broadcast_in_dim3A_56 = vector.broadcast %broadcast_in_dim3A : f32 to vector<16xf32>
      %swap3A = arith.index_cast %add3A_55 : i32 to index
      %swap3A_57 = arith.constant 0 : index
      %swap3A_58 = tpu.vector_load %arg10[%swap3A, %swap3A_57] {strides = array<i32>} : memref<80x128xf32, #tpu.memory_space<vmem>>, vector<16xf32>,
      tpu.vector_store %arg10[%swap3A, %swap3A_57], %broadcast_in_dim3A_56 {strides = array<i32>} : memref<80x128xf32, #tpu.memory_space<vmem>>, vector<16xf32>,
      %broadcast_in_dim3A_59 = arith.constant 0.000000e+00 : f32
      %broadcast_in_dim3A_60 = vector.broadcast %broadcast_in_dim3A_59 : f32 to vector<16xf32>
      %swap3A_61 = arith.index_cast %add3A_55 : i32 to index
      %swap3A_62 = arith.constant 16 : index
      %swap3A_63 = tpu.vector_load %arg10[%swap3A_61, %swap3A_62] {strides = array<i32>} : memref<80x128xf32, #tpu.memory_space<vmem>>, vector<16xf32>,
      tpu.vector_store %arg10[%swap3A_61, %swap3A_62], %broadcast_in_dim3A_60 {strides = array<i32>} : memref<80x128xf32, #tpu.memory_space<vmem>>, vector<16xf32>,
      %broadcast_in_dim3A_64 = arith.constant 0.000000e+00 : f32
      %broadcast_in_dim3A_65 = vector.broadcast %broadcast_in_dim3A_64 : f32 to vector<16xf32>
      %swap3A_66 = arith.index_cast %add3A_55 : i32 to index
      %swap3A_67 = arith.constant 32 : index
      %swap3A_68 = tpu.vector_load %arg10[%swap3A_66, %swap3A_67] {strides = array<i32>} : memref<80x128xf32, #tpu.memory_space<vmem>>, vector<16xf32>,
      tpu.vector_store %arg10[%swap3A_66, %swap3A_67], %broadcast_in_dim3A_65 {strides = array<i32>} : memref<80x128xf32, #tpu.memory_space<vmem>>, vector<16xf32>,
      %broadcast_in_dim3A_69 = arith.constant 0.000000e+00 : f32
      %broadcast_in_dim3A_70 = vector.broadcast %broadcast_in_dim3A_69 : f32 to vector<16xf32>
      %swap3A_71 = arith.index_cast %add3A_55 : i32 to index
      %swap3A_72 = arith.constant 48 : index
      %swap3A_73 = tpu.vector_load %arg10[%swap3A_71, %swap3A_72] {strides = array<i32>} : memref<80x128xf32, #tpu.memory_space<vmem>>, vector<16xf32>,
      tpu.vector_store %arg10[%swap3A_71, %swap3A_72], %broadcast_in_dim3A_70 {strides = array<i32>} : memref<80x128xf32, #tpu.memory_space<vmem>>, vector<16xf32>,
      %broadcast_in_dim3A_74 = arith.constant 0.000000e+00 : f32
      %broadcast_in_dim3A_75 = vector.broadcast %broadcast_in_dim3A_74 : f32 to vector<16xf32>
      %swap3A_76 = arith.index_cast %add3A_55 : i32 to index
      %swap3A_77 = arith.constant 64 : index
      %swap3A_78 = tpu.vector_load %arg10[%swap3A_76, %swap3A_77] {strides = array<i32>} : memref<80x128xf32, #tpu.memory_space<vmem>>, vector<16xf32>,
      tpu.vector_store %arg10[%swap3A_76, %swap3A_77], %broadcast_in_dim3A_75 {strides = array<i32>} : memref<80x128xf32, #tpu.memory_space<vmem>>, vector<16xf32>,
      %broadcast_in_dim3A_79 = arith.constant 0.000000e+00 : f32
      %broadcast_in_dim3A_80 = vector.broadcast %broadcast_in_dim3A_79 : f32 to vector<16xf32>
      %swap3A_81 = arith.index_cast %add3A_55 : i32 to index
      %swap3A_82 = arith.constant 80 : index
      %swap3A_83 = tpu.vector_load %arg10[%swap3A_81, %swap3A_82] {strides = array<i32>} : memref<80x128xf32, #tpu.memory_space<vmem>>, vector<16xf32>,
      tpu.vector_store %arg10[%swap3A_81, %swap3A_82], %broadcast_in_dim3A_80 {strides = array<i32>} : memref<80x128xf32, #tpu.memory_space<vmem>>, vector<16xf32>,
      %broadcast_in_dim3A_84 = arith.constant 0.000000e+00 : f32
      %broadcast_in_dim3A_85 = vector.broadcast %broadcast_in_dim3A_84 : f32 to vector<16xf32>
      %swap3A_86 = arith.index_cast %add3A_55 : i32 to index
      %swap3A_87 = arith.constant 96 : index
      %swap3A_88 = tpu.vector_load %arg10[%swap3A_86, %swap3A_87] {strides = array<i32>} : memref<80x128xf32, #tpu.memory_space<vmem>>, vector<16xf32>,
      tpu.vector_store %arg10[%swap3A_86, %swap3A_87], %broadcast_in_dim3A_85 {strides = array<i32>} : memref<80x128xf32, #tpu.memory_space<vmem>>, vector<16xf32>,
      %broadcast_in_dim3A_89 = arith.constant 0.000000e+00 : f32
      %broadcast_in_dim3A_90 = vector.broadcast %broadcast_in_dim3A_89 : f32 to vector<16xf32>
      %swap3A_91 = arith.index_cast %add3A_55 : i32 to index
      %swap3A_92 = arith.constant 112 : index
      %swap3A_93 = tpu.vector_load %arg10[%swap3A_91, %swap3A_92] {strides = array<i32>} : memref<80x128xf32, #tpu.memory_space<vmem>>, vector<16xf32>,
      tpu.vector_store %arg10[%swap3A_91, %swap3A_92], %broadcast_in_dim3A_90 {strides = array<i32>} : memref<80x128xf32, #tpu.memory_space<vmem>>, vector<16xf32>,
    }
    %scan3A_3 = arith.constant 80 : i32
    %scan3A_4 = arith.constant 0 : i32
    %scan3A_5 = arith.constant 625 : i32
    %scan3A_6 = arith.addi %scan3A_4, %scan3A_5 : i32
    %scan3A_7 = arith.constant 1 : i32
    scf.for %scan3A_51 = %scan3A_4 to %scan3A_6 step %scan3A_7  : i32 {
      %mul3A_52 = arith.constant 1 : i32
      %mul3A_53 = arith.muli %scan3A_51, %mul3A_52 : i32
      %add3A_54 = arith.constant 0 : i32
      %add3A_55 = arith.addi %add3A_54, %mul3A_53 : i32
      %broadcast_in_dim3A = arith.constant 0.000000e+00 : f32
      %broadcast_in_dim3A_56 = vector.broadcast %broadcast_in_dim3A : f32 to vector<16xf32>
      %mul3A_57 = arith.constant 16 : i32
      %mul3A_58 = arith.muli %add3A_55, %mul3A_57 : i32
      %swap3A = arith.index_cast %mul3A_58 : i32 to index
      %swap3A_59 = tpu.vector_load %arg11[%swap3A] {strides = array<i32>} : memref<10000xf32, #tpu.memory_space<vmem>>, vector<16xf32>,
      tpu.vector_store %arg11[%swap3A], %broadcast_in_dim3A_56 {strides = array<i32>} : memref<10000xf32, #tpu.memory_space<vmem>>, vector<16xf32>,
    }
    %scan3A_8 = arith.constant 625 : i32
    %sub3A = arith.constant 125 : i32
    %sub3A_9 = arith.subi %sub3A, %arg1 : i32
    %sub3A_10 = arith.constant 16 : i32
    %sub3A_11 = arith.constant 1 : i32
    %sub3A_12 = arith.subi %sub3A_10, %sub3A_11 : i32
    %add3A = arith.addi %sub3A_9, %sub3A_12 : i32
    %div3A = arith.constant 16 : i32
    %div3A_13 = arith.divsi %add3A, %div3A : i32
    %while3A = arith.constant 16 : i32
    %while3A_14 = arith.constant 0 : i32
    %while3A_15 = arith.subi %div3A_13, %while3A_14 : i32
    %while3A_16 = arith.addi %while3A_14, %while3A_15 : i32
    %while3A_17 = arith.constant 1 : i32
    %while3A_18 = arith.divsi %while3A_15, %while3A_17 : i32
    %while3A_19 = arith.muli %while3A_18, %while3A_17 : i32
    %while3A_20 = arith.addi %while3A_14, %while3A_19 : i32
    %while3A_21 = arith.constant 1 : i32
    scf.for %while3A_51 = %while3A_14 to %while3A_20 step %while3A_21  : i32 {
      %mul3A_52 = arith.muli %while3A_51, %while3A : i32
      %add3A_53 = arith.addi %arg1, %mul3A_52 : i32
      %mul3A_54 = arith.constant 80 : i32
      %mul3A_55 = arith.muli %add3A_53, %mul3A_54 : i32
      "tpu.region"() ({
        %run_scoped3A_56 = tpu.sem_alloc : memref<!tpu.dma_semaphore, #tpu.memory_space<semaphore_mem>>
        %dma_start3A = arith.constant 0 : i32
        %dma_start3A_57 = tpu.memref_slice %arg12[%mul3A_55, %dma_start3A] : memref<10000x128xf32, #tpu.memory_space<vmem_shared>> -> memref<80x128xf32, #tpu.memory_space<vmem_shared>>
        %dma_start3A_58 = arith.constant 0 : i32
        %dma_start3A_59 = tpu.memref_slice %arg12[%mul3A_55, %dma_start3A_58] : memref<10000x128xf32, #tpu.memory_space<vmem_shared>> -> memref<80x128xf32, #tpu.memory_space<vmem_shared>>
        tpu.enqueue_dma source(%arg10 : memref<80x128xf32, #tpu.memory_space<vmem>>) target(%dma_start3A_59 : memref<80x128xf32, #tpu.memory_space<vmem_shared>>) target_semaphore(%run_scoped3A_56 : memref<!tpu.dma_semaphore, #tpu.memory_space<semaphore_mem>>)
        %dma_wait3A = arith.constant 0 : i32
        %dma_wait3A_60 = tpu.memref_slice %arg12[%mul3A_55, %dma_wait3A] : memref<10000x128xf32, #tpu.memory_space<vmem_shared>> -> memref<80x128xf32, #tpu.memory_space<vmem_shared>>
        %dma_wait3A_61 = arith.constant 0 : i32
        %dma_wait3A_62 = tpu.memref_slice %arg12[%mul3A_55, %dma_wait3A_61] : memref<10000x128xf32, #tpu.memory_space<vmem_shared>> -> memref<80x128xf32, #tpu.memory_space<vmem_shared>>
        tpu.wait_dma2 semaphore(%run_scoped3A_56 : memref<!tpu.dma_semaphore, #tpu.memory_space<semaphore_mem>>) src(%arg10 : memref<80x128xf32, #tpu.memory_space<vmem>>) dst(%dma_wait3A_62 : memref<80x128xf32, #tpu.memory_space<vmem_shared>>)
        tpu.yield
      }) : () -> ()
    }
    %while3A_22 = arith.constant 1 : i32
    scf.for %while3A_51 = %while3A_20 to %while3A_16 step %while3A_22  : i32 {
      %mul3A_52 = arith.muli %while3A_51, %while3A : i32
      %add3A_53 = arith.addi %arg1, %mul3A_52 : i32
      %mul3A_54 = arith.constant 80 : i32
      %mul3A_55 = arith.muli %add3A_53, %mul3A_54 : i32
      "tpu.region"() ({
        %run_scoped3A_56 = tpu.sem_alloc : memref<!tpu.dma_semaphore, #tpu.memory_space<semaphore_mem>>
        %dma_start3A = arith.constant 0 : i32
        %dma_start3A_57 = tpu.memref_slice %arg12[%mul3A_55, %dma_start3A] : memref<10000x128xf32, #tpu.memory_space<vmem_shared>> -> memref<80x128xf32, #tpu.memory_space<vmem_shared>>
        %dma_start3A_58 = arith.constant 0 : i32
        %dma_start3A_59 = tpu.memref_slice %arg12[%mul3A_55, %dma_start3A_58] : memref<10000x128xf32, #tpu.memory_space<vmem_shared>> -> memref<80x128xf32, #tpu.memory_space<vmem_shared>>
        tpu.enqueue_dma source(%arg10 : memref<80x128xf32, #tpu.memory_space<vmem>>) target(%dma_start3A_59 : memref<80x128xf32, #tpu.memory_space<vmem_shared>>) target_semaphore(%run_scoped3A_56 : memref<!tpu.dma_semaphore, #tpu.memory_space<semaphore_mem>>)
        %dma_wait3A = arith.constant 0 : i32
        %dma_wait3A_60 = tpu.memref_slice %arg12[%mul3A_55, %dma_wait3A] : memref<10000x128xf32, #tpu.memory_space<vmem_shared>> -> memref<80x128xf32, #tpu.memory_space<vmem_shared>>
        %dma_wait3A_61 = arith.constant 0 : i32
        %dma_wait3A_62 = tpu.memref_slice %arg12[%mul3A_55, %dma_wait3A_61] : memref<10000x128xf32, #tpu.memory_space<vmem_shared>> -> memref<80x128xf32, #tpu.memory_space<vmem_shared>>
        tpu.wait_dma2 semaphore(%run_scoped3A_56 : memref<!tpu.dma_semaphore, #tpu.memory_space<semaphore_mem>>) src(%arg10 : memref<80x128xf32, #tpu.memory_space<vmem>>) dst(%dma_wait3A_62 : memref<80x128xf32, #tpu.memory_space<vmem_shared>>)
        tpu.yield
      }) : () -> ()
    }
    %barrier3A = arith.constant 0 : index
    tpu.barrier barrier_id(%barrier3A)
    %mul3A = arith.constant 20000 : i32
    %mul3A_23 = arith.muli %arg1, %mul3A : i32
    %scan3A_24 = arith.constant 0 : i32
    %scan3A_25 = arith.constant 250 : i32
    %scan3A_26 = arith.addi %scan3A_24, %scan3A_25 : i32
    %scan3A_27 = arith.constant 1 : i32
    scf.for %scan3A_51 = %scan3A_24 to %scan3A_26 step %scan3A_27  : i32 {
      %mul3A_52 = arith.constant 1 : i32
      %mul3A_53 = arith.muli %scan3A_51, %mul3A_52 : i32
      %add3A_54 = arith.constant 0 : i32
      %add3A_55 = arith.addi %add3A_54, %mul3A_53 : i32
      %mul3A_56 = arith.constant 80 : i32
      %mul3A_57 = arith.muli %add3A_55, %mul3A_56 : i32
      %add3A_58 = arith.addi %mul3A_23, %mul3A_57 : i32
      "tpu.region"() ({
        %run_scoped3A_81 = tpu.sem_alloc : memref<!tpu.dma_semaphore, #tpu.memory_space<semaphore_mem>>
        %dma_start3A = tpu.memref_slice %arg4[%add3A_58] : memref<320000xi32, #tpu.memory_space<hbm>> -> memref<80xi32, #tpu.memory_space<hbm>>
        %dma_start3A_82 = tpu.memref_slice %arg4[%add3A_58] : memref<320000xi32, #tpu.memory_space<hbm>> -> memref<80xi32, #tpu.memory_space<hbm>>
        tpu.enqueue_dma source(%dma_start3A_82 : memref<80xi32, #tpu.memory_space<hbm>>) target(%arg7 : memref<80xi32, #tpu.memory_space<vmem>>) target_semaphore(%run_scoped3A_81 : memref<!tpu.dma_semaphore, #tpu.memory_space<semaphore_mem>>)
        %dma_wait3A = tpu.memref_slice %arg4[%add3A_58] : memref<320000xi32, #tpu.memory_space<hbm>> -> memref<80xi32, #tpu.memory_space<hbm>>
        %dma_wait3A_83 = tpu.memref_slice %arg4[%add3A_58] : memref<320000xi32, #tpu.memory_space<hbm>> -> memref<80xi32, #tpu.memory_space<hbm>>
        tpu.wait_dma2 semaphore(%run_scoped3A_81 : memref<!tpu.dma_semaphore, #tpu.memory_space<semaphore_mem>>) src(%dma_wait3A_83 : memref<80xi32, #tpu.memory_space<hbm>>) dst(%arg7 : memref<80xi32, #tpu.memory_space<vmem>>)
        tpu.yield
      }) : () -> ()
      "tpu.region"() ({
        %run_scoped3A_81 = tpu.sem_alloc : memref<!tpu.dma_semaphore, #tpu.memory_space<semaphore_mem>>
        %dma_start3A = arith.constant 0 : i32
        %dma_start3A_82 = tpu.memref_slice %arg2[%arg0, %add3A_58, %dma_start3A] : memref<2x320000x128xf32, #tpu.memory_space<hbm>> -> memref<1x80x128xf32, #tpu.memory_space<hbm>>
        %dma_start3A_83 = tpu.memref_squeeze %dma_start3A_82 : memref<1x80x128xf32, #tpu.memory_space<hbm>> -> memref<80x128xf32, #tpu.memory_space<hbm>>
        %dma_start3A_84 = arith.constant 0 : i32
        %dma_start3A_85 = tpu.memref_slice %arg2[%arg0, %add3A_58, %dma_start3A_84] : memref<2x320000x128xf32, #tpu.memory_space<hbm>> -> memref<1x80x128xf32, #tpu.memory_space<hbm>>
        %dma_start3A_86 = tpu.memref_squeeze %dma_start3A_85 : memref<1x80x128xf32, #tpu.memory_space<hbm>> -> memref<80x128xf32, #tpu.memory_space<hbm>>
        tpu.enqueue_dma source(%dma_start3A_86 : memref<80x128xf32, #tpu.memory_space<hbm>>) target(%arg8 : memref<80x128xf32, #tpu.memory_space<vmem>>) target_semaphore(%run_scoped3A_81 : memref<!tpu.dma_semaphore, #tpu.memory_space<semaphore_mem>>)
        %dma_wait3A = arith.constant 0 : i32
        %dma_wait3A_87 = tpu.memref_slice %arg2[%arg0, %add3A_58, %dma_wait3A] : memref<2x320000x128xf32, #tpu.memory_space<hbm>> -> memref<1x80x128xf32, #tpu.memory_space<hbm>>
        %dma_wait3A_88 = tpu.memref_squeeze %dma_wait3A_87 : memref<1x80x128xf32, #tpu.memory_space<hbm>> -> memref<80x128xf32, #tpu.memory_space<hbm>>
        %dma_wait3A_89 = arith.constant 0 : i32
        %dma_wait3A_90 = tpu.memref_slice %arg2[%arg0, %add3A_58, %dma_wait3A_89] : memref<2x320000x128xf32, #tpu.memory_space<hbm>> -> memref<1x80x128xf32, #tpu.memory_space<hbm>>
        %dma_wait3A_91 = tpu.memref_squeeze %dma_wait3A_90 : memref<1x80x128xf32, #tpu.memory_space<hbm>> -> memref<80x128xf32, #tpu.memory_space<hbm>>
        tpu.wait_dma2 semaphore(%run_scoped3A_81 : memref<!tpu.dma_semaphore, #tpu.memory_space<semaphore_mem>>) src(%dma_wait3A_91 : memref<80x128xf32, #tpu.memory_space<hbm>>) dst(%arg8 : memref<80x128xf32, #tpu.memory_space<vmem>>)
        tpu.yield
      }) : () -> ()
      "tpu.region"() ({
        %run_scoped3A_81 = tpu.sem_alloc : memref<!tpu.dma_semaphore, #tpu.memory_space<semaphore_mem>>
        %dma_start3A = arith.constant 0 : i32
        %dma_start3A_82 = arith.constant 0 : i32
        %dma_start3A_83 = tpu.memref_slice %arg12[%dma_start3A, %dma_start3A_82] : memref<10000x128xf32, #tpu.memory_space<vmem_shared>> -> memref<10000x128xf32, #tpu.memory_space<vmem_shared>>
        tpu.enqueue_indirect_dma source(%arg8 : memref<80x128xf32, #tpu.memory_space<vmem>>) target(%dma_start3A_83 : memref<10000x128xf32, #tpu.memory_space<vmem_shared>>) offsets(%arg7 : memref<80xi32, #tpu.memory_space<vmem>>) semaphore(%run_scoped3A_81 : memref<!tpu.dma_semaphore, #tpu.memory_space<semaphore_mem>>) {add = true}
        %dma_wait3A = arith.constant 0 : i32
        %dma_wait3A_84 = arith.constant 0 : i32
        %dma_wait3A_85 = tpu.memref_slice %arg12[%dma_wait3A, %dma_wait3A_84] : memref<10000x128xf32, #tpu.memory_space<vmem_shared>> -> memref<10000x128xf32, #tpu.memory_space<vmem_shared>>
        tpu.wait_indirect_dma semaphore(%run_scoped3A_81 : memref<!tpu.dma_semaphore, #tpu.memory_space<semaphore_mem>>) src(%arg8 : memref<80x128xf32, #tpu.memory_space<vmem>>) dst(%dma_wait3A_85 : memref<10000x128xf32, #tpu.memory_space<vmem_shared>>)
        tpu.yield
      }) : () -> ()
      %mul3A_59 = arith.constant 320000 : i32
      %mul3A_60 = arith.muli %arg0, %mul3A_59 : i32
      %add3A_61 = arith.addi %mul3A_60, %add3A_58 : i32
      "tpu.region"() ({
        %run_scoped3A_81 = tpu.sem_alloc : memref<!tpu.dma_semaphore, #tpu.memory_space<semaphore_mem>>
        %dma_start3A = tpu.memref_slice %arg3[%add3A_61] : memref<640000xf32, #tpu.memory_space<hbm>> -> memref<80xf32, #tpu.memory_space<hbm>>
        %dma_start3A_82 = tpu.memref_slice %arg3[%add3A_61] : memref<640000xf32, #tpu.memory_space<hbm>> -> memref<80xf32, #tpu.memory_space<hbm>>
        tpu.enqueue_dma source(%dma_start3A_82 : memref<80xf32, #tpu.memory_space<hbm>>) target(%arg9 : memref<80xf32, #tpu.memory_space<vmem>>) target_semaphore(%run_scoped3A_81 : memref<!tpu.dma_semaphore, #tpu.memory_space<semaphore_mem>>)
        %dma_wait3A = tpu.memref_slice %arg3[%add3A_61] : memref<640000xf32, #tpu.memory_space<hbm>> -> memref<80xf32, #tpu.memory_space<hbm>>
        %dma_wait3A_83 = tpu.memref_slice %arg3[%add3A_61] : memref<640000xf32, #tpu.memory_space<hbm>> -> memref<80xf32, #tpu.memory_space<hbm>>
        tpu.wait_dma2 semaphore(%run_scoped3A_81 : memref<!tpu.dma_semaphore, #tpu.memory_space<semaphore_mem>>) src(%dma_wait3A_83 : memref<80xf32, #tpu.memory_space<hbm>>) dst(%arg9 : memref<80xf32, #tpu.memory_space<vmem>>)
        tpu.yield
      }) : () -> ()
      %get3A = arith.constant 0 : index
      %get3A_62 = tpu.vector_load %arg7[%get3A] {strides = array<i32>} : memref<80xi32, #tpu.memory_space<vmem>>, vector<16xi32>,
      %get3A_63 = arith.constant 0 : index
      %get3A_64 = tpu.vector_load %arg9[%get3A_63] {strides = array<i32>} : memref<80xf32, #tpu.memory_space<vmem>>, vector<16xf32>,
      tpu.vector_store_idx %arg11[%get3A_62], %get3A_64 {add = true} : memref<10000xf32, #tpu.memory_space<vmem>>[vector<16xi32>], vector<16xf32>,
      %get3A_65 = arith.constant 16 : index
      %get3A_66 = tpu.vector_load %arg7[%get3A_65] {strides = array<i32>} : memref<80xi32, #tpu.memory_space<vmem>>, vector<16xi32>,
      %get3A_67 = arith.constant 16 : index
      %get3A_68 = tpu.vector_load %arg9[%get3A_67] {strides = array<i32>} : memref<80xf32, #tpu.memory_space<vmem>>, vector<16xf32>,
      tpu.vector_store_idx %arg11[%get3A_66], %get3A_68 {add = true} : memref<10000xf32, #tpu.memory_space<vmem>>[vector<16xi32>], vector<16xf32>,
      %get3A_69 = arith.constant 32 : index
      %get3A_70 = tpu.vector_load %arg7[%get3A_69] {strides = array<i32>} : memref<80xi32, #tpu.memory_space<vmem>>, vector<16xi32>,
      %get3A_71 = arith.constant 32 : index
      %get3A_72 = tpu.vector_load %arg9[%get3A_71] {strides = array<i32>} : memref<80xf32, #tpu.memory_space<vmem>>, vector<16xf32>,
      tpu.vector_store_idx %arg11[%get3A_70], %get3A_72 {add = true} : memref<10000xf32, #tpu.memory_space<vmem>>[vector<16xi32>], vector<16xf32>,
      %get3A_73 = arith.constant 48 : index
      %get3A_74 = tpu.vector_load %arg7[%get3A_73] {strides = array<i32>} : memref<80xi32, #tpu.memory_space<vmem>>, vector<16xi32>,
      %get3A_75 = arith.constant 48 : index
      %get3A_76 = tpu.vector_load %arg9[%get3A_75] {strides = array<i32>} : memref<80xf32, #tpu.memory_space<vmem>>, vector<16xf32>,
      tpu.vector_store_idx %arg11[%get3A_74], %get3A_76 {add = true} : memref<10000xf32, #tpu.memory_space<vmem>>[vector<16xi32>], vector<16xf32>,
      %get3A_77 = arith.constant 64 : index
      %get3A_78 = tpu.vector_load %arg7[%get3A_77] {strides = array<i32>} : memref<80xi32, #tpu.memory_space<vmem>>, vector<16xi32>,
      %get3A_79 = arith.constant 64 : index
      %get3A_80 = tpu.vector_load %arg9[%get3A_79] {strides = array<i32>} : memref<80xf32, #tpu.memory_space<vmem>>, vector<16xf32>,
      tpu.vector_store_idx %arg11[%get3A_78], %get3A_80 {add = true} : memref<10000xf32, #tpu.memory_space<vmem>>[vector<16xi32>], vector<16xf32>,
    }
    %scan3A_28 = arith.constant 250 : i32
    %barrier3A_29 = arith.constant 0 : index
    tpu.barrier barrier_id(%barrier3A_29)
    %sub3A_30 = arith.constant 125 : i32
    %sub3A_31 = arith.subi %sub3A_30, %arg1 : i32
    %sub3A_32 = arith.constant 16 : i32
    %sub3A_33 = arith.constant 1 : i32
    %sub3A_34 = arith.subi %sub3A_32, %sub3A_33 : i32
    %add3A_35 = arith.addi %sub3A_31, %sub3A_34 : i32
    %div3A_36 = arith.constant 16 : i32
    %div3A_37 = arith.divsi %add3A_35, %div3A_36 : i32
    %while3A_38 = arith.constant 16 : i32
    %while3A_39 = arith.constant 0 : i32
    %while3A_40 = arith.subi %div3A_37, %while3A_39 : i32
    %while3A_41 = arith.addi %while3A_39, %while3A_40 : i32
    %while3A_42 = arith.constant 1 : i32
    %while3A_43 = arith.divsi %while3A_40, %while3A_42 : i32
    %while3A_44 = arith.muli %while3A_43, %while3A_42 : i32
    %while3A_45 = arith.addi %while3A_39, %while3A_44 : i32
    %while3A_46 = arith.constant 1 : i32
    scf.for %while3A_51 = %while3A_39 to %while3A_45 step %while3A_46  : i32 {
      %mul3A_52 = arith.muli %while3A_51, %while3A_38 : i32
      %add3A_53 = arith.addi %arg1, %mul3A_52 : i32
      %mul3A_54 = arith.constant 80 : i32
      %mul3A_55 = arith.muli %add3A_53, %mul3A_54 : i32
      "tpu.region"() ({
        %run_scoped3A_58 = tpu.sem_alloc : memref<!tpu.dma_semaphore, #tpu.memory_space<semaphore_mem>>
        %dma_start3A = arith.constant 0 : i32
        %dma_start3A_59 = tpu.memref_slice %arg12[%mul3A_55, %dma_start3A] : memref<10000x128xf32, #tpu.memory_space<vmem_shared>> -> memref<80x128xf32, #tpu.memory_space<vmem_shared>>
        %dma_start3A_60 = arith.constant 0 : i32
        %dma_start3A_61 = tpu.memref_slice %arg12[%mul3A_55, %dma_start3A_60] : memref<10000x128xf32, #tpu.memory_space<vmem_shared>> -> memref<80x128xf32, #tpu.memory_space<vmem_shared>>
        tpu.enqueue_dma source(%dma_start3A_61 : memref<80x128xf32, #tpu.memory_space<vmem_shared>>) target(%arg10 : memref<80x128xf32, #tpu.memory_space<vmem>>) target_semaphore(%run_scoped3A_58 : memref<!tpu.dma_semaphore, #tpu.memory_space<semaphore_mem>>)
        %dma_wait3A = arith.constant 0 : i32
        %dma_wait3A_62 = tpu.memref_slice %arg12[%mul3A_55, %dma_wait3A] : memref<10000x128xf32, #tpu.memory_space<vmem_shared>> -> memref<80x128xf32, #tpu.memory_space<vmem_shared>>
        %dma_wait3A_63 = arith.constant 0 : i32
        %dma_wait3A_64 = tpu.memref_slice %arg12[%mul3A_55, %dma_wait3A_63] : memref<10000x128xf32, #tpu.memory_space<vmem_shared>> -> memref<80x128xf32, #tpu.memory_space<vmem_shared>>
        tpu.wait_dma2 semaphore(%run_scoped3A_58 : memref<!tpu.dma_semaphore, #tpu.memory_space<semaphore_mem>>) src(%dma_wait3A_64 : memref<80x128xf32, #tpu.memory_space<vmem_shared>>) dst(%arg10 : memref<80x128xf32, #tpu.memory_space<vmem>>)
        tpu.yield
      }) : () -> ()
      %mul3A_56 = arith.constant 80 : i32
      %mul3A_57 = arith.muli %add3A_53, %mul3A_56 : i32
      "tpu.region"() ({
        %run_scoped3A_58 = tpu.sem_alloc : memref<!tpu.dma_semaphore, #tpu.memory_space<semaphore_mem>>
        %dma_start3A = arith.constant 0 : i32
        %dma_start3A_59 = tpu.memref_slice %arg5[%arg0, %mul3A_57, %dma_start3A] : memref<2x10000x128xf32, #tpu.memory_space<hbm>> -> memref<1x80x128xf32, #tpu.memory_space<hbm>>
        %dma_start3A_60 = tpu.memref_squeeze %dma_start3A_59 : memref<1x80x128xf32, #tpu.memory_space<hbm>> -> memref<80x128xf32, #tpu.memory_space<hbm>>
        %dma_start3A_61 = arith.constant 0 : i32
        %dma_start3A_62 = tpu.memref_slice %arg5[%arg0, %mul3A_57, %dma_start3A_61] : memref<2x10000x128xf32, #tpu.memory_space<hbm>> -> memref<1x80x128xf32, #tpu.memory_space<hbm>>
        %dma_start3A_63 = tpu.memref_squeeze %dma_start3A_62 : memref<1x80x128xf32, #tpu.memory_space<hbm>> -> memref<80x128xf32, #tpu.memory_space<hbm>>
        tpu.enqueue_dma source(%arg10 : memref<80x128xf32, #tpu.memory_space<vmem>>) target(%dma_start3A_63 : memref<80x128xf32, #tpu.memory_space<hbm>>) target_semaphore(%run_scoped3A_58 : memref<!tpu.dma_semaphore, #tpu.memory_space<semaphore_mem>>)
        %dma_wait3A = arith.constant 0 : i32
        %dma_wait3A_64 = tpu.memref_slice %arg5[%arg0, %mul3A_57, %dma_wait3A] : memref<2x10000x128xf32, #tpu.memory_space<hbm>> -> memref<1x80x128xf32, #tpu.memory_space<hbm>>
        %dma_wait3A_65 = tpu.memref_squeeze %dma_wait3A_64 : memref<1x80x128xf32, #tpu.memory_space<hbm>> -> memref<80x128xf32, #tpu.memory_space<hbm>>
        %dma_wait3A_66 = arith.constant 0 : i32
        %dma_wait3A_67 = tpu.memref_slice %arg5[%arg0, %mul3A_57, %dma_wait3A_66] : memref<2x10000x128xf32, #tpu.memory_space<hbm>> -> memref<1x80x128xf32, #tpu.memory_space<hbm>>
        %dma_wait3A_68 = tpu.memref_squeeze %dma_wait3A_67 : memref<1x80x128xf32, #tpu.memory_space<hbm>> -> memref<80x128xf32, #tpu.memory_space<hbm>>
        tpu.wait_dma2 semaphore(%run_scoped3A_58 : memref<!tpu.dma_semaphore, #tpu.memory_space<semaphore_mem>>) src(%arg10 : memref<80x128xf32, #tpu.memory_space<vmem>>) dst(%dma_wait3A_68 : memref<80x128xf32, #tpu.memory_space<hbm>>)
        tpu.yield
      }) : () -> ()
    }
    %while3A_47 = arith.constant 1 : i32
    scf.for %while3A_51 = %while3A_45 to %while3A_41 step %while3A_47  : i32 {
      %mul3A_52 = arith.muli %while3A_51, %while3A_38 : i32
      %add3A_53 = arith.addi %arg1, %mul3A_52 : i32
      %mul3A_54 = arith.constant 80 : i32
      %mul3A_55 = arith.muli %add3A_53, %mul3A_54 : i32
      "tpu.region"() ({
        %run_scoped3A_58 = tpu.sem_alloc : memref<!tpu.dma_semaphore, #tpu.memory_space<semaphore_mem>>
        %dma_start3A = arith.constant 0 : i32
        %dma_start3A_59 = tpu.memref_slice %arg12[%mul3A_55, %dma_start3A] : memref<10000x128xf32, #tpu.memory_space<vmem_shared>> -> memref<80x128xf32, #tpu.memory_space<vmem_shared>>
        %dma_start3A_60 = arith.constant 0 : i32
        %dma_start3A_61 = tpu.memref_slice %arg12[%mul3A_55, %dma_start3A_60] : memref<10000x128xf32, #tpu.memory_space<vmem_shared>> -> memref<80x128xf32, #tpu.memory_space<vmem_shared>>
        tpu.enqueue_dma source(%dma_start3A_61 : memref<80x128xf32, #tpu.memory_space<vmem_shared>>) target(%arg10 : memref<80x128xf32, #tpu.memory_space<vmem>>) target_semaphore(%run_scoped3A_58 : memref<!tpu.dma_semaphore, #tpu.memory_space<semaphore_mem>>)
        %dma_wait3A = arith.constant 0 : i32
        %dma_wait3A_62 = tpu.memref_slice %arg12[%mul3A_55, %dma_wait3A] : memref<10000x128xf32, #tpu.memory_space<vmem_shared>> -> memref<80x128xf32, #tpu.memory_space<vmem_shared>>
        %dma_wait3A_63 = arith.constant 0 : i32
        %dma_wait3A_64 = tpu.memref_slice %arg12[%mul3A_55, %dma_wait3A_63] : memref<10000x128xf32, #tpu.memory_space<vmem_shared>> -> memref<80x128xf32, #tpu.memory_space<vmem_shared>>
        tpu.wait_dma2 semaphore(%run_scoped3A_58 : memref<!tpu.dma_semaphore, #tpu.memory_space<semaphore_mem>>) src(%dma_wait3A_64 : memref<80x128xf32, #tpu.memory_space<vmem_shared>>) dst(%arg10 : memref<80x128xf32, #tpu.memory_space<vmem>>)
        tpu.yield
      }) : () -> ()
      %mul3A_56 = arith.constant 80 : i32
      %mul3A_57 = arith.muli %add3A_53, %mul3A_56 : i32
      "tpu.region"() ({
        %run_scoped3A_58 = tpu.sem_alloc : memref<!tpu.dma_semaphore, #tpu.memory_space<semaphore_mem>>
        %dma_start3A = arith.constant 0 : i32
        %dma_start3A_59 = tpu.memref_slice %arg5[%arg0, %mul3A_57, %dma_start3A] : memref<2x10000x128xf32, #tpu.memory_space<hbm>> -> memref<1x80x128xf32, #tpu.memory_space<hbm>>
        %dma_start3A_60 = tpu.memref_squeeze %dma_start3A_59 : memref<1x80x128xf32, #tpu.memory_space<hbm>> -> memref<80x128xf32, #tpu.memory_space<hbm>>
        %dma_start3A_61 = arith.constant 0 : i32
        %dma_start3A_62 = tpu.memref_slice %arg5[%arg0, %mul3A_57, %dma_start3A_61] : memref<2x10000x128xf32, #tpu.memory_space<hbm>> -> memref<1x80x128xf32, #tpu.memory_space<hbm>>
        %dma_start3A_63 = tpu.memref_squeeze %dma_start3A_62 : memref<1x80x128xf32, #tpu.memory_space<hbm>> -> memref<80x128xf32, #tpu.memory_space<hbm>>
        tpu.enqueue_dma source(%arg10 : memref<80x128xf32, #tpu.memory_space<vmem>>) target(%dma_start3A_63 : memref<80x128xf32, #tpu.memory_space<hbm>>) target_semaphore(%run_scoped3A_58 : memref<!tpu.dma_semaphore, #tpu.memory_space<semaphore_mem>>)
        %dma_wait3A = arith.constant 0 : i32
        %dma_wait3A_64 = tpu.memref_slice %arg5[%arg0, %mul3A_57, %dma_wait3A] : memref<2x10000x128xf32, #tpu.memory_space<hbm>> -> memref<1x80x128xf32, #tpu.memory_space<hbm>>
        %dma_wait3A_65 = tpu.memref_squeeze %dma_wait3A_64 : memref<1x80x128xf32, #tpu.memory_space<hbm>> -> memref<80x128xf32, #tpu.memory_space<hbm>>
        %dma_wait3A_66 = arith.constant 0 : i32
        %dma_wait3A_67 = tpu.memref_slice %arg5[%arg0, %mul3A_57, %dma_wait3A_66] : memref<2x10000x128xf32, #tpu.memory_space<hbm>> -> memref<1x80x128xf32, #tpu.memory_space<hbm>>
        %dma_wait3A_68 = tpu.memref_squeeze %dma_wait3A_67 : memref<1x80x128xf32, #tpu.memory_space<hbm>> -> memref<80x128xf32, #tpu.memory_space<hbm>>
        tpu.wait_dma2 semaphore(%run_scoped3A_58 : memref<!tpu.dma_semaphore, #tpu.memory_space<semaphore_mem>>) src(%arg10 : memref<80x128xf32, #tpu.memory_space<vmem>>) dst(%dma_wait3A_68 : memref<80x128xf32, #tpu.memory_space<hbm>>)
        tpu.yield
      }) : () -> ()
    }
    %mul3A_48 = arith.constant 16 : i32
    %mul3A_49 = arith.muli %arg0, %mul3A_48 : i32
    %add3A_50 = arith.addi %mul3A_49, %arg1 : i32
    %run_scoped3A = arith.constant 0 : i32
    "tpu.region"() ({
      %run_scoped3A_51 = tpu.sem_alloc : memref<!tpu.dma_semaphore, #tpu.memory_space<semaphore_mem>>
      %dma_start3A = arith.constant 0 : i32
      %dma_start3A_52 = tpu.memref_slice %arg6[%add3A_50, %run_scoped3A, %dma_start3A] : memref<32x8x10000xf32, #tpu.memory_space<hbm>> -> memref<1x1x10000xf32, #tpu.memory_space<hbm>>
      %dma_start3A_53 = tpu.memref_squeeze %dma_start3A_52 : memref<1x1x10000xf32, #tpu.memory_space<hbm>> -> memref<10000xf32, #tpu.memory_space<hbm>>
      %dma_start3A_54 = arith.constant 0 : i32
      %dma_start3A_55 = tpu.memref_slice %arg6[%add3A_50, %run_scoped3A, %dma_start3A_54] : memref<32x8x10000xf32, #tpu.memory_space<hbm>> -> memref<1x1x10000xf32, #tpu.memory_space<hbm>>
      %dma_start3A_56 = tpu.memref_squeeze %dma_start3A_55 : memref<1x1x10000xf32, #tpu.memory_space<hbm>> -> memref<10000xf32, #tpu.memory_space<hbm>>
      tpu.enqueue_dma source(%arg11 : memref<10000xf32, #tpu.memory_space<vmem>>) target(%dma_start3A_56 : memref<10000xf32, #tpu.memory_space<hbm>>) target_semaphore(%run_scoped3A_51 : memref<!tpu.dma_semaphore, #tpu.memory_space<semaphore_mem>>)
      %dma_wait3A = arith.constant 0 : i32
      %dma_wait3A_57 = tpu.memref_slice %arg6[%add3A_50, %run_scoped3A, %dma_wait3A] : memref<32x8x10000xf32, #tpu.memory_space<hbm>> -> memref<1x1x10000xf32, #tpu.memory_space<hbm>>
      %dma_wait3A_58 = tpu.memref_squeeze %dma_wait3A_57 : memref<1x1x10000xf32, #tpu.memory_space<hbm>> -> memref<10000xf32, #tpu.memory_space<hbm>>
      %dma_wait3A_59 = arith.constant 0 : i32
      %dma_wait3A_60 = tpu.memref_slice %arg6[%add3A_50, %run_scoped3A, %dma_wait3A_59] : memref<32x8x10000xf32, #tpu.memory_space<hbm>> -> memref<1x1x10000xf32, #tpu.memory_space<hbm>>
      %dma_wait3A_61 = tpu.memref_squeeze %dma_wait3A_60 : memref<1x1x10000xf32, #tpu.memory_space<hbm>> -> memref<10000xf32, #tpu.memory_space<hbm>>
      tpu.wait_dma2 semaphore(%run_scoped3A_51 : memref<!tpu.dma_semaphore, #tpu.memory_space<semaphore_mem>>) src(%arg11 : memref<10000xf32, #tpu.memory_space<vmem>>) dst(%dma_wait3A_61 : memref<10000xf32, #tpu.memory_space<hbm>>)
      tpu.yield
    }) : () -> ()
    return
  }
}

#map = affine_map<(d0, d1) -> (0, 0)>
#map1 = affine_map<(d0, d1) -> (0)>
module attributes {stable_mosaic.version = 14 : i64} {
  func.func @run(%arg0: i32, %arg1: i32, %arg2: memref<10000x256xf32, #tpu.memory_space<hbm>>, %arg3: memref<10000x256xf32, #tpu.memory_space<hbm>>, %arg4: memref<320000xi32, #tpu.memory_space<hbm>>, %arg5: memref<320000xi32, #tpu.memory_space<hbm>>, %arg6: memref<320000x256xf32, #tpu.memory_space<hbm>>, %arg7: memref<320000x256xf32, #tpu.memory_space<hbm>>, %arg8: memref<80xi32, #tpu.memory_space<vmem>>, %arg9: memref<80x256xf32, #tpu.memory_space<vmem>>, %arg10: memref<!tpu.dma_semaphore, #tpu.memory_space<semaphore_mem>>) attributes {dimension_semantics = [#tpu.dimension_semantics<core_parallel>, #tpu.dimension_semantics<subcore_parallel>], iteration_bounds = array<i64: 2, 16>, scalar_prefetch = 0 : i64, scratch_operands = 3 : i64, tpu.core_type = #tpu.core_type<sc_vector_subcore>, window_params = [{transform_indices = #map}, {transform_indices = #map}, {transform_indices = #map1}, {transform_indices = #map1}, {transform_indices = #map}, {transform_indices = #map}]} {
    %mul3A = arith.constant 2 : i32
    %mul3A_0 = arith.muli %arg1, %mul3A : i32
    %add3A = arith.addi %mul3A_0, %arg0 : i32
    %mul3A_1 = arith.constant 10000 : i32
    %mul3A_2 = arith.muli %add3A, %mul3A_1 : i32
    %scan3A = arith.constant 0 : i32
    %scan3A_3 = arith.constant 125 : i32
    %scan3A_4 = arith.addi %scan3A, %scan3A_3 : i32
    %scan3A_5 = arith.constant 1 : i32
    scf.for %scan3A_7 = %scan3A to %scan3A_4 step %scan3A_5  : i32 {
      %mul3A_8 = arith.constant 1 : i32
      %mul3A_9 = arith.muli %scan3A_7, %mul3A_8 : i32
      %add3A_10 = arith.constant 0 : i32
      %add3A_11 = arith.addi %add3A_10, %mul3A_9 : i32
      %mul3A_12 = arith.constant 80 : i32
      %mul3A_13 = arith.muli %add3A_11, %mul3A_12 : i32
      %add3A_14 = arith.addi %mul3A_2, %mul3A_13 : i32
      "tpu.region"() ({
        %run_scoped3A = tpu.sem_alloc : memref<!tpu.dma_semaphore, #tpu.memory_space<semaphore_mem>>
        %dma_start3A_25 = tpu.memref_slice %arg4[%add3A_14] : memref<320000xi32, #tpu.memory_space<hbm>> -> memref<80xi32, #tpu.memory_space<hbm>>
        %dma_start3A_26 = tpu.memref_slice %arg4[%add3A_14] : memref<320000xi32, #tpu.memory_space<hbm>> -> memref<80xi32, #tpu.memory_space<hbm>>
        tpu.enqueue_dma source(%dma_start3A_26 : memref<80xi32, #tpu.memory_space<hbm>>) target(%arg8 : memref<80xi32, #tpu.memory_space<vmem>>) target_semaphore(%run_scoped3A : memref<!tpu.dma_semaphore, #tpu.memory_space<semaphore_mem>>)
        %dma_wait3A_27 = tpu.memref_slice %arg4[%add3A_14] : memref<320000xi32, #tpu.memory_space<hbm>> -> memref<80xi32, #tpu.memory_space<hbm>>
        %dma_wait3A_28 = tpu.memref_slice %arg4[%add3A_14] : memref<320000xi32, #tpu.memory_space<hbm>> -> memref<80xi32, #tpu.memory_space<hbm>>
        tpu.wait_dma2 semaphore(%run_scoped3A : memref<!tpu.dma_semaphore, #tpu.memory_space<semaphore_mem>>) src(%dma_wait3A_28 : memref<80xi32, #tpu.memory_space<hbm>>) dst(%arg8 : memref<80xi32, #tpu.memory_space<vmem>>)
        tpu.yield
      }) : () -> ()
      %dma_start3A = arith.constant 0 : i32
      %dma_start3A_15 = arith.constant 0 : i32
      %dma_start3A_16 = tpu.memref_slice %arg2[%dma_start3A, %dma_start3A_15] : memref<10000x256xf32, #tpu.memory_space<hbm>> -> memref<10000x256xf32, #tpu.memory_space<hbm>>
      tpu.enqueue_indirect_dma source(%dma_start3A_16 : memref<10000x256xf32, #tpu.memory_space<hbm>>) target(%arg9 : memref<80x256xf32, #tpu.memory_space<vmem>>) offsets(%arg8 : memref<80xi32, #tpu.memory_space<vmem>>) semaphore(%arg10 : memref<!tpu.dma_semaphore, #tpu.memory_space<semaphore_mem>>)
      %dma_wait3A = arith.constant 0 : i32
      %dma_wait3A_17 = arith.constant 0 : i32
      %dma_wait3A_18 = tpu.memref_slice %arg2[%dma_wait3A, %dma_wait3A_17] : memref<10000x256xf32, #tpu.memory_space<hbm>> -> memref<10000x256xf32, #tpu.memory_space<hbm>>
      tpu.wait_indirect_dma semaphore(%arg10 : memref<!tpu.dma_semaphore, #tpu.memory_space<semaphore_mem>>) src(%dma_wait3A_18 : memref<10000x256xf32, #tpu.memory_space<hbm>>) dst(%arg9 : memref<80x256xf32, #tpu.memory_space<vmem>>)
      "tpu.region"() ({
        %run_scoped3A = tpu.sem_alloc : memref<!tpu.dma_semaphore, #tpu.memory_space<semaphore_mem>>
        %dma_start3A_25 = arith.constant 0 : i32
        %dma_start3A_26 = tpu.memref_slice %arg6[%add3A_14, %dma_start3A_25] : memref<320000x256xf32, #tpu.memory_space<hbm>> -> memref<80x256xf32, #tpu.memory_space<hbm>>
        %dma_start3A_27 = arith.constant 0 : i32
        %dma_start3A_28 = tpu.memref_slice %arg6[%add3A_14, %dma_start3A_27] : memref<320000x256xf32, #tpu.memory_space<hbm>> -> memref<80x256xf32, #tpu.memory_space<hbm>>
        tpu.enqueue_dma source(%arg9 : memref<80x256xf32, #tpu.memory_space<vmem>>) target(%dma_start3A_28 : memref<80x256xf32, #tpu.memory_space<hbm>>) target_semaphore(%run_scoped3A : memref<!tpu.dma_semaphore, #tpu.memory_space<semaphore_mem>>)
        %dma_wait3A_29 = arith.constant 0 : i32
        %dma_wait3A_30 = tpu.memref_slice %arg6[%add3A_14, %dma_wait3A_29] : memref<320000x256xf32, #tpu.memory_space<hbm>> -> memref<80x256xf32, #tpu.memory_space<hbm>>
        %dma_wait3A_31 = arith.constant 0 : i32
        %dma_wait3A_32 = tpu.memref_slice %arg6[%add3A_14, %dma_wait3A_31] : memref<320000x256xf32, #tpu.memory_space<hbm>> -> memref<80x256xf32, #tpu.memory_space<hbm>>
        tpu.wait_dma2 semaphore(%run_scoped3A : memref<!tpu.dma_semaphore, #tpu.memory_space<semaphore_mem>>) src(%arg9 : memref<80x256xf32, #tpu.memory_space<vmem>>) dst(%dma_wait3A_32 : memref<80x256xf32, #tpu.memory_space<hbm>>)
        tpu.yield
      }) : () -> ()
      "tpu.region"() ({
        %run_scoped3A = tpu.sem_alloc : memref<!tpu.dma_semaphore, #tpu.memory_space<semaphore_mem>>
        %dma_start3A_25 = tpu.memref_slice %arg5[%add3A_14] : memref<320000xi32, #tpu.memory_space<hbm>> -> memref<80xi32, #tpu.memory_space<hbm>>
        %dma_start3A_26 = tpu.memref_slice %arg5[%add3A_14] : memref<320000xi32, #tpu.memory_space<hbm>> -> memref<80xi32, #tpu.memory_space<hbm>>
        tpu.enqueue_dma source(%dma_start3A_26 : memref<80xi32, #tpu.memory_space<hbm>>) target(%arg8 : memref<80xi32, #tpu.memory_space<vmem>>) target_semaphore(%run_scoped3A : memref<!tpu.dma_semaphore, #tpu.memory_space<semaphore_mem>>)
        %dma_wait3A_27 = tpu.memref_slice %arg5[%add3A_14] : memref<320000xi32, #tpu.memory_space<hbm>> -> memref<80xi32, #tpu.memory_space<hbm>>
        %dma_wait3A_28 = tpu.memref_slice %arg5[%add3A_14] : memref<320000xi32, #tpu.memory_space<hbm>> -> memref<80xi32, #tpu.memory_space<hbm>>
        tpu.wait_dma2 semaphore(%run_scoped3A : memref<!tpu.dma_semaphore, #tpu.memory_space<semaphore_mem>>) src(%dma_wait3A_28 : memref<80xi32, #tpu.memory_space<hbm>>) dst(%arg8 : memref<80xi32, #tpu.memory_space<vmem>>)
        tpu.yield
      }) : () -> ()
      %dma_start3A_19 = arith.constant 0 : i32
      %dma_start3A_20 = arith.constant 0 : i32
      %dma_start3A_21 = tpu.memref_slice %arg3[%dma_start3A_19, %dma_start3A_20] : memref<10000x256xf32, #tpu.memory_space<hbm>> -> memref<10000x256xf32, #tpu.memory_space<hbm>>
      tpu.enqueue_indirect_dma source(%dma_start3A_21 : memref<10000x256xf32, #tpu.memory_space<hbm>>) target(%arg9 : memref<80x256xf32, #tpu.memory_space<vmem>>) offsets(%arg8 : memref<80xi32, #tpu.memory_space<vmem>>) semaphore(%arg10 : memref<!tpu.dma_semaphore, #tpu.memory_space<semaphore_mem>>)
      %dma_wait3A_22 = arith.constant 0 : i32
      %dma_wait3A_23 = arith.constant 0 : i32
      %dma_wait3A_24 = tpu.memref_slice %arg3[%dma_wait3A_22, %dma_wait3A_23] : memref<10000x256xf32, #tpu.memory_space<hbm>> -> memref<10000x256xf32, #tpu.memory_space<hbm>>
      tpu.wait_indirect_dma semaphore(%arg10 : memref<!tpu.dma_semaphore, #tpu.memory_space<semaphore_mem>>) src(%dma_wait3A_24 : memref<10000x256xf32, #tpu.memory_space<hbm>>) dst(%arg9 : memref<80x256xf32, #tpu.memory_space<vmem>>)
      "tpu.region"() ({
        %run_scoped3A = tpu.sem_alloc : memref<!tpu.dma_semaphore, #tpu.memory_space<semaphore_mem>>
        %dma_start3A_25 = arith.constant 0 : i32
        %dma_start3A_26 = tpu.memref_slice %arg7[%add3A_14, %dma_start3A_25] : memref<320000x256xf32, #tpu.memory_space<hbm>> -> memref<80x256xf32, #tpu.memory_space<hbm>>
        %dma_start3A_27 = arith.constant 0 : i32
        %dma_start3A_28 = tpu.memref_slice %arg7[%add3A_14, %dma_start3A_27] : memref<320000x256xf32, #tpu.memory_space<hbm>> -> memref<80x256xf32, #tpu.memory_space<hbm>>
        tpu.enqueue_dma source(%arg9 : memref<80x256xf32, #tpu.memory_space<vmem>>) target(%dma_start3A_28 : memref<80x256xf32, #tpu.memory_space<hbm>>) target_semaphore(%run_scoped3A : memref<!tpu.dma_semaphore, #tpu.memory_space<semaphore_mem>>)
        %dma_wait3A_29 = arith.constant 0 : i32
        %dma_wait3A_30 = tpu.memref_slice %arg7[%add3A_14, %dma_wait3A_29] : memref<320000x256xf32, #tpu.memory_space<hbm>> -> memref<80x256xf32, #tpu.memory_space<hbm>>
        %dma_wait3A_31 = arith.constant 0 : i32
        %dma_wait3A_32 = tpu.memref_slice %arg7[%add3A_14, %dma_wait3A_31] : memref<320000x256xf32, #tpu.memory_space<hbm>> -> memref<80x256xf32, #tpu.memory_space<hbm>>
        tpu.wait_dma2 semaphore(%run_scoped3A : memref<!tpu.dma_semaphore, #tpu.memory_space<semaphore_mem>>) src(%arg9 : memref<80x256xf32, #tpu.memory_space<vmem>>) dst(%dma_wait3A_32 : memref<80x256xf32, #tpu.memory_space<hbm>>)
        tpu.yield
      }) : () -> ()
    }
    %scan3A_6 = arith.constant 125 : i32
    return
  }
}

#map = affine_map<(d0, d1) -> (0, 0, 0)>
#map1 = affine_map<(d0, d1) -> (0)>
module attributes {stable_mosaic.version = 14 : i64} {
  func.func @run(%arg0: i32, %arg1: i32, %arg2: memref<1x320000x128xf32, #tpu.memory_space<hbm>>, %arg3: memref<320000xf32, #tpu.memory_space<hbm>>, %arg4: memref<320000xi32, #tpu.memory_space<hbm>>, %arg5: memref<2x10000x128xf32, #tpu.memory_space<hbm>>, %arg6: memref<32x8x10000xf32, #tpu.memory_space<hbm>>, %arg7: memref<80xi32, #tpu.memory_space<vmem>>, %arg8: memref<80x128xf32, #tpu.memory_space<vmem>>, %arg9: memref<80xf32, #tpu.memory_space<vmem>>, %arg10: memref<80x128xf32, #tpu.memory_space<vmem>>, %arg11: memref<10000xf32, #tpu.memory_space<vmem>>, %arg12: memref<10000x128xf32, #tpu.memory_space<vmem_shared>>) attributes {dimension_semantics = [#tpu.dimension_semantics<core_parallel>, #tpu.dimension_semantics<subcore_parallel>], iteration_bounds = array<i64: 2, 16>, scalar_prefetch = 0 : i64, scratch_operands = 6 : i64, tpu.core_type = #tpu.core_type<sc_vector_subcore>, window_params = [{transform_indices = #map}, {transform_indices = #map1}, {transform_indices = #map1}, {transform_indices = #map}, {transform_indices = #map}]} {
    %scan3A = arith.constant 0 : i32
    %scan3A_0 = arith.constant 80 : i32
    %scan3A_1 = arith.addi %scan3A, %scan3A_0 : i32
    %scan3A_2 = arith.constant 1 : i32
    scf.for %scan3A_54 = %scan3A to %scan3A_1 step %scan3A_2  : i32 {
      %mul3A_55 = arith.constant 1 : i32
      %mul3A_56 = arith.muli %scan3A_54, %mul3A_55 : i32
      %add3A_57 = arith.constant 0 : i32
      %add3A_58 = arith.addi %add3A_57, %mul3A_56 : i32
      %broadcast_in_dim3A = arith.constant 0.000000e+00 : f32
      %broadcast_in_dim3A_59 = vector.broadcast %broadcast_in_dim3A : f32 to vector<16xf32>
      %swap3A = arith.index_cast %add3A_58 : i32 to index
      %swap3A_60 = arith.constant 0 : index
      %swap3A_61 = tpu.vector_load %arg10[%swap3A, %swap3A_60] {strides = array<i32>} : memref<80x128xf32, #tpu.memory_space<vmem>>, vector<16xf32>,
      tpu.vector_store %arg10[%swap3A, %swap3A_60], %broadcast_in_dim3A_59 {strides = array<i32>} : memref<80x128xf32, #tpu.memory_space<vmem>>, vector<16xf32>,
      %broadcast_in_dim3A_62 = arith.constant 0.000000e+00 : f32
      %broadcast_in_dim3A_63 = vector.broadcast %broadcast_in_dim3A_62 : f32 to vector<16xf32>
      %swap3A_64 = arith.index_cast %add3A_58 : i32 to index
      %swap3A_65 = arith.constant 16 : index
      %swap3A_66 = tpu.vector_load %arg10[%swap3A_64, %swap3A_65] {strides = array<i32>} : memref<80x128xf32, #tpu.memory_space<vmem>>, vector<16xf32>,
      tpu.vector_store %arg10[%swap3A_64, %swap3A_65], %broadcast_in_dim3A_63 {strides = array<i32>} : memref<80x128xf32, #tpu.memory_space<vmem>>, vector<16xf32>,
      %broadcast_in_dim3A_67 = arith.constant 0.000000e+00 : f32
      %broadcast_in_dim3A_68 = vector.broadcast %broadcast_in_dim3A_67 : f32 to vector<16xf32>
      %swap3A_69 = arith.index_cast %add3A_58 : i32 to index
      %swap3A_70 = arith.constant 32 : index
      %swap3A_71 = tpu.vector_load %arg10[%swap3A_69, %swap3A_70] {strides = array<i32>} : memref<80x128xf32, #tpu.memory_space<vmem>>, vector<16xf32>,
      tpu.vector_store %arg10[%swap3A_69, %swap3A_70], %broadcast_in_dim3A_68 {strides = array<i32>} : memref<80x128xf32, #tpu.memory_space<vmem>>, vector<16xf32>,
      %broadcast_in_dim3A_72 = arith.constant 0.000000e+00 : f32
      %broadcast_in_dim3A_73 = vector.broadcast %broadcast_in_dim3A_72 : f32 to vector<16xf32>
      %swap3A_74 = arith.index_cast %add3A_58 : i32 to index
      %swap3A_75 = arith.constant 48 : index
      %swap3A_76 = tpu.vector_load %arg10[%swap3A_74, %swap3A_75] {strides = array<i32>} : memref<80x128xf32, #tpu.memory_space<vmem>>, vector<16xf32>,
      tpu.vector_store %arg10[%swap3A_74, %swap3A_75], %broadcast_in_dim3A_73 {strides = array<i32>} : memref<80x128xf32, #tpu.memory_space<vmem>>, vector<16xf32>,
      %broadcast_in_dim3A_77 = arith.constant 0.000000e+00 : f32
      %broadcast_in_dim3A_78 = vector.broadcast %broadcast_in_dim3A_77 : f32 to vector<16xf32>
      %swap3A_79 = arith.index_cast %add3A_58 : i32 to index
      %swap3A_80 = arith.constant 64 : index
      %swap3A_81 = tpu.vector_load %arg10[%swap3A_79, %swap3A_80] {strides = array<i32>} : memref<80x128xf32, #tpu.memory_space<vmem>>, vector<16xf32>,
      tpu.vector_store %arg10[%swap3A_79, %swap3A_80], %broadcast_in_dim3A_78 {strides = array<i32>} : memref<80x128xf32, #tpu.memory_space<vmem>>, vector<16xf32>,
      %broadcast_in_dim3A_82 = arith.constant 0.000000e+00 : f32
      %broadcast_in_dim3A_83 = vector.broadcast %broadcast_in_dim3A_82 : f32 to vector<16xf32>
      %swap3A_84 = arith.index_cast %add3A_58 : i32 to index
      %swap3A_85 = arith.constant 80 : index
      %swap3A_86 = tpu.vector_load %arg10[%swap3A_84, %swap3A_85] {strides = array<i32>} : memref<80x128xf32, #tpu.memory_space<vmem>>, vector<16xf32>,
      tpu.vector_store %arg10[%swap3A_84, %swap3A_85], %broadcast_in_dim3A_83 {strides = array<i32>} : memref<80x128xf32, #tpu.memory_space<vmem>>, vector<16xf32>,
      %broadcast_in_dim3A_87 = arith.constant 0.000000e+00 : f32
      %broadcast_in_dim3A_88 = vector.broadcast %broadcast_in_dim3A_87 : f32 to vector<16xf32>
      %swap3A_89 = arith.index_cast %add3A_58 : i32 to index
      %swap3A_90 = arith.constant 96 : index
      %swap3A_91 = tpu.vector_load %arg10[%swap3A_89, %swap3A_90] {strides = array<i32>} : memref<80x128xf32, #tpu.memory_space<vmem>>, vector<16xf32>,
      tpu.vector_store %arg10[%swap3A_89, %swap3A_90], %broadcast_in_dim3A_88 {strides = array<i32>} : memref<80x128xf32, #tpu.memory_space<vmem>>, vector<16xf32>,
      %broadcast_in_dim3A_92 = arith.constant 0.000000e+00 : f32
      %broadcast_in_dim3A_93 = vector.broadcast %broadcast_in_dim3A_92 : f32 to vector<16xf32>
      %swap3A_94 = arith.index_cast %add3A_58 : i32 to index
      %swap3A_95 = arith.constant 112 : index
      %swap3A_96 = tpu.vector_load %arg10[%swap3A_94, %swap3A_95] {strides = array<i32>} : memref<80x128xf32, #tpu.memory_space<vmem>>, vector<16xf32>,
      tpu.vector_store %arg10[%swap3A_94, %swap3A_95], %broadcast_in_dim3A_93 {strides = array<i32>} : memref<80x128xf32, #tpu.memory_space<vmem>>, vector<16xf32>,
    }
    %scan3A_3 = arith.constant 80 : i32
    %scan3A_4 = arith.constant 0 : i32
    %scan3A_5 = arith.constant 625 : i32
    %scan3A_6 = arith.addi %scan3A_4, %scan3A_5 : i32
    %scan3A_7 = arith.constant 1 : i32
    scf.for %scan3A_54 = %scan3A_4 to %scan3A_6 step %scan3A_7  : i32 {
      %mul3A_55 = arith.constant 1 : i32
      %mul3A_56 = arith.muli %scan3A_54, %mul3A_55 : i32
      %add3A_57 = arith.constant 0 : i32
      %add3A_58 = arith.addi %add3A_57, %mul3A_56 : i32
      %broadcast_in_dim3A = arith.constant 0.000000e+00 : f32
      %broadcast_in_dim3A_59 = vector.broadcast %broadcast_in_dim3A : f32 to vector<16xf32>
      %mul3A_60 = arith.constant 16 : i32
      %mul3A_61 = arith.muli %add3A_58, %mul3A_60 : i32
      %swap3A = arith.index_cast %mul3A_61 : i32 to index
      %swap3A_62 = tpu.vector_load %arg11[%swap3A] {strides = array<i32>} : memref<10000xf32, #tpu.memory_space<vmem>>, vector<16xf32>,
      tpu.vector_store %arg11[%swap3A], %broadcast_in_dim3A_59 {strides = array<i32>} : memref<10000xf32, #tpu.memory_space<vmem>>, vector<16xf32>,
    }
    %scan3A_8 = arith.constant 625 : i32
    %sub3A = arith.constant 125 : i32
    %sub3A_9 = arith.subi %sub3A, %arg1 : i32
    %sub3A_10 = arith.constant 16 : i32
    %sub3A_11 = arith.constant 1 : i32
    %sub3A_12 = arith.subi %sub3A_10, %sub3A_11 : i32
    %add3A = arith.addi %sub3A_9, %sub3A_12 : i32
    %div3A = arith.constant 16 : i32
    %div3A_13 = arith.divsi %add3A, %div3A : i32
    %while3A = arith.constant 16 : i32
    %while3A_14 = arith.constant 0 : i32
    %while3A_15 = arith.subi %div3A_13, %while3A_14 : i32
    %while3A_16 = arith.addi %while3A_14, %while3A_15 : i32
    %while3A_17 = arith.constant 1 : i32
    %while3A_18 = arith.divsi %while3A_15, %while3A_17 : i32
    %while3A_19 = arith.muli %while3A_18, %while3A_17 : i32
    %while3A_20 = arith.addi %while3A_14, %while3A_19 : i32
    %while3A_21 = arith.constant 1 : i32
    scf.for %while3A_54 = %while3A_14 to %while3A_20 step %while3A_21  : i32 {
      %mul3A_55 = arith.muli %while3A_54, %while3A : i32
      %add3A_56 = arith.addi %arg1, %mul3A_55 : i32
      %mul3A_57 = arith.constant 80 : i32
      %mul3A_58 = arith.muli %add3A_56, %mul3A_57 : i32
      "tpu.region"() ({
        %run_scoped3A_59 = tpu.sem_alloc : memref<!tpu.dma_semaphore, #tpu.memory_space<semaphore_mem>>
        %dma_start3A = arith.constant 0 : i32
        %dma_start3A_60 = tpu.memref_slice %arg12[%mul3A_58, %dma_start3A] : memref<10000x128xf32, #tpu.memory_space<vmem_shared>> -> memref<80x128xf32, #tpu.memory_space<vmem_shared>>
        %dma_start3A_61 = arith.constant 0 : i32
        %dma_start3A_62 = tpu.memref_slice %arg12[%mul3A_58, %dma_start3A_61] : memref<10000x128xf32, #tpu.memory_space<vmem_shared>> -> memref<80x128xf32, #tpu.memory_space<vmem_shared>>
        tpu.enqueue_dma source(%arg10 : memref<80x128xf32, #tpu.memory_space<vmem>>) target(%dma_start3A_62 : memref<80x128xf32, #tpu.memory_space<vmem_shared>>) target_semaphore(%run_scoped3A_59 : memref<!tpu.dma_semaphore, #tpu.memory_space<semaphore_mem>>)
        %dma_wait3A = arith.constant 0 : i32
        %dma_wait3A_63 = tpu.memref_slice %arg12[%mul3A_58, %dma_wait3A] : memref<10000x128xf32, #tpu.memory_space<vmem_shared>> -> memref<80x128xf32, #tpu.memory_space<vmem_shared>>
        %dma_wait3A_64 = arith.constant 0 : i32
        %dma_wait3A_65 = tpu.memref_slice %arg12[%mul3A_58, %dma_wait3A_64] : memref<10000x128xf32, #tpu.memory_space<vmem_shared>> -> memref<80x128xf32, #tpu.memory_space<vmem_shared>>
        tpu.wait_dma2 semaphore(%run_scoped3A_59 : memref<!tpu.dma_semaphore, #tpu.memory_space<semaphore_mem>>) src(%arg10 : memref<80x128xf32, #tpu.memory_space<vmem>>) dst(%dma_wait3A_65 : memref<80x128xf32, #tpu.memory_space<vmem_shared>>)
        tpu.yield
      }) : () -> ()
    }
    %while3A_22 = arith.constant 1 : i32
    scf.for %while3A_54 = %while3A_20 to %while3A_16 step %while3A_22  : i32 {
      %mul3A_55 = arith.muli %while3A_54, %while3A : i32
      %add3A_56 = arith.addi %arg1, %mul3A_55 : i32
      %mul3A_57 = arith.constant 80 : i32
      %mul3A_58 = arith.muli %add3A_56, %mul3A_57 : i32
      "tpu.region"() ({
        %run_scoped3A_59 = tpu.sem_alloc : memref<!tpu.dma_semaphore, #tpu.memory_space<semaphore_mem>>
        %dma_start3A = arith.constant 0 : i32
        %dma_start3A_60 = tpu.memref_slice %arg12[%mul3A_58, %dma_start3A] : memref<10000x128xf32, #tpu.memory_space<vmem_shared>> -> memref<80x128xf32, #tpu.memory_space<vmem_shared>>
        %dma_start3A_61 = arith.constant 0 : i32
        %dma_start3A_62 = tpu.memref_slice %arg12[%mul3A_58, %dma_start3A_61] : memref<10000x128xf32, #tpu.memory_space<vmem_shared>> -> memref<80x128xf32, #tpu.memory_space<vmem_shared>>
        tpu.enqueue_dma source(%arg10 : memref<80x128xf32, #tpu.memory_space<vmem>>) target(%dma_start3A_62 : memref<80x128xf32, #tpu.memory_space<vmem_shared>>) target_semaphore(%run_scoped3A_59 : memref<!tpu.dma_semaphore, #tpu.memory_space<semaphore_mem>>)
        %dma_wait3A = arith.constant 0 : i32
        %dma_wait3A_63 = tpu.memref_slice %arg12[%mul3A_58, %dma_wait3A] : memref<10000x128xf32, #tpu.memory_space<vmem_shared>> -> memref<80x128xf32, #tpu.memory_space<vmem_shared>>
        %dma_wait3A_64 = arith.constant 0 : i32
        %dma_wait3A_65 = tpu.memref_slice %arg12[%mul3A_58, %dma_wait3A_64] : memref<10000x128xf32, #tpu.memory_space<vmem_shared>> -> memref<80x128xf32, #tpu.memory_space<vmem_shared>>
        tpu.wait_dma2 semaphore(%run_scoped3A_59 : memref<!tpu.dma_semaphore, #tpu.memory_space<semaphore_mem>>) src(%arg10 : memref<80x128xf32, #tpu.memory_space<vmem>>) dst(%dma_wait3A_65 : memref<80x128xf32, #tpu.memory_space<vmem_shared>>)
        tpu.yield
      }) : () -> ()
    }
    %barrier3A = arith.constant 0 : index
    tpu.barrier barrier_id(%barrier3A)
    %mul3A = arith.constant 16 : i32
    %mul3A_23 = arith.muli %arg0, %mul3A : i32
    %add3A_24 = arith.addi %mul3A_23, %arg1 : i32
    %mul3A_25 = arith.constant 10000 : i32
    %mul3A_26 = arith.muli %add3A_24, %mul3A_25 : i32
    %scan3A_27 = arith.constant 0 : i32
    %scan3A_28 = arith.constant 125 : i32
    %scan3A_29 = arith.addi %scan3A_27, %scan3A_28 : i32
    %scan3A_30 = arith.constant 1 : i32
    scf.for %scan3A_54 = %scan3A_27 to %scan3A_29 step %scan3A_30  : i32 {
      %mul3A_55 = arith.constant 1 : i32
      %mul3A_56 = arith.muli %scan3A_54, %mul3A_55 : i32
      %add3A_57 = arith.constant 0 : i32
      %add3A_58 = arith.addi %add3A_57, %mul3A_56 : i32
      %mul3A_59 = arith.constant 80 : i32
      %mul3A_60 = arith.muli %add3A_58, %mul3A_59 : i32
      %add3A_61 = arith.addi %mul3A_26, %mul3A_60 : i32
      "tpu.region"() ({
        %run_scoped3A_84 = tpu.sem_alloc : memref<!tpu.dma_semaphore, #tpu.memory_space<semaphore_mem>>
        %dma_start3A = tpu.memref_slice %arg4[%add3A_61] : memref<320000xi32, #tpu.memory_space<hbm>> -> memref<80xi32, #tpu.memory_space<hbm>>
        %dma_start3A_85 = tpu.memref_slice %arg4[%add3A_61] : memref<320000xi32, #tpu.memory_space<hbm>> -> memref<80xi32, #tpu.memory_space<hbm>>
        tpu.enqueue_dma source(%dma_start3A_85 : memref<80xi32, #tpu.memory_space<hbm>>) target(%arg7 : memref<80xi32, #tpu.memory_space<vmem>>) target_semaphore(%run_scoped3A_84 : memref<!tpu.dma_semaphore, #tpu.memory_space<semaphore_mem>>)
        %dma_wait3A = tpu.memref_slice %arg4[%add3A_61] : memref<320000xi32, #tpu.memory_space<hbm>> -> memref<80xi32, #tpu.memory_space<hbm>>
        %dma_wait3A_86 = tpu.memref_slice %arg4[%add3A_61] : memref<320000xi32, #tpu.memory_space<hbm>> -> memref<80xi32, #tpu.memory_space<hbm>>
        tpu.wait_dma2 semaphore(%run_scoped3A_84 : memref<!tpu.dma_semaphore, #tpu.memory_space<semaphore_mem>>) src(%dma_wait3A_86 : memref<80xi32, #tpu.memory_space<hbm>>) dst(%arg7 : memref<80xi32, #tpu.memory_space<vmem>>)
        tpu.yield
      }) : () -> ()
      %run_scoped3A_62 = arith.constant 0 : i32
      "tpu.region"() ({
        %run_scoped3A_84 = tpu.sem_alloc : memref<!tpu.dma_semaphore, #tpu.memory_space<semaphore_mem>>
        %dma_start3A = arith.constant 0 : i32
        %dma_start3A_85 = tpu.memref_slice %arg2[%run_scoped3A_62, %add3A_61, %dma_start3A] : memref<1x320000x128xf32, #tpu.memory_space<hbm>> -> memref<1x80x128xf32, #tpu.memory_space<hbm>>
        %dma_start3A_86 = tpu.memref_squeeze %dma_start3A_85 : memref<1x80x128xf32, #tpu.memory_space<hbm>> -> memref<80x128xf32, #tpu.memory_space<hbm>>
        %dma_start3A_87 = arith.constant 0 : i32
        %dma_start3A_88 = tpu.memref_slice %arg2[%run_scoped3A_62, %add3A_61, %dma_start3A_87] : memref<1x320000x128xf32, #tpu.memory_space<hbm>> -> memref<1x80x128xf32, #tpu.memory_space<hbm>>
        %dma_start3A_89 = tpu.memref_squeeze %dma_start3A_88 : memref<1x80x128xf32, #tpu.memory_space<hbm>> -> memref<80x128xf32, #tpu.memory_space<hbm>>
        tpu.enqueue_dma source(%dma_start3A_89 : memref<80x128xf32, #tpu.memory_space<hbm>>) target(%arg8 : memref<80x128xf32, #tpu.memory_space<vmem>>) target_semaphore(%run_scoped3A_84 : memref<!tpu.dma_semaphore, #tpu.memory_space<semaphore_mem>>)
        %dma_wait3A = arith.constant 0 : i32
        %dma_wait3A_90 = tpu.memref_slice %arg2[%run_scoped3A_62, %add3A_61, %dma_wait3A] : memref<1x320000x128xf32, #tpu.memory_space<hbm>> -> memref<1x80x128xf32, #tpu.memory_space<hbm>>
        %dma_wait3A_91 = tpu.memref_squeeze %dma_wait3A_90 : memref<1x80x128xf32, #tpu.memory_space<hbm>> -> memref<80x128xf32, #tpu.memory_space<hbm>>
        %dma_wait3A_92 = arith.constant 0 : i32
        %dma_wait3A_93 = tpu.memref_slice %arg2[%run_scoped3A_62, %add3A_61, %dma_wait3A_92] : memref<1x320000x128xf32, #tpu.memory_space<hbm>> -> memref<1x80x128xf32, #tpu.memory_space<hbm>>
        %dma_wait3A_94 = tpu.memref_squeeze %dma_wait3A_93 : memref<1x80x128xf32, #tpu.memory_space<hbm>> -> memref<80x128xf32, #tpu.memory_space<hbm>>
        tpu.wait_dma2 semaphore(%run_scoped3A_84 : memref<!tpu.dma_semaphore, #tpu.memory_space<semaphore_mem>>) src(%dma_wait3A_94 : memref<80x128xf32, #tpu.memory_space<hbm>>) dst(%arg8 : memref<80x128xf32, #tpu.memory_space<vmem>>)
        tpu.yield
      }) : () -> ()
      "tpu.region"() ({
        %run_scoped3A_84 = tpu.sem_alloc : memref<!tpu.dma_semaphore, #tpu.memory_space<semaphore_mem>>
        %dma_start3A = arith.constant 0 : i32
        %dma_start3A_85 = arith.constant 0 : i32
        %dma_start3A_86 = tpu.memref_slice %arg12[%dma_start3A, %dma_start3A_85] : memref<10000x128xf32, #tpu.memory_space<vmem_shared>> -> memref<10000x128xf32, #tpu.memory_space<vmem_shared>>
        tpu.enqueue_indirect_dma source(%arg8 : memref<80x128xf32, #tpu.memory_space<vmem>>) target(%dma_start3A_86 : memref<10000x128xf32, #tpu.memory_space<vmem_shared>>) offsets(%arg7 : memref<80xi32, #tpu.memory_space<vmem>>) semaphore(%run_scoped3A_84 : memref<!tpu.dma_semaphore, #tpu.memory_space<semaphore_mem>>) {add = true}
        %dma_wait3A = arith.constant 0 : i32
        %dma_wait3A_87 = arith.constant 0 : i32
        %dma_wait3A_88 = tpu.memref_slice %arg12[%dma_wait3A, %dma_wait3A_87] : memref<10000x128xf32, #tpu.memory_space<vmem_shared>> -> memref<10000x128xf32, #tpu.memory_space<vmem_shared>>
        tpu.wait_indirect_dma semaphore(%run_scoped3A_84 : memref<!tpu.dma_semaphore, #tpu.memory_space<semaphore_mem>>) src(%arg8 : memref<80x128xf32, #tpu.memory_space<vmem>>) dst(%dma_wait3A_88 : memref<10000x128xf32, #tpu.memory_space<vmem_shared>>)
        tpu.yield
      }) : () -> ()
      %add3A_63 = arith.constant 0 : i32
      %add3A_64 = arith.addi %add3A_63, %add3A_61 : i32
      "tpu.region"() ({
        %run_scoped3A_84 = tpu.sem_alloc : memref<!tpu.dma_semaphore, #tpu.memory_space<semaphore_mem>>
        %dma_start3A = tpu.memref_slice %arg3[%add3A_64] : memref<320000xf32, #tpu.memory_space<hbm>> -> memref<80xf32, #tpu.memory_space<hbm>>
        %dma_start3A_85 = tpu.memref_slice %arg3[%add3A_64] : memref<320000xf32, #tpu.memory_space<hbm>> -> memref<80xf32, #tpu.memory_space<hbm>>
        tpu.enqueue_dma source(%dma_start3A_85 : memref<80xf32, #tpu.memory_space<hbm>>) target(%arg9 : memref<80xf32, #tpu.memory_space<vmem>>) target_semaphore(%run_scoped3A_84 : memref<!tpu.dma_semaphore, #tpu.memory_space<semaphore_mem>>)
        %dma_wait3A = tpu.memref_slice %arg3[%add3A_64] : memref<320000xf32, #tpu.memory_space<hbm>> -> memref<80xf32, #tpu.memory_space<hbm>>
        %dma_wait3A_86 = tpu.memref_slice %arg3[%add3A_64] : memref<320000xf32, #tpu.memory_space<hbm>> -> memref<80xf32, #tpu.memory_space<hbm>>
        tpu.wait_dma2 semaphore(%run_scoped3A_84 : memref<!tpu.dma_semaphore, #tpu.memory_space<semaphore_mem>>) src(%dma_wait3A_86 : memref<80xf32, #tpu.memory_space<hbm>>) dst(%arg9 : memref<80xf32, #tpu.memory_space<vmem>>)
        tpu.yield
      }) : () -> ()
      %get3A = arith.constant 0 : index
      %get3A_65 = tpu.vector_load %arg7[%get3A] {strides = array<i32>} : memref<80xi32, #tpu.memory_space<vmem>>, vector<16xi32>,
      %get3A_66 = arith.constant 0 : index
      %get3A_67 = tpu.vector_load %arg9[%get3A_66] {strides = array<i32>} : memref<80xf32, #tpu.memory_space<vmem>>, vector<16xf32>,
      tpu.vector_store_idx %arg11[%get3A_65], %get3A_67 {add = true} : memref<10000xf32, #tpu.memory_space<vmem>>[vector<16xi32>], vector<16xf32>,
      %get3A_68 = arith.constant 16 : index
      %get3A_69 = tpu.vector_load %arg7[%get3A_68] {strides = array<i32>} : memref<80xi32, #tpu.memory_space<vmem>>, vector<16xi32>,
      %get3A_70 = arith.constant 16 : index
      %get3A_71 = tpu.vector_load %arg9[%get3A_70] {strides = array<i32>} : memref<80xf32, #tpu.memory_space<vmem>>, vector<16xf32>,
      tpu.vector_store_idx %arg11[%get3A_69], %get3A_71 {add = true} : memref<10000xf32, #tpu.memory_space<vmem>>[vector<16xi32>], vector<16xf32>,
      %get3A_72 = arith.constant 32 : index
      %get3A_73 = tpu.vector_load %arg7[%get3A_72] {strides = array<i32>} : memref<80xi32, #tpu.memory_space<vmem>>, vector<16xi32>,
      %get3A_74 = arith.constant 32 : index
      %get3A_75 = tpu.vector_load %arg9[%get3A_74] {strides = array<i32>} : memref<80xf32, #tpu.memory_space<vmem>>, vector<16xf32>,
      tpu.vector_store_idx %arg11[%get3A_73], %get3A_75 {add = true} : memref<10000xf32, #tpu.memory_space<vmem>>[vector<16xi32>], vector<16xf32>,
      %get3A_76 = arith.constant 48 : index
      %get3A_77 = tpu.vector_load %arg7[%get3A_76] {strides = array<i32>} : memref<80xi32, #tpu.memory_space<vmem>>, vector<16xi32>,
      %get3A_78 = arith.constant 48 : index
      %get3A_79 = tpu.vector_load %arg9[%get3A_78] {strides = array<i32>} : memref<80xf32, #tpu.memory_space<vmem>>, vector<16xf32>,
      tpu.vector_store_idx %arg11[%get3A_77], %get3A_79 {add = true} : memref<10000xf32, #tpu.memory_space<vmem>>[vector<16xi32>], vector<16xf32>,
      %get3A_80 = arith.constant 64 : index
      %get3A_81 = tpu.vector_load %arg7[%get3A_80] {strides = array<i32>} : memref<80xi32, #tpu.memory_space<vmem>>, vector<16xi32>,
      %get3A_82 = arith.constant 64 : index
      %get3A_83 = tpu.vector_load %arg9[%get3A_82] {strides = array<i32>} : memref<80xf32, #tpu.memory_space<vmem>>, vector<16xf32>,
      tpu.vector_store_idx %arg11[%get3A_81], %get3A_83 {add = true} : memref<10000xf32, #tpu.memory_space<vmem>>[vector<16xi32>], vector<16xf32>,
    }
    %scan3A_31 = arith.constant 125 : i32
    %barrier3A_32 = arith.constant 0 : index
    tpu.barrier barrier_id(%barrier3A_32)
    %sub3A_33 = arith.constant 125 : i32
    %sub3A_34 = arith.subi %sub3A_33, %arg1 : i32
    %sub3A_35 = arith.constant 16 : i32
    %sub3A_36 = arith.constant 1 : i32
    %sub3A_37 = arith.subi %sub3A_35, %sub3A_36 : i32
    %add3A_38 = arith.addi %sub3A_34, %sub3A_37 : i32
    %div3A_39 = arith.constant 16 : i32
    %div3A_40 = arith.divsi %add3A_38, %div3A_39 : i32
    %while3A_41 = arith.constant 16 : i32
    %while3A_42 = arith.constant 0 : i32
    %while3A_43 = arith.subi %div3A_40, %while3A_42 : i32
    %while3A_44 = arith.addi %while3A_42, %while3A_43 : i32
    %while3A_45 = arith.constant 1 : i32
    %while3A_46 = arith.divsi %while3A_43, %while3A_45 : i32
    %while3A_47 = arith.muli %while3A_46, %while3A_45 : i32
    %while3A_48 = arith.addi %while3A_42, %while3A_47 : i32
    %while3A_49 = arith.constant 1 : i32
    scf.for %while3A_54 = %while3A_42 to %while3A_48 step %while3A_49  : i32 {
      %mul3A_55 = arith.muli %while3A_54, %while3A_41 : i32
      %add3A_56 = arith.addi %arg1, %mul3A_55 : i32
      %mul3A_57 = arith.constant 80 : i32
      %mul3A_58 = arith.muli %add3A_56, %mul3A_57 : i32
      "tpu.region"() ({
        %run_scoped3A_61 = tpu.sem_alloc : memref<!tpu.dma_semaphore, #tpu.memory_space<semaphore_mem>>
        %dma_start3A = arith.constant 0 : i32
        %dma_start3A_62 = tpu.memref_slice %arg12[%mul3A_58, %dma_start3A] : memref<10000x128xf32, #tpu.memory_space<vmem_shared>> -> memref<80x128xf32, #tpu.memory_space<vmem_shared>>
        %dma_start3A_63 = arith.constant 0 : i32
        %dma_start3A_64 = tpu.memref_slice %arg12[%mul3A_58, %dma_start3A_63] : memref<10000x128xf32, #tpu.memory_space<vmem_shared>> -> memref<80x128xf32, #tpu.memory_space<vmem_shared>>
        tpu.enqueue_dma source(%dma_start3A_64 : memref<80x128xf32, #tpu.memory_space<vmem_shared>>) target(%arg10 : memref<80x128xf32, #tpu.memory_space<vmem>>) target_semaphore(%run_scoped3A_61 : memref<!tpu.dma_semaphore, #tpu.memory_space<semaphore_mem>>)
        %dma_wait3A = arith.constant 0 : i32
        %dma_wait3A_65 = tpu.memref_slice %arg12[%mul3A_58, %dma_wait3A] : memref<10000x128xf32, #tpu.memory_space<vmem_shared>> -> memref<80x128xf32, #tpu.memory_space<vmem_shared>>
        %dma_wait3A_66 = arith.constant 0 : i32
        %dma_wait3A_67 = tpu.memref_slice %arg12[%mul3A_58, %dma_wait3A_66] : memref<10000x128xf32, #tpu.memory_space<vmem_shared>> -> memref<80x128xf32, #tpu.memory_space<vmem_shared>>
        tpu.wait_dma2 semaphore(%run_scoped3A_61 : memref<!tpu.dma_semaphore, #tpu.memory_space<semaphore_mem>>) src(%dma_wait3A_67 : memref<80x128xf32, #tpu.memory_space<vmem_shared>>) dst(%arg10 : memref<80x128xf32, #tpu.memory_space<vmem>>)
        tpu.yield
      }) : () -> ()
      %mul3A_59 = arith.constant 80 : i32
      %mul3A_60 = arith.muli %add3A_56, %mul3A_59 : i32
      "tpu.region"() ({
        %run_scoped3A_61 = tpu.sem_alloc : memref<!tpu.dma_semaphore, #tpu.memory_space<semaphore_mem>>
        %dma_start3A = arith.constant 0 : i32
        %dma_start3A_62 = tpu.memref_slice %arg5[%arg0, %mul3A_60, %dma_start3A] : memref<2x10000x128xf32, #tpu.memory_space<hbm>> -> memref<1x80x128xf32, #tpu.memory_space<hbm>>
        %dma_start3A_63 = tpu.memref_squeeze %dma_start3A_62 : memref<1x80x128xf32, #tpu.memory_space<hbm>> -> memref<80x128xf32, #tpu.memory_space<hbm>>
        %dma_start3A_64 = arith.constant 0 : i32
        %dma_start3A_65 = tpu.memref_slice %arg5[%arg0, %mul3A_60, %dma_start3A_64] : memref<2x10000x128xf32, #tpu.memory_space<hbm>> -> memref<1x80x128xf32, #tpu.memory_space<hbm>>
        %dma_start3A_66 = tpu.memref_squeeze %dma_start3A_65 : memref<1x80x128xf32, #tpu.memory_space<hbm>> -> memref<80x128xf32, #tpu.memory_space<hbm>>
        tpu.enqueue_dma source(%arg10 : memref<80x128xf32, #tpu.memory_space<vmem>>) target(%dma_start3A_66 : memref<80x128xf32, #tpu.memory_space<hbm>>) target_semaphore(%run_scoped3A_61 : memref<!tpu.dma_semaphore, #tpu.memory_space<semaphore_mem>>)
        %dma_wait3A = arith.constant 0 : i32
        %dma_wait3A_67 = tpu.memref_slice %arg5[%arg0, %mul3A_60, %dma_wait3A] : memref<2x10000x128xf32, #tpu.memory_space<hbm>> -> memref<1x80x128xf32, #tpu.memory_space<hbm>>
        %dma_wait3A_68 = tpu.memref_squeeze %dma_wait3A_67 : memref<1x80x128xf32, #tpu.memory_space<hbm>> -> memref<80x128xf32, #tpu.memory_space<hbm>>
        %dma_wait3A_69 = arith.constant 0 : i32
        %dma_wait3A_70 = tpu.memref_slice %arg5[%arg0, %mul3A_60, %dma_wait3A_69] : memref<2x10000x128xf32, #tpu.memory_space<hbm>> -> memref<1x80x128xf32, #tpu.memory_space<hbm>>
        %dma_wait3A_71 = tpu.memref_squeeze %dma_wait3A_70 : memref<1x80x128xf32, #tpu.memory_space<hbm>> -> memref<80x128xf32, #tpu.memory_space<hbm>>
        tpu.wait_dma2 semaphore(%run_scoped3A_61 : memref<!tpu.dma_semaphore, #tpu.memory_space<semaphore_mem>>) src(%arg10 : memref<80x128xf32, #tpu.memory_space<vmem>>) dst(%dma_wait3A_71 : memref<80x128xf32, #tpu.memory_space<hbm>>)
        tpu.yield
      }) : () -> ()
    }
    %while3A_50 = arith.constant 1 : i32
    scf.for %while3A_54 = %while3A_48 to %while3A_44 step %while3A_50  : i32 {
      %mul3A_55 = arith.muli %while3A_54, %while3A_41 : i32
      %add3A_56 = arith.addi %arg1, %mul3A_55 : i32
      %mul3A_57 = arith.constant 80 : i32
      %mul3A_58 = arith.muli %add3A_56, %mul3A_57 : i32
      "tpu.region"() ({
        %run_scoped3A_61 = tpu.sem_alloc : memref<!tpu.dma_semaphore, #tpu.memory_space<semaphore_mem>>
        %dma_start3A = arith.constant 0 : i32
        %dma_start3A_62 = tpu.memref_slice %arg12[%mul3A_58, %dma_start3A] : memref<10000x128xf32, #tpu.memory_space<vmem_shared>> -> memref<80x128xf32, #tpu.memory_space<vmem_shared>>
        %dma_start3A_63 = arith.constant 0 : i32
        %dma_start3A_64 = tpu.memref_slice %arg12[%mul3A_58, %dma_start3A_63] : memref<10000x128xf32, #tpu.memory_space<vmem_shared>> -> memref<80x128xf32, #tpu.memory_space<vmem_shared>>
        tpu.enqueue_dma source(%dma_start3A_64 : memref<80x128xf32, #tpu.memory_space<vmem_shared>>) target(%arg10 : memref<80x128xf32, #tpu.memory_space<vmem>>) target_semaphore(%run_scoped3A_61 : memref<!tpu.dma_semaphore, #tpu.memory_space<semaphore_mem>>)
        %dma_wait3A = arith.constant 0 : i32
        %dma_wait3A_65 = tpu.memref_slice %arg12[%mul3A_58, %dma_wait3A] : memref<10000x128xf32, #tpu.memory_space<vmem_shared>> -> memref<80x128xf32, #tpu.memory_space<vmem_shared>>
        %dma_wait3A_66 = arith.constant 0 : i32
        %dma_wait3A_67 = tpu.memref_slice %arg12[%mul3A_58, %dma_wait3A_66] : memref<10000x128xf32, #tpu.memory_space<vmem_shared>> -> memref<80x128xf32, #tpu.memory_space<vmem_shared>>
        tpu.wait_dma2 semaphore(%run_scoped3A_61 : memref<!tpu.dma_semaphore, #tpu.memory_space<semaphore_mem>>) src(%dma_wait3A_67 : memref<80x128xf32, #tpu.memory_space<vmem_shared>>) dst(%arg10 : memref<80x128xf32, #tpu.memory_space<vmem>>)
        tpu.yield
      }) : () -> ()
      %mul3A_59 = arith.constant 80 : i32
      %mul3A_60 = arith.muli %add3A_56, %mul3A_59 : i32
      "tpu.region"() ({
        %run_scoped3A_61 = tpu.sem_alloc : memref<!tpu.dma_semaphore, #tpu.memory_space<semaphore_mem>>
        %dma_start3A = arith.constant 0 : i32
        %dma_start3A_62 = tpu.memref_slice %arg5[%arg0, %mul3A_60, %dma_start3A] : memref<2x10000x128xf32, #tpu.memory_space<hbm>> -> memref<1x80x128xf32, #tpu.memory_space<hbm>>
        %dma_start3A_63 = tpu.memref_squeeze %dma_start3A_62 : memref<1x80x128xf32, #tpu.memory_space<hbm>> -> memref<80x128xf32, #tpu.memory_space<hbm>>
        %dma_start3A_64 = arith.constant 0 : i32
        %dma_start3A_65 = tpu.memref_slice %arg5[%arg0, %mul3A_60, %dma_start3A_64] : memref<2x10000x128xf32, #tpu.memory_space<hbm>> -> memref<1x80x128xf32, #tpu.memory_space<hbm>>
        %dma_start3A_66 = tpu.memref_squeeze %dma_start3A_65 : memref<1x80x128xf32, #tpu.memory_space<hbm>> -> memref<80x128xf32, #tpu.memory_space<hbm>>
        tpu.enqueue_dma source(%arg10 : memref<80x128xf32, #tpu.memory_space<vmem>>) target(%dma_start3A_66 : memref<80x128xf32, #tpu.memory_space<hbm>>) target_semaphore(%run_scoped3A_61 : memref<!tpu.dma_semaphore, #tpu.memory_space<semaphore_mem>>)
        %dma_wait3A = arith.constant 0 : i32
        %dma_wait3A_67 = tpu.memref_slice %arg5[%arg0, %mul3A_60, %dma_wait3A] : memref<2x10000x128xf32, #tpu.memory_space<hbm>> -> memref<1x80x128xf32, #tpu.memory_space<hbm>>
        %dma_wait3A_68 = tpu.memref_squeeze %dma_wait3A_67 : memref<1x80x128xf32, #tpu.memory_space<hbm>> -> memref<80x128xf32, #tpu.memory_space<hbm>>
        %dma_wait3A_69 = arith.constant 0 : i32
        %dma_wait3A_70 = tpu.memref_slice %arg5[%arg0, %mul3A_60, %dma_wait3A_69] : memref<2x10000x128xf32, #tpu.memory_space<hbm>> -> memref<1x80x128xf32, #tpu.memory_space<hbm>>
        %dma_wait3A_71 = tpu.memref_squeeze %dma_wait3A_70 : memref<1x80x128xf32, #tpu.memory_space<hbm>> -> memref<80x128xf32, #tpu.memory_space<hbm>>
        tpu.wait_dma2 semaphore(%run_scoped3A_61 : memref<!tpu.dma_semaphore, #tpu.memory_space<semaphore_mem>>) src(%arg10 : memref<80x128xf32, #tpu.memory_space<vmem>>) dst(%dma_wait3A_71 : memref<80x128xf32, #tpu.memory_space<hbm>>)
        tpu.yield
      }) : () -> ()
    }
    %mul3A_51 = arith.constant 16 : i32
    %mul3A_52 = arith.muli %arg0, %mul3A_51 : i32
    %add3A_53 = arith.addi %mul3A_52, %arg1 : i32
    %run_scoped3A = arith.constant 0 : i32
    "tpu.region"() ({
      %run_scoped3A_54 = tpu.sem_alloc : memref<!tpu.dma_semaphore, #tpu.memory_space<semaphore_mem>>
      %dma_start3A = arith.constant 0 : i32
      %dma_start3A_55 = tpu.memref_slice %arg6[%add3A_53, %run_scoped3A, %dma_start3A] : memref<32x8x10000xf32, #tpu.memory_space<hbm>> -> memref<1x1x10000xf32, #tpu.memory_space<hbm>>
      %dma_start3A_56 = tpu.memref_squeeze %dma_start3A_55 : memref<1x1x10000xf32, #tpu.memory_space<hbm>> -> memref<10000xf32, #tpu.memory_space<hbm>>
      %dma_start3A_57 = arith.constant 0 : i32
      %dma_start3A_58 = tpu.memref_slice %arg6[%add3A_53, %run_scoped3A, %dma_start3A_57] : memref<32x8x10000xf32, #tpu.memory_space<hbm>> -> memref<1x1x10000xf32, #tpu.memory_space<hbm>>
      %dma_start3A_59 = tpu.memref_squeeze %dma_start3A_58 : memref<1x1x10000xf32, #tpu.memory_space<hbm>> -> memref<10000xf32, #tpu.memory_space<hbm>>
      tpu.enqueue_dma source(%arg11 : memref<10000xf32, #tpu.memory_space<vmem>>) target(%dma_start3A_59 : memref<10000xf32, #tpu.memory_space<hbm>>) target_semaphore(%run_scoped3A_54 : memref<!tpu.dma_semaphore, #tpu.memory_space<semaphore_mem>>)
      %dma_wait3A = arith.constant 0 : i32
      %dma_wait3A_60 = tpu.memref_slice %arg6[%add3A_53, %run_scoped3A, %dma_wait3A] : memref<32x8x10000xf32, #tpu.memory_space<hbm>> -> memref<1x1x10000xf32, #tpu.memory_space<hbm>>
      %dma_wait3A_61 = tpu.memref_squeeze %dma_wait3A_60 : memref<1x1x10000xf32, #tpu.memory_space<hbm>> -> memref<10000xf32, #tpu.memory_space<hbm>>
      %dma_wait3A_62 = arith.constant 0 : i32
      %dma_wait3A_63 = tpu.memref_slice %arg6[%add3A_53, %run_scoped3A, %dma_wait3A_62] : memref<32x8x10000xf32, #tpu.memory_space<hbm>> -> memref<1x1x10000xf32, #tpu.memory_space<hbm>>
      %dma_wait3A_64 = tpu.memref_squeeze %dma_wait3A_63 : memref<1x1x10000xf32, #tpu.memory_space<hbm>> -> memref<10000xf32, #tpu.memory_space<hbm>>
      tpu.wait_dma2 semaphore(%run_scoped3A_54 : memref<!tpu.dma_semaphore, #tpu.memory_space<semaphore_mem>>) src(%arg11 : memref<10000xf32, #tpu.memory_space<vmem>>) dst(%dma_wait3A_64 : memref<10000xf32, #tpu.memory_space<hbm>>)
      tpu.yield
    }) : () -> ()
    return
  }
}

module attributes {stable_mosaic.version = 14 : i64} {
  func.func @body(%arg0: i32, %arg1: memref<2048x256xf32, #tpu.memory_space<vmem>>, %arg2: memref<2048x256xf32, #tpu.memory_space<vmem>>, %arg3: memref<2048x1xf32, #tpu.memory_space<vmem>>, %arg4: memref<1x256xf32, #tpu.memory_space<vmem>>, %arg5: memref<1x256xf32, #tpu.memory_space<vmem>>, %arg6: memref<2x2048x128xf32, #tpu.memory_space<vmem>>, %arg7: memref<2048xf32, #tpu.memory_space<vmem>>, %arg8: memref<2048xf32, #tpu.memory_space<vmem>>) attributes {dimension_semantics = [#tpu.dimension_semantics<arbitrary>], iteration_bounds = array<i64: 157>, scalar_prefetch = 0 : i64, scratch_operands = 0 : i64, tpu.core_type = #tpu.core_type<tc>, window_params = [{transform_indices = @transform_0, window_bounds = array<i64: 2048, 256>}, {transform_indices = @transform_1, window_bounds = array<i64: 2048, 256>}, {transform_indices = @transform_2, window_bounds = array<i64: 2048, 1>}, {pipeline_mode = #tpu.pipeline_mode<synchronous>, transform_indices = @transform_3, window_bounds = array<i64: 1, 256>}, {pipeline_mode = #tpu.pipeline_mode<synchronous>, transform_indices = @transform_4, window_bounds = array<i64: 1, 256>}, {transform_indices = @transform_5, window_bounds = array<i64: 2, 2048, 128>}, {transform_indices = @transform_6, window_bounds = array<i64: 2048>}, {transform_indices = @transform_7, window_bounds = array<i64: 2048>}]} {
    %get3A = arith.constant 0 : index
    %get3A_0 = arith.constant 0 : index
    %get3A_1 = vector.load %arg1[%get3A, %get3A_0] : memref<2048x256xf32, #tpu.memory_space<vmem>>, vector<2048x256xf32>
    %get3A_2 = arith.constant 0 : index
    %get3A_3 = arith.constant 0 : index
    %get3A_4 = vector.load %arg2[%get3A_2, %get3A_3] : memref<2048x256xf32, #tpu.memory_space<vmem>>, vector<2048x256xf32>
    %add3A = arith.addf %get3A_1, %get3A_4 : vector<2048x256xf32>
    %get3A_5 = arith.constant 0 : index
    %get3A_6 = arith.constant 0 : index
    %get3A_7 = vector.load %arg3[%get3A_5, %get3A_6] : memref<2048x1xf32, #tpu.memory_space<vmem>>, vector<2048x1xf32>
    %get3A_8 = arith.constant 0 : index
    %get3A_9 = arith.constant 0 : index
    %get3A_10 = vector.load %arg4[%get3A_8, %get3A_9] : memref<1x256xf32, #tpu.memory_space<vmem>>, vector<1x256xf32>
    %mul3A = vector.broadcast %get3A_7 : vector<2048x1xf32> to vector<2048x256xf32>
    %mul3A_11 = vector.broadcast %get3A_10 : vector<1x256xf32> to vector<2048x256xf32>
    %mul3A_12 = arith.mulf %mul3A, %mul3A_11 : vector<2048x256xf32>
    %add3A_13 = arith.addf %add3A, %mul3A_12 : vector<2048x256xf32>
    %gt3A = arith.constant 0.000000e+00 : f32
    %gt3A_14 = vector.broadcast %gt3A : f32 to vector<2048x256xf32>
    %gt3A_15 = arith.cmpf ogt, %add3A_13, %gt3A_14 : vector<2048x256xf32>
    %mul3A_16 = arith.constant 2.000000e-01 : f32
    %mul3A_17 = vector.broadcast %mul3A_16 : f32 to vector<2048x256xf32>
    %mul3A_18 = arith.mulf %mul3A_17, %add3A_13 : vector<2048x256xf32>
    %select_n3A = arith.select %gt3A_15, %add3A_13, %mul3A_18 : vector<2048x256xi1>, vector<2048x256xf32>
    %get3A_19 = arith.constant 0 : index
    %get3A_20 = arith.constant 0 : index
    %get3A_21 = vector.load %arg5[%get3A_19, %get3A_20] : memref<1x256xf32, #tpu.memory_space<vmem>>, vector<1x256xf32>
    %mul3A_22 = vector.broadcast %get3A_21 : vector<1x256xf32> to vector<2048x256xf32>
    %mul3A_23 = arith.mulf %select_n3A, %mul3A_22 : vector<2048x256xf32>
    %slice3A = vector.extract_strided_slice %mul3A_23 {offsets = [0, 0], sizes = [2048, 128], strides = [1, 1]} : vector<2048x256xf32> to vector<2048x128xf32>
    %reduce_sum3A = arith.constant dense<0.000000e+00> : vector<2048xf32>
    %reduce_sum3A_24 = vector.multi_reduction <add>, %slice3A, %reduce_sum3A [1] : vector<2048x128xf32> to vector<2048xf32>
    %broadcast_in_dim3A = vector.shape_cast %reduce_sum3A_24 : vector<2048xf32> to vector<2048x1xf32>
    %get3A_25 = arith.constant 0 : index
    %get3A_26 = arith.constant 0 : index
    %get3A_27 = vector.load %arg1[%get3A_25, %get3A_26] : memref<2048x256xf32, #tpu.memory_space<vmem>>, vector<2048x128xf32>
    %exp3A = math.exp %broadcast_in_dim3A : vector<2048x1xf32>
    %mul3A_28 = vector.broadcast %exp3A : vector<2048x1xf32> to vector<2048x128xf32>
    %mul3A_29 = arith.mulf %get3A_27, %mul3A_28 : vector<2048x128xf32>
    %swap3A = arith.constant 0 : index
    %swap3A_30 = arith.constant 0 : index
    %swap3A_31 = arith.constant 0 : index
    %swap3A_32 = vector.load %arg6[%swap3A, %swap3A_30, %swap3A_31] : memref<2x2048x128xf32, #tpu.memory_space<vmem>>, vector<1x2048x128xf32>
    %swap3A_33 = vector.shape_cast %swap3A_32 : vector<1x2048x128xf32> to vector<2048x128xf32>
    %swap3A_34 = vector.shape_cast %mul3A_29 : vector<2048x128xf32> to vector<1x2048x128xf32>
    tpu.vector_store %arg6[%swap3A, %swap3A_30, %swap3A_31], %swap3A_34 {strides = array<i32>} : memref<2x2048x128xf32, #tpu.memory_space<vmem>>, vector<1x2048x128xf32>,
    %slice3A_35 = vector.extract_strided_slice %mul3A_23 {offsets = [0, 0], sizes = [2048, 128], strides = [1, 1]} : vector<2048x256xf32> to vector<2048x128xf32>
    %reduce_sum3A_36 = arith.constant dense<0.000000e+00> : vector<2048xf32>
    %reduce_sum3A_37 = vector.multi_reduction <add>, %slice3A_35, %reduce_sum3A_36 [1] : vector<2048x128xf32> to vector<2048xf32>
    %exp3A_38 = math.exp %reduce_sum3A_37 : vector<2048xf32>
    %swap3A_39 = arith.constant 0 : index
    %swap3A_40 = vector.load %arg7[%swap3A_39] : memref<2048xf32, #tpu.memory_space<vmem>>, vector<2048xf32>
    tpu.vector_store %arg7[%swap3A_39], %exp3A_38 {strides = array<i32>} : memref<2048xf32, #tpu.memory_space<vmem>>, vector<2048xf32>,
    %slice3A_41 = vector.extract_strided_slice %mul3A_23 {offsets = [0, 128], sizes = [2048, 128], strides = [1, 1]} : vector<2048x256xf32> to vector<2048x128xf32>
    %reduce_sum3A_42 = arith.constant dense<0.000000e+00> : vector<2048xf32>
    %reduce_sum3A_43 = vector.multi_reduction <add>, %slice3A_41, %reduce_sum3A_42 [1] : vector<2048x128xf32> to vector<2048xf32>
    %broadcast_in_dim3A_44 = vector.shape_cast %reduce_sum3A_43 : vector<2048xf32> to vector<2048x1xf32>
    %get3A_45 = arith.constant 0 : index
    %get3A_46 = arith.constant 128 : index
    %get3A_47 = vector.load %arg1[%get3A_45, %get3A_46] : memref<2048x256xf32, #tpu.memory_space<vmem>>, vector<2048x128xf32>
    %exp3A_48 = math.exp %broadcast_in_dim3A_44 : vector<2048x1xf32>
    %mul3A_49 = vector.broadcast %exp3A_48 : vector<2048x1xf32> to vector<2048x128xf32>
    %mul3A_50 = arith.mulf %get3A_47, %mul3A_49 : vector<2048x128xf32>
    %swap3A_51 = arith.constant 1 : index
    %swap3A_52 = arith.constant 0 : index
    %swap3A_53 = arith.constant 0 : index
    %swap3A_54 = vector.load %arg6[%swap3A_51, %swap3A_52, %swap3A_53] : memref<2x2048x128xf32, #tpu.memory_space<vmem>>, vector<1x2048x128xf32>
    %swap3A_55 = vector.shape_cast %swap3A_54 : vector<1x2048x128xf32> to vector<2048x128xf32>
    %swap3A_56 = vector.shape_cast %mul3A_50 : vector<2048x128xf32> to vector<1x2048x128xf32>
    tpu.vector_store %arg6[%swap3A_51, %swap3A_52, %swap3A_53], %swap3A_56 {strides = array<i32>} : memref<2x2048x128xf32, #tpu.memory_space<vmem>>, vector<1x2048x128xf32>,
    %slice3A_57 = vector.extract_strided_slice %mul3A_23 {offsets = [0, 128], sizes = [2048, 128], strides = [1, 1]} : vector<2048x256xf32> to vector<2048x128xf32>
    %reduce_sum3A_58 = arith.constant dense<0.000000e+00> : vector<2048xf32>
    %reduce_sum3A_59 = vector.multi_reduction <add>, %slice3A_57, %reduce_sum3A_58 [1] : vector<2048x128xf32> to vector<2048xf32>
    %exp3A_60 = math.exp %reduce_sum3A_59 : vector<2048xf32>
    %swap3A_61 = arith.constant 0 : index
    %swap3A_62 = vector.load %arg8[%swap3A_61] : memref<2048xf32, #tpu.memory_space<vmem>>, vector<2048xf32>
    tpu.vector_store %arg8[%swap3A_61], %exp3A_60 {strides = array<i32>} : memref<2048xf32, #tpu.memory_space<vmem>>, vector<2048xf32>,
    return
  }
  func.func @transform_0(%arg0: i32) -> (i32, i32) {
    %c0_i32 = arith.constant 0 : i32
    %c0_i32_0 = arith.constant 0 : i32
    return %arg0, %c0_i32 : i32, i32
  }
  func.func @transform_1(%arg0: i32) -> (i32, i32) {
    %c0_i32 = arith.constant 0 : i32
    %c0_i32_0 = arith.constant 0 : i32
    return %arg0, %c0_i32 : i32, i32
  }
  func.func @transform_2(%arg0: i32) -> (i32, i32) {
    %c0_i32 = arith.constant 0 : i32
    %c0_i32_0 = arith.constant 0 : i32
    return %arg0, %c0_i32 : i32, i32
  }
  func.func @transform_3(%arg0: i32) -> (i32, i32) {
    %c0_i32 = arith.constant 0 : i32
    %c0_i32_0 = arith.constant 0 : i32
    %c0_i32_1 = arith.constant 0 : i32
    return %c0_i32, %c0_i32_0 : i32, i32
  }
  func.func @transform_4(%arg0: i32) -> (i32, i32) {
    %c0_i32 = arith.constant 0 : i32
    %c0_i32_0 = arith.constant 0 : i32
    %c0_i32_1 = arith.constant 0 : i32
    return %c0_i32, %c0_i32_0 : i32, i32
  }
  func.func @transform_5(%arg0: i32) -> (i32, i32, i32) {
    %c0_i32 = arith.constant 0 : i32
    %c0_i32_0 = arith.constant 0 : i32
    %c0_i32_1 = arith.constant 0 : i32
    return %c0_i32, %arg0, %c0_i32_0 : i32, i32, i32
  }
  func.func @transform_6(%arg0: i32) -> i32 {
    %c0_i32 = arith.constant 0 : i32
    return %arg0 : i32
  }
  func.func @transform_7(%arg0: i32) -> i32 {
    %c0_i32 = arith.constant 0 : i32
    return %arg0 : i32
  }
}

module attributes {stable_mosaic.version = 14 : i64} {
  func.func @body(%arg0: i32, %arg1: memref<1000x128xf32, #tpu.memory_space<vmem>>, %arg2: memref<128x256xf32, #tpu.memory_space<vmem>>, %arg3: memref<1x256xf32, #tpu.memory_space<vmem>>, %arg4: memref<128x256xf32, #tpu.memory_space<vmem>>, %arg5: memref<1x256xf32, #tpu.memory_space<vmem>>, %arg6: memref<1000x256xf32, #tpu.memory_space<vmem>>, %arg7: memref<1000x256xf32, #tpu.memory_space<vmem>>) attributes {dimension_semantics = [#tpu.dimension_semantics<arbitrary>], iteration_bounds = array<i64: 10>, scalar_prefetch = 0 : i64, scratch_operands = 0 : i64, tpu.core_type = #tpu.core_type<tc>, window_params = [{transform_indices = @transform_0, window_bounds = array<i64: 1000, 128>}, {pipeline_mode = #tpu.pipeline_mode<synchronous>, transform_indices = @transform_1, window_bounds = array<i64: 128, 256>}, {pipeline_mode = #tpu.pipeline_mode<synchronous>, transform_indices = @transform_2, window_bounds = array<i64: 1, 256>}, {pipeline_mode = #tpu.pipeline_mode<synchronous>, transform_indices = @transform_3, window_bounds = array<i64: 128, 256>}, {pipeline_mode = #tpu.pipeline_mode<synchronous>, transform_indices = @transform_4, window_bounds = array<i64: 1, 256>}, {transform_indices = @transform_5, window_bounds = array<i64: 1000, 256>}, {transform_indices = @transform_6, window_bounds = array<i64: 1000, 256>}]} {
    %get3A = arith.constant 0 : index
    %get3A_0 = arith.constant 0 : index
    %get3A_1 = vector.load %arg1[%get3A, %get3A_0] : memref<1000x128xf32, #tpu.memory_space<vmem>>, vector<1000x128xf32>
    %get3A_2 = arith.constant 0 : index
    %get3A_3 = arith.constant 0 : index
    %get3A_4 = vector.load %arg2[%get3A_2, %get3A_3] : memref<128x256xf32, #tpu.memory_space<vmem>>, vector<128x256xf32>
    %dot_general3A = arith.constant dense<0.000000e+00> : vector<1000x256xf32>
    %dot_general3A_5 = tpu.matmul %get3A_1, %get3A_4, %dot_general3A {dimension_numbers = #tpu.dot_dimension_numbers<[1], [0], [0], [1], [0, 0, 1, 1], [], []>, transpose_lhs_hint = false} : vector<1000x128xf32>, vector<128x256xf32>, vector<1000x256xf32> -> vector<1000x256xf32>
    %get3A_6 = arith.constant 0 : index
    %get3A_7 = arith.constant 0 : index
    %get3A_8 = vector.load %arg3[%get3A_6, %get3A_7] : memref<1x256xf32, #tpu.memory_space<vmem>>, vector<1x256xf32>
    %add3A = vector.broadcast %get3A_8 : vector<1x256xf32> to vector<1000x256xf32>
    %add3A_9 = arith.addf %dot_general3A_5, %add3A : vector<1000x256xf32>
    %swap3A = arith.constant 0 : index
    %swap3A_10 = arith.constant 0 : index
    %swap3A_11 = vector.load %arg6[%swap3A, %swap3A_10] : memref<1000x256xf32, #tpu.memory_space<vmem>>, vector<1000x256xf32>
    tpu.vector_store %arg6[%swap3A, %swap3A_10], %add3A_9 {strides = array<i32>} : memref<1000x256xf32, #tpu.memory_space<vmem>>, vector<1000x256xf32>,
    %get3A_12 = arith.constant 0 : index
    %get3A_13 = arith.constant 0 : index
    %get3A_14 = vector.load %arg4[%get3A_12, %get3A_13] : memref<128x256xf32, #tpu.memory_space<vmem>>, vector<128x256xf32>
    %dot_general3A_15 = arith.constant dense<0.000000e+00> : vector<1000x256xf32>
    %dot_general3A_16 = tpu.matmul %get3A_1, %get3A_14, %dot_general3A_15 {dimension_numbers = #tpu.dot_dimension_numbers<[1], [0], [0], [1], [0, 0, 1, 1], [], []>, transpose_lhs_hint = false} : vector<1000x128xf32>, vector<128x256xf32>, vector<1000x256xf32> -> vector<1000x256xf32>
    %get3A_17 = arith.constant 0 : index
    %get3A_18 = arith.constant 0 : index
    %get3A_19 = vector.load %arg5[%get3A_17, %get3A_18] : memref<1x256xf32, #tpu.memory_space<vmem>>, vector<1x256xf32>
    %add3A_20 = vector.broadcast %get3A_19 : vector<1x256xf32> to vector<1000x256xf32>
    %add3A_21 = arith.addf %dot_general3A_16, %add3A_20 : vector<1000x256xf32>
    %swap3A_22 = arith.constant 0 : index
    %swap3A_23 = arith.constant 0 : index
    %swap3A_24 = vector.load %arg7[%swap3A_22, %swap3A_23] : memref<1000x256xf32, #tpu.memory_space<vmem>>, vector<1000x256xf32>
    tpu.vector_store %arg7[%swap3A_22, %swap3A_23], %add3A_21 {strides = array<i32>} : memref<1000x256xf32, #tpu.memory_space<vmem>>, vector<1000x256xf32>,
    return
  }
  func.func @transform_0(%arg0: i32) -> (i32, i32) {
    %c0_i32 = arith.constant 0 : i32
    %c0_i32_0 = arith.constant 0 : i32
    return %arg0, %c0_i32 : i32, i32
  }
  func.func @transform_1(%arg0: i32) -> (i32, i32) {
    %c0_i32 = arith.constant 0 : i32
    %c0_i32_0 = arith.constant 0 : i32
    %c0_i32_1 = arith.constant 0 : i32
    return %c0_i32, %c0_i32_0 : i32, i32
  }
  func.func @transform_2(%arg0: i32) -> (i32, i32) {
    %c0_i32 = arith.constant 0 : i32
    %c0_i32_0 = arith.constant 0 : i32
    %c0_i32_1 = arith.constant 0 : i32
    return %c0_i32, %c0_i32_0 : i32, i32
  }
  func.func @transform_3(%arg0: i32) -> (i32, i32) {
    %c0_i32 = arith.constant 0 : i32
    %c0_i32_0 = arith.constant 0 : i32
    %c0_i32_1 = arith.constant 0 : i32
    return %c0_i32, %c0_i32_0 : i32, i32
  }
  func.func @transform_4(%arg0: i32) -> (i32, i32) {
    %c0_i32 = arith.constant 0 : i32
    %c0_i32_0 = arith.constant 0 : i32
    %c0_i32_1 = arith.constant 0 : i32
    return %c0_i32, %c0_i32_0 : i32, i32
  }
  func.func @transform_5(%arg0: i32) -> (i32, i32) {
    %c0_i32 = arith.constant 0 : i32
    %c0_i32_0 = arith.constant 0 : i32
    return %arg0, %c0_i32 : i32, i32
  }
  func.func @transform_6(%arg0: i32) -> (i32, i32) {
    %c0_i32 = arith.constant 0 : i32
    %c0_i32_0 = arith.constant 0 : i32
    return %arg0, %c0_i32 : i32, i32
  }
}

module attributes {stable_mosaic.version = 14 : i64} {
  func.func @body(%arg0: i32, %arg1: memref<2x1024x128xf32, #tpu.memory_space<vmem>>, %arg2: memref<32x8x1024xf32, #tpu.memory_space<vmem>>, %arg3: memref<1x256xf32, #tpu.memory_space<vmem>>, %arg4: memref<1024x256xf32, #tpu.memory_space<vmem>>) attributes {dimension_semantics = [#tpu.dimension_semantics<arbitrary>], iteration_bounds = array<i64: 10>, scalar_prefetch = 0 : i64, scratch_operands = 0 : i64, tpu.core_type = #tpu.core_type<tc>, window_params = [{transform_indices = @transform_0, window_bounds = array<i64: 2, 1024, 128>}, {transform_indices = @transform_1, window_bounds = array<i64: 32, 8, 1024>}, {pipeline_mode = #tpu.pipeline_mode<synchronous>, transform_indices = @transform_2, window_bounds = array<i64: 1, 256>}, {transform_indices = @transform_3, window_bounds = array<i64: 1024, 256>}]} {
    %get3A = arith.constant 0 : index
    %get3A_0 = arith.constant 0 : index
    %get3A_1 = arith.constant 0 : index
    %get3A_2 = vector.load %arg2[%get3A, %get3A_0, %get3A_1] : memref<32x8x1024xf32, #tpu.memory_space<vmem>>, vector<32x1x1024xf32>
    %get3A_3 = vector.shape_cast %get3A_2 : vector<32x1x1024xf32> to vector<32x1024xf32>
    %slice3A = vector.extract_strided_slice %get3A_3 {offsets = [0, 0], sizes = [16, 1024], strides = [1, 1]} : vector<32x1024xf32> to vector<16x1024xf32>
    %reduce_sum3A = arith.constant dense<0.000000e+00> : vector<1024xf32>
    %reduce_sum3A_4 = vector.multi_reduction <add>, %slice3A, %reduce_sum3A [0] : vector<16x1024xf32> to vector<1024xf32>
    %slice3A_5 = vector.extract_strided_slice %get3A_3 {offsets = [16, 0], sizes = [16, 1024], strides = [1, 1]} : vector<32x1024xf32> to vector<16x1024xf32>
    %reduce_sum3A_6 = arith.constant dense<0.000000e+00> : vector<1024xf32>
    %reduce_sum3A_7 = vector.multi_reduction <add>, %slice3A_5, %reduce_sum3A_6 [0] : vector<16x1024xf32> to vector<1024xf32>
    %get3A_8 = arith.constant 0 : index
    %get3A_9 = arith.constant 0 : index
    %get3A_10 = arith.constant 0 : index
    %get3A_11 = vector.load %arg1[%get3A_8, %get3A_9, %get3A_10] : memref<2x1024x128xf32, #tpu.memory_space<vmem>>, vector<1x1024x128xf32>
    %get3A_12 = vector.shape_cast %get3A_11 : vector<1x1024x128xf32> to vector<1024x128xf32>
    %broadcast_in_dim3A = vector.shape_cast %reduce_sum3A_4 : vector<1024xf32> to vector<1024x1xf32>
    %add3A = arith.constant 1.000000e-16 : f32
    %add3A_13 = vector.broadcast %add3A : f32 to vector<1024x1xf32>
    %add3A_14 = arith.addf %broadcast_in_dim3A, %add3A_13 : vector<1024x1xf32>
    %div3A = vector.broadcast %add3A_14 : vector<1024x1xf32> to vector<1024x128xf32>
    %div3A_15 = arith.divf %get3A_12, %div3A : vector<1024x128xf32>
    %get3A_16 = arith.constant 1 : index
    %get3A_17 = arith.constant 0 : index
    %get3A_18 = arith.constant 0 : index
    %get3A_19 = vector.load %arg1[%get3A_16, %get3A_17, %get3A_18] : memref<2x1024x128xf32, #tpu.memory_space<vmem>>, vector<1x1024x128xf32>
    %get3A_20 = vector.shape_cast %get3A_19 : vector<1x1024x128xf32> to vector<1024x128xf32>
    %broadcast_in_dim3A_21 = vector.shape_cast %reduce_sum3A_7 : vector<1024xf32> to vector<1024x1xf32>
    %add3A_22 = arith.constant 1.000000e-16 : f32
    %add3A_23 = vector.broadcast %add3A_22 : f32 to vector<1024x1xf32>
    %add3A_24 = arith.addf %broadcast_in_dim3A_21, %add3A_23 : vector<1024x1xf32>
    %div3A_25 = vector.broadcast %add3A_24 : vector<1024x1xf32> to vector<1024x128xf32>
    %div3A_26 = arith.divf %get3A_20, %div3A_25 : vector<1024x128xf32>
    %concatenate3A = tpu.concatenate %div3A_15, %div3A_26 in 1 : vector<1024x128xf32>, vector<1024x128xf32> -> vector<1024x256xf32>
    %get3A_27 = arith.constant 0 : index
    %get3A_28 = arith.constant 0 : index
    %get3A_29 = vector.load %arg3[%get3A_27, %get3A_28] : memref<1x256xf32, #tpu.memory_space<vmem>>, vector<1x256xf32>
    %add3A_30 = vector.broadcast %get3A_29 : vector<1x256xf32> to vector<1024x256xf32>
    %add3A_31 = arith.addf %concatenate3A, %add3A_30 : vector<1024x256xf32>
    %gt3A = arith.constant 0.000000e+00 : f32
    %gt3A_32 = vector.broadcast %gt3A : f32 to vector<1024x256xf32>
    %gt3A_33 = arith.cmpf ogt, %add3A_31, %gt3A_32 : vector<1024x256xf32>
    %exp3A = math.exp %add3A_31 : vector<1024x256xf32>
    %sub3A = arith.constant 1.000000e+00 : f32
    %sub3A_34 = vector.broadcast %sub3A : f32 to vector<1024x256xf32>
    %sub3A_35 = arith.subf %exp3A, %sub3A_34 : vector<1024x256xf32>
    %select_n3A = arith.select %gt3A_33, %add3A_31, %sub3A_35 : vector<1024x256xi1>, vector<1024x256xf32>
    %swap3A = arith.constant 0 : index
    %swap3A_36 = arith.constant 0 : index
    %swap3A_37 = vector.load %arg4[%swap3A, %swap3A_36] : memref<1024x256xf32, #tpu.memory_space<vmem>>, vector<1024x256xf32>
    tpu.vector_store %arg4[%swap3A, %swap3A_36], %select_n3A {strides = array<i32>} : memref<1024x256xf32, #tpu.memory_space<vmem>>, vector<1024x256xf32>,
    return
  }
  func.func @transform_0(%arg0: i32) -> (i32, i32, i32) {
    %c0_i32 = arith.constant 0 : i32
    %c0_i32_0 = arith.constant 0 : i32
    %c0_i32_1 = arith.constant 0 : i32
    return %c0_i32, %arg0, %c0_i32_0 : i32, i32, i32
  }
  func.func @transform_1(%arg0: i32) -> (i32, i32, i32) {
    %c0_i32 = arith.constant 0 : i32
    %c0_i32_0 = arith.constant 0 : i32
    %c0_i32_1 = arith.constant 0 : i32
    return %c0_i32, %c0_i32_0, %arg0 : i32, i32, i32
  }
  func.func @transform_2(%arg0: i32) -> (i32, i32) {
    %c0_i32 = arith.constant 0 : i32
    %c0_i32_0 = arith.constant 0 : i32
    %c0_i32_1 = arith.constant 0 : i32
    return %c0_i32, %c0_i32_0 : i32, i32
  }
  func.func @transform_3(%arg0: i32) -> (i32, i32) {
    %c0_i32 = arith.constant 0 : i32
    %c0_i32_0 = arith.constant 0 : i32
    return %arg0, %c0_i32 : i32, i32
  }
}

module attributes {stable_mosaic.version = 14 : i64} {
  func.func @body(%arg0: i32, %arg1: memref<1000x256xf32, #tpu.memory_space<vmem>>, %arg2: memref<256x128xf32, #tpu.memory_space<vmem>>, %arg3: memref<1x128xf32, #tpu.memory_space<vmem>>, %arg4: memref<256x128xf32, #tpu.memory_space<vmem>>, %arg5: memref<1x128xf32, #tpu.memory_space<vmem>>, %arg6: memref<1000x128xf32, #tpu.memory_space<vmem>>, %arg7: memref<1000x128xf32, #tpu.memory_space<vmem>>) attributes {dimension_semantics = [#tpu.dimension_semantics<arbitrary>], iteration_bounds = array<i64: 10>, scalar_prefetch = 0 : i64, scratch_operands = 0 : i64, tpu.core_type = #tpu.core_type<tc>, window_params = [{transform_indices = @transform_0, window_bounds = array<i64: 1000, 256>}, {pipeline_mode = #tpu.pipeline_mode<synchronous>, transform_indices = @transform_1, window_bounds = array<i64: 256, 128>}, {pipeline_mode = #tpu.pipeline_mode<synchronous>, transform_indices = @transform_2, window_bounds = array<i64: 1, 128>}, {pipeline_mode = #tpu.pipeline_mode<synchronous>, transform_indices = @transform_3, window_bounds = array<i64: 256, 128>}, {pipeline_mode = #tpu.pipeline_mode<synchronous>, transform_indices = @transform_4, window_bounds = array<i64: 1, 128>}, {transform_indices = @transform_5, window_bounds = array<i64: 1000, 128>}, {transform_indices = @transform_6, window_bounds = array<i64: 1000, 128>}]} {
    %get3A = arith.constant 0 : index
    %get3A_0 = arith.constant 0 : index
    %get3A_1 = vector.load %arg1[%get3A, %get3A_0] : memref<1000x256xf32, #tpu.memory_space<vmem>>, vector<1000x256xf32>
    %get3A_2 = arith.constant 0 : index
    %get3A_3 = arith.constant 0 : index
    %get3A_4 = vector.load %arg2[%get3A_2, %get3A_3] : memref<256x128xf32, #tpu.memory_space<vmem>>, vector<256x128xf32>
    %dot_general3A = arith.constant dense<0.000000e+00> : vector<1000x128xf32>
    %dot_general3A_5 = tpu.matmul %get3A_1, %get3A_4, %dot_general3A {dimension_numbers = #tpu.dot_dimension_numbers<[1], [0], [0], [1], [0, 0, 1, 1], [], []>, transpose_lhs_hint = false} : vector<1000x256xf32>, vector<256x128xf32>, vector<1000x128xf32> -> vector<1000x128xf32>
    %get3A_6 = arith.constant 0 : index
    %get3A_7 = arith.constant 0 : index
    %get3A_8 = vector.load %arg3[%get3A_6, %get3A_7] : memref<1x128xf32, #tpu.memory_space<vmem>>, vector<1x128xf32>
    %add3A = vector.broadcast %get3A_8 : vector<1x128xf32> to vector<1000x128xf32>
    %add3A_9 = arith.addf %dot_general3A_5, %add3A : vector<1000x128xf32>
    %swap3A = arith.constant 0 : index
    %swap3A_10 = arith.constant 0 : index
    %swap3A_11 = vector.load %arg6[%swap3A, %swap3A_10] : memref<1000x128xf32, #tpu.memory_space<vmem>>, vector<1000x128xf32>
    tpu.vector_store %arg6[%swap3A, %swap3A_10], %add3A_9 {strides = array<i32>} : memref<1000x128xf32, #tpu.memory_space<vmem>>, vector<1000x128xf32>,
    %get3A_12 = arith.constant 0 : index
    %get3A_13 = arith.constant 0 : index
    %get3A_14 = vector.load %arg4[%get3A_12, %get3A_13] : memref<256x128xf32, #tpu.memory_space<vmem>>, vector<256x128xf32>
    %dot_general3A_15 = arith.constant dense<0.000000e+00> : vector<1000x128xf32>
    %dot_general3A_16 = tpu.matmul %get3A_1, %get3A_14, %dot_general3A_15 {dimension_numbers = #tpu.dot_dimension_numbers<[1], [0], [0], [1], [0, 0, 1, 1], [], []>, transpose_lhs_hint = false} : vector<1000x256xf32>, vector<256x128xf32>, vector<1000x128xf32> -> vector<1000x128xf32>
    %get3A_17 = arith.constant 0 : index
    %get3A_18 = arith.constant 0 : index
    %get3A_19 = vector.load %arg5[%get3A_17, %get3A_18] : memref<1x128xf32, #tpu.memory_space<vmem>>, vector<1x128xf32>
    %add3A_20 = vector.broadcast %get3A_19 : vector<1x128xf32> to vector<1000x128xf32>
    %add3A_21 = arith.addf %dot_general3A_16, %add3A_20 : vector<1000x128xf32>
    %swap3A_22 = arith.constant 0 : index
    %swap3A_23 = arith.constant 0 : index
    %swap3A_24 = vector.load %arg7[%swap3A_22, %swap3A_23] : memref<1000x128xf32, #tpu.memory_space<vmem>>, vector<1000x128xf32>
    tpu.vector_store %arg7[%swap3A_22, %swap3A_23], %add3A_21 {strides = array<i32>} : memref<1000x128xf32, #tpu.memory_space<vmem>>, vector<1000x128xf32>,
    return
  }
  func.func @transform_0(%arg0: i32) -> (i32, i32) {
    %c0_i32 = arith.constant 0 : i32
    %c0_i32_0 = arith.constant 0 : i32
    return %arg0, %c0_i32 : i32, i32
  }
  func.func @transform_1(%arg0: i32) -> (i32, i32) {
    %c0_i32 = arith.constant 0 : i32
    %c0_i32_0 = arith.constant 0 : i32
    %c0_i32_1 = arith.constant 0 : i32
    return %c0_i32, %c0_i32_0 : i32, i32
  }
  func.func @transform_2(%arg0: i32) -> (i32, i32) {
    %c0_i32 = arith.constant 0 : i32
    %c0_i32_0 = arith.constant 0 : i32
    %c0_i32_1 = arith.constant 0 : i32
    return %c0_i32, %c0_i32_0 : i32, i32
  }
  func.func @transform_3(%arg0: i32) -> (i32, i32) {
    %c0_i32 = arith.constant 0 : i32
    %c0_i32_0 = arith.constant 0 : i32
    %c0_i32_1 = arith.constant 0 : i32
    return %c0_i32, %c0_i32_0 : i32, i32
  }
  func.func @transform_4(%arg0: i32) -> (i32, i32) {
    %c0_i32 = arith.constant 0 : i32
    %c0_i32_0 = arith.constant 0 : i32
    %c0_i32_1 = arith.constant 0 : i32
    return %c0_i32, %c0_i32_0 : i32, i32
  }
  func.func @transform_5(%arg0: i32) -> (i32, i32) {
    %c0_i32 = arith.constant 0 : i32
    %c0_i32_0 = arith.constant 0 : i32
    return %arg0, %c0_i32 : i32, i32
  }
  func.func @transform_6(%arg0: i32) -> (i32, i32) {
    %c0_i32 = arith.constant 0 : i32
    %c0_i32_0 = arith.constant 0 : i32
    return %arg0, %c0_i32 : i32, i32
  }
}

module attributes {stable_mosaic.version = 14 : i64} {
  func.func @body(%arg0: i32, %arg1: memref<2048x128xf32, #tpu.memory_space<vmem>>, %arg2: memref<2048x128xf32, #tpu.memory_space<vmem>>, %arg3: memref<2048x1xf32, #tpu.memory_space<vmem>>, %arg4: memref<1x128xf32, #tpu.memory_space<vmem>>, %arg5: memref<1x128xf32, #tpu.memory_space<vmem>>, %arg6: memref<1x2048x128xf32, #tpu.memory_space<vmem>>, %arg7: memref<2048xf32, #tpu.memory_space<vmem>>) attributes {dimension_semantics = [#tpu.dimension_semantics<arbitrary>], iteration_bounds = array<i64: 157>, scalar_prefetch = 0 : i64, scratch_operands = 0 : i64, tpu.core_type = #tpu.core_type<tc>, window_params = [{transform_indices = @transform_0, window_bounds = array<i64: 2048, 128>}, {transform_indices = @transform_1, window_bounds = array<i64: 2048, 128>}, {transform_indices = @transform_2, window_bounds = array<i64: 2048, 1>}, {pipeline_mode = #tpu.pipeline_mode<synchronous>, transform_indices = @transform_3, window_bounds = array<i64: 1, 128>}, {pipeline_mode = #tpu.pipeline_mode<synchronous>, transform_indices = @transform_4, window_bounds = array<i64: 1, 128>}, {transform_indices = @transform_5, window_bounds = array<i64: 1, 2048, 128>}, {transform_indices = @transform_6, window_bounds = array<i64: 2048>}]} {
    %get3A = arith.constant 0 : index
    %get3A_0 = arith.constant 0 : index
    %get3A_1 = vector.load %arg1[%get3A, %get3A_0] : memref<2048x128xf32, #tpu.memory_space<vmem>>, vector<2048x128xf32>
    %get3A_2 = arith.constant 0 : index
    %get3A_3 = arith.constant 0 : index
    %get3A_4 = vector.load %arg2[%get3A_2, %get3A_3] : memref<2048x128xf32, #tpu.memory_space<vmem>>, vector<2048x128xf32>
    %add3A = arith.addf %get3A_1, %get3A_4 : vector<2048x128xf32>
    %get3A_5 = arith.constant 0 : index
    %get3A_6 = arith.constant 0 : index
    %get3A_7 = vector.load %arg3[%get3A_5, %get3A_6] : memref<2048x1xf32, #tpu.memory_space<vmem>>, vector<2048x1xf32>
    %get3A_8 = arith.constant 0 : index
    %get3A_9 = arith.constant 0 : index
    %get3A_10 = vector.load %arg4[%get3A_8, %get3A_9] : memref<1x128xf32, #tpu.memory_space<vmem>>, vector<1x128xf32>
    %mul3A = vector.broadcast %get3A_7 : vector<2048x1xf32> to vector<2048x128xf32>
    %mul3A_11 = vector.broadcast %get3A_10 : vector<1x128xf32> to vector<2048x128xf32>
    %mul3A_12 = arith.mulf %mul3A, %mul3A_11 : vector<2048x128xf32>
    %add3A_13 = arith.addf %add3A, %mul3A_12 : vector<2048x128xf32>
    %gt3A = arith.constant 0.000000e+00 : f32
    %gt3A_14 = vector.broadcast %gt3A : f32 to vector<2048x128xf32>
    %gt3A_15 = arith.cmpf ogt, %add3A_13, %gt3A_14 : vector<2048x128xf32>
    %mul3A_16 = arith.constant 2.000000e-01 : f32
    %mul3A_17 = vector.broadcast %mul3A_16 : f32 to vector<2048x128xf32>
    %mul3A_18 = arith.mulf %mul3A_17, %add3A_13 : vector<2048x128xf32>
    %select_n3A = arith.select %gt3A_15, %add3A_13, %mul3A_18 : vector<2048x128xi1>, vector<2048x128xf32>
    %get3A_19 = arith.constant 0 : index
    %get3A_20 = arith.constant 0 : index
    %get3A_21 = vector.load %arg5[%get3A_19, %get3A_20] : memref<1x128xf32, #tpu.memory_space<vmem>>, vector<1x128xf32>
    %mul3A_22 = vector.broadcast %get3A_21 : vector<1x128xf32> to vector<2048x128xf32>
    %mul3A_23 = arith.mulf %select_n3A, %mul3A_22 : vector<2048x128xf32>
    %reduce_sum3A = arith.constant dense<0.000000e+00> : vector<2048xf32>
    %reduce_sum3A_24 = vector.multi_reduction <add>, %mul3A_23, %reduce_sum3A [1] : vector<2048x128xf32> to vector<2048xf32>
    %broadcast_in_dim3A = vector.shape_cast %reduce_sum3A_24 : vector<2048xf32> to vector<2048x1xf32>
    %get3A_25 = arith.constant 0 : index
    %get3A_26 = arith.constant 0 : index
    %get3A_27 = vector.load %arg1[%get3A_25, %get3A_26] : memref<2048x128xf32, #tpu.memory_space<vmem>>, vector<2048x128xf32>
    %exp3A = math.exp %broadcast_in_dim3A : vector<2048x1xf32>
    %mul3A_28 = vector.broadcast %exp3A : vector<2048x1xf32> to vector<2048x128xf32>
    %mul3A_29 = arith.mulf %get3A_27, %mul3A_28 : vector<2048x128xf32>
    %swap3A = arith.constant 0 : index
    %swap3A_30 = arith.constant 0 : index
    %swap3A_31 = arith.constant 0 : index
    %swap3A_32 = vector.load %arg6[%swap3A, %swap3A_30, %swap3A_31] : memref<1x2048x128xf32, #tpu.memory_space<vmem>>, vector<1x2048x128xf32>
    %swap3A_33 = vector.shape_cast %swap3A_32 : vector<1x2048x128xf32> to vector<2048x128xf32>
    %swap3A_34 = vector.shape_cast %mul3A_29 : vector<2048x128xf32> to vector<1x2048x128xf32>
    tpu.vector_store %arg6[%swap3A, %swap3A_30, %swap3A_31], %swap3A_34 {strides = array<i32>} : memref<1x2048x128xf32, #tpu.memory_space<vmem>>, vector<1x2048x128xf32>,
    %reduce_sum3A_35 = arith.constant dense<0.000000e+00> : vector<2048xf32>
    %reduce_sum3A_36 = vector.multi_reduction <add>, %mul3A_23, %reduce_sum3A_35 [1] : vector<2048x128xf32> to vector<2048xf32>
    %exp3A_37 = math.exp %reduce_sum3A_36 : vector<2048xf32>
    %swap3A_38 = arith.constant 0 : index
    %swap3A_39 = vector.load %arg7[%swap3A_38] : memref<2048xf32, #tpu.memory_space<vmem>>, vector<2048xf32>
    tpu.vector_store %arg7[%swap3A_38], %exp3A_37 {strides = array<i32>} : memref<2048xf32, #tpu.memory_space<vmem>>, vector<2048xf32>,
    return
  }
  func.func @transform_0(%arg0: i32) -> (i32, i32) {
    %c0_i32 = arith.constant 0 : i32
    %c0_i32_0 = arith.constant 0 : i32
    return %arg0, %c0_i32 : i32, i32
  }
  func.func @transform_1(%arg0: i32) -> (i32, i32) {
    %c0_i32 = arith.constant 0 : i32
    %c0_i32_0 = arith.constant 0 : i32
    return %arg0, %c0_i32 : i32, i32
  }
  func.func @transform_2(%arg0: i32) -> (i32, i32) {
    %c0_i32 = arith.constant 0 : i32
    %c0_i32_0 = arith.constant 0 : i32
    return %arg0, %c0_i32 : i32, i32
  }
  func.func @transform_3(%arg0: i32) -> (i32, i32) {
    %c0_i32 = arith.constant 0 : i32
    %c0_i32_0 = arith.constant 0 : i32
    %c0_i32_1 = arith.constant 0 : i32
    return %c0_i32, %c0_i32_0 : i32, i32
  }
  func.func @transform_4(%arg0: i32) -> (i32, i32) {
    %c0_i32 = arith.constant 0 : i32
    %c0_i32_0 = arith.constant 0 : i32
    %c0_i32_1 = arith.constant 0 : i32
    return %c0_i32, %c0_i32_0 : i32, i32
  }
  func.func @transform_5(%arg0: i32) -> (i32, i32, i32) {
    %c0_i32 = arith.constant 0 : i32
    %c0_i32_0 = arith.constant 0 : i32
    %c0_i32_1 = arith.constant 0 : i32
    return %c0_i32, %arg0, %c0_i32_0 : i32, i32, i32
  }
  func.func @transform_6(%arg0: i32) -> i32 {
    %c0_i32 = arith.constant 0 : i32
    return %arg0 : i32
  }
}

module attributes {stable_mosaic.version = 14 : i64} {
  func.func @body(%arg0: i32, %arg1: memref<2x1024x128xf32, #tpu.memory_space<vmem>>, %arg2: memref<32x8x1024xf32, #tpu.memory_space<vmem>>, %arg3: memref<1x128xf32, #tpu.memory_space<vmem>>, %arg4: memref<1024x128xf32, #tpu.memory_space<vmem>>) attributes {dimension_semantics = [#tpu.dimension_semantics<arbitrary>], iteration_bounds = array<i64: 10>, scalar_prefetch = 0 : i64, scratch_operands = 0 : i64, tpu.core_type = #tpu.core_type<tc>, window_params = [{transform_indices = @transform_0, window_bounds = array<i64: 2, 1024, 128>}, {transform_indices = @transform_1, window_bounds = array<i64: 32, 8, 1024>}, {pipeline_mode = #tpu.pipeline_mode<synchronous>, transform_indices = @transform_2, window_bounds = array<i64: 1, 128>}, {transform_indices = @transform_3, window_bounds = array<i64: 1024, 128>}]} {
    %get3A = arith.constant 0 : index
    %get3A_0 = arith.constant 0 : index
    %get3A_1 = arith.constant 0 : index
    %get3A_2 = vector.load %arg2[%get3A, %get3A_0, %get3A_1] : memref<32x8x1024xf32, #tpu.memory_space<vmem>>, vector<32x1x1024xf32>
    %get3A_3 = vector.shape_cast %get3A_2 : vector<32x1x1024xf32> to vector<32x1024xf32>
    %reduce_sum3A = arith.constant dense<0.000000e+00> : vector<1024xf32>
    %reduce_sum3A_4 = vector.multi_reduction <add>, %get3A_3, %reduce_sum3A [0] : vector<32x1024xf32> to vector<1024xf32>
    %get3A_5 = arith.constant 0 : index
    %get3A_6 = arith.constant 0 : index
    %get3A_7 = arith.constant 0 : index
    %get3A_8 = vector.load %arg1[%get3A_5, %get3A_6, %get3A_7] : memref<2x1024x128xf32, #tpu.memory_space<vmem>>, vector<1x1024x128xf32>
    %get3A_9 = vector.shape_cast %get3A_8 : vector<1x1024x128xf32> to vector<1024x128xf32>
    %get3A_10 = arith.constant 1 : index
    %get3A_11 = arith.constant 0 : index
    %get3A_12 = arith.constant 0 : index
    %get3A_13 = vector.load %arg1[%get3A_10, %get3A_11, %get3A_12] : memref<2x1024x128xf32, #tpu.memory_space<vmem>>, vector<1x1024x128xf32>
    %get3A_14 = vector.shape_cast %get3A_13 : vector<1x1024x128xf32> to vector<1024x128xf32>
    %add3A = arith.addf %get3A_9, %get3A_14 : vector<1024x128xf32>
    %broadcast_in_dim3A = vector.shape_cast %reduce_sum3A_4 : vector<1024xf32> to vector<1024x1xf32>
    %add3A_15 = arith.constant 1.000000e-16 : f32
    %add3A_16 = vector.broadcast %add3A_15 : f32 to vector<1024x1xf32>
    %add3A_17 = arith.addf %broadcast_in_dim3A, %add3A_16 : vector<1024x1xf32>
    %div3A = vector.broadcast %add3A_17 : vector<1024x1xf32> to vector<1024x128xf32>
    %div3A_18 = arith.divf %add3A, %div3A : vector<1024x128xf32>
    %get3A_19 = arith.constant 0 : index
    %get3A_20 = arith.constant 0 : index
    %get3A_21 = vector.load %arg3[%get3A_19, %get3A_20] : memref<1x128xf32, #tpu.memory_space<vmem>>, vector<1x128xf32>
    %add3A_22 = vector.broadcast %get3A_21 : vector<1x128xf32> to vector<1024x128xf32>
    %add3A_23 = arith.addf %div3A_18, %add3A_22 : vector<1024x128xf32>
    %swap3A = arith.constant 0 : index
    %swap3A_24 = arith.constant 0 : index
    %swap3A_25 = vector.load %arg4[%swap3A, %swap3A_24] : memref<1024x128xf32, #tpu.memory_space<vmem>>, vector<1024x128xf32>
    tpu.vector_store %arg4[%swap3A, %swap3A_24], %add3A_23 {strides = array<i32>} : memref<1024x128xf32, #tpu.memory_space<vmem>>, vector<1024x128xf32>,
    return
  }
  func.func @transform_0(%arg0: i32) -> (i32, i32, i32) {
    %c0_i32 = arith.constant 0 : i32
    %c0_i32_0 = arith.constant 0 : i32
    %c0_i32_1 = arith.constant 0 : i32
    return %c0_i32, %arg0, %c0_i32_0 : i32, i32, i32
  }
  func.func @transform_1(%arg0: i32) -> (i32, i32, i32) {
    %c0_i32 = arith.constant 0 : i32
    %c0_i32_0 = arith.constant 0 : i32
    %c0_i32_1 = arith.constant 0 : i32
    return %c0_i32, %c0_i32_0, %arg0 : i32, i32, i32
  }
  func.func @transform_2(%arg0: i32) -> (i32, i32) {
    %c0_i32 = arith.constant 0 : i32
    %c0_i32_0 = arith.constant 0 : i32
    %c0_i32_1 = arith.constant 0 : i32
    return %c0_i32, %c0_i32_0 : i32, i32
  }
  func.func @transform_3(%arg0: i32) -> (i32, i32) {
    %c0_i32 = arith.constant 0 : i32
    %c0_i32_0 = arith.constant 0 : i32
    return %arg0, %c0_i32 : i32, i32
  }
}

</mosaic_0001>

<sc_bundles>
// kernel: kernel.12.cloned.1.call-start
scs
__scs_entry_jumppad:
0x0: {  	(pc) =	sbr.rel $0x88, $3  }
0x1: {  	(tag) =	ssettag $0x0;
	lr =	simm.s32 $0x1  }
0x2: {  	[smem:$0x3F90] =	sst lr;
	_ =	strace $0xD0000000  }
0x3: {  	_ = 	snop  }
0x4: {  	_ = 	snop  }
0x5: {  	_ = 	snop  }
0x6: {  	_ = 	snop  }
0x7: {  	_ = 	snop  }
__scs_overlays_trampoline_lowered:
0x8: {  	[smem:$0x3F9F] =	sst s0  }
0x9: {  	[smem:$0x3FA0] =	sst s1  }
0xa: {  	[smem:$0x3FA1] =	sst s2  }
0xb: {  	[smem:$0x3FA2] =	sst s3  }
0xc: {  	[smem:$0x3FA3] =	sst s4  }
0xd: {  	[smem:$0x3FA4] =	sst s5  }
0xe: {  	[smem:$0x3FA5] =	sst s6  }
0xf: {  	[smem:$0x3FA6] =	sst s7  }
0x10: {  	[smem:$0x3FA7] =	sst s8  }
0x11: {  	[smem:$0x3FA8] =	sst s9;
	s0 =	simm.s32 @!p0 $0x0  }
0x12: {  	s1 =	sld [smem:$0x3F8E];
	s0 =	simm.s32 @p0 $0x1  }
0x13: {  	[smem:$0x3FA9] =	sst s0;
	s0 =	simm.s32 @!p1 $0x0  }
0x14: {  	s2 =	sld [smem:$0x3F8D];
	s0 =	simm.s32 @p1 $0x1  }
0x15: {  	[smem:$0x3FAA] =	sst s0;
	s0 =	simm.s32 @!p2 $0x0  }
0x16: {  	s3 =	sld [smem:$0x3FDB];
	s0 =	simm.s32 @p2 $0x1  }
0x17: {  	s4 =	simm.s32 $0x1BF5;
	[smem:$0x3FAC] =	sst s0  }
0x18: {  	s0 =	sld [smem:$0x3F8F];
	_ =	swait.ge [sflag:s4], $0x0  }
0x19: {  	s7 =	sld [smem:$0x3F90]  }
0x1a: {  	s8 =	sadd.s32 $0xFFFFE003, lr  }
0x1b: {  	s9 =	sadd.s32 $0xFFFFFEF7, lr;
	s5 =	simm.s32 $0xFFFFFFFF;
	p2 =	slt.u32 s8, $0xFFFFF086  }
0x1c: {  	p1 =	slt.u32 s9, $0xF7A;
	s5 =	simm.s32 @!p2 $0x0  }
0x1d: {  	s5 =	simm.s32 @p1 $0x1;
	p0 =	seq.s32 s7, s2  }
0x1e: {  	s7 =	smul.u32 @!p0 $0xF7A, s2;
	p2 =	seq.s32 @!p0 s5, $0x0  }
0x1f: {  	s9 =	smul.u32 $0xF7A, s1;
	s8 =	simm.s32 @!p0 $0x1BF5;
	p2 =	por !p2, p0  }
0x20: {  	[sflag:s8] =	ssyncset.s32 @!p0 $0xFFFFF086;
	s6 =	sadd.s32 @!p0 s3, s7;
	s7 =	simm.s32 @!p0 $0x108  }
0x21: {  	s3 =	sadd.s32 s3, s9;
	s6 =	sadd.s32 @!p0 $0x88, s6;
	s7 =	simm.s32 @p2 $0x1082  }
0x22: {  	[simem:s7], [sflag:s8] =	dma.local @!p0 [hbm:s6], $0xF7A  }
0x23: {  	s9 =	sor.u32 $0xD0000000, s2;
	s6 =	simm.s32 $0x108;
	_ =	swait.ge @!p0 [sflag:s8], $0x0  }
0x24: {  	s3 =	sadd.s32 $0x88, s3;
	s6 =	simm.s32 @!p1 $0x1082;
	[sflag:s4] =	ssyncset.s32 $0xFFFFF086  }
0x25: {  	[simem:s6], [sflag:s4] =	dma.local [hbm:s3], $0xF7A  }
0x26: {  	[smem:$0x3F90] =	sst s1;
	(tag) =	ssettag s2;
	_ =	strace s9  }
0x27: {  	s1 =	sld [smem:$0x3FA0]  }
0x28: {  	s2 =	sld [smem:$0x3FA1]  }
0x29: {  	s4 =	sld [smem:$0x3FA3]  }
0x2a: {  	p0 =	seq.s32 s5, $0x0;
	s5 =	sld [smem:$0x3FA4]  }
0x2b: {  	s6 =	sld [smem:$0x3FA5]  }
0x2c: {  	s7 =	sld [smem:$0x3FA6]  }
0x2d: {  	s3 =	simm.s32 $0x108;
	s8 =	sld [smem:$0x3FA7]  }
0x2e: {  	s3 =	simm.s32 @!p0 $0x1082;
	s9 =	sld [smem:$0x3FA8]  }
0x2f: {  	lr =	sadd.s32 s0, s3;
	s0 =	sld [smem:$0x3F9F]  }
0x30: {  	s3 =	sld [smem:$0x3FA2]  }
0x31: {  	[smem:$0x3FAB] =	sst s10  }
0x32: {  	s10 =	sld [smem:$0x3FA9];
	_ =	sdelay $0x3  }
0x33: {  	p0 =	seq.s32 s10, $0x1;
	s10 =	sld [smem:$0x3FAB];
	_ =	sdelay $0x3  }
0x34: {  	[smem:$0x3FAB] =	sst s10  }
0x35: {  	s10 =	sld [smem:$0x3FAA];
	_ =	sdelay $0x3  }
0x36: {  	p1 =	seq.s32 s10, $0x1;
	s10 =	sld [smem:$0x3FAB];
	_ =	sdelay $0x3  }
0x37: {  	[smem:$0x3FAB] =	sst s10  }
0x38: {  	s10 =	sld [smem:$0x3FAC]  }
0x39: {  	_ = 	snop;
	(pc) =	sbr.ind lr, $3  }
0x3a: {  	_ = 	snop  }
0x3b: {  	_ = 	snop  }
0x3c: {  	p2 =	seq.s32 s10, $0x1;
	s10 =	sld [smem:$0x3FAB]  }
0x3d: {  	_ =	shalt  }
0x3e: {  	_ =	shalt  }
0x3f: {  	_ =	shalt  }
0x40: {  	_ =	shalt  }
0x41: {  	_ =	shalt  }
0x42: {  	_ =	shalt  }
0x43: {  	_ =	shalt  }
0x44: {  	_ =	shalt  }
0x45: {  	_ =	shalt  }
0x46: {  	_ =	shalt  }
0x47: {  	_ =	shalt  }
0x48: {  	_ =	shalt  }
0x49: {  	_ =	shalt  }
0x4a: {  	_ =	shalt  }
0x4b: {  	_ =	shalt  }
0x4c: {  	_ =	shalt  }
0x4d: {  	_ =	shalt  }
0x4e: {  	_ =	shalt  }
0x4f: {  	_ =	shalt  }
0x50: {  	_ =	shalt  }
0x51: {  	_ =	shalt  }
0x52: {  	_ =	shalt  }
0x53: {  	_ =	shalt  }
0x54: {  	_ =	shalt  }
0x55: {  	_ =	shalt  }
0x56: {  	_ =	shalt  }
0x57: {  	_ =	shalt  }
0x58: {  	_ =	shalt  }
0x59: {  	_ =	shalt  }
0x5a: {  	_ =	shalt  }
0x5b: {  	_ =	shalt  }
0x5c: {  	_ =	shalt  }
0x5d: {  	_ =	shalt  }
0x5e: {  	_ =	shalt  }
0x5f: {  	_ =	shalt  }
0x60: {  	_ =	shalt  }
0x61: {  	_ =	shalt  }
0x62: {  	_ =	shalt  }
0x63: {  	_ =	shalt  }
0x64: {  	_ =	shalt  }
0x65: {  	_ =	shalt  }
0x66: {  	_ =	shalt  }
0x67: {  	_ =	shalt  }
0x68: {  	_ =	shalt  }
0x69: {  	_ =	shalt  }
0x6a: {  	_ =	shalt  }
0x6b: {  	_ =	shalt  }
0x6c: {  	_ =	shalt  }
0x6d: {  	_ =	shalt  }
0x6e: {  	_ =	shalt  }
0x6f: {  	_ =	shalt  }
0x70: {  	_ =	shalt  }
0x71: {  	_ =	shalt  }
0x72: {  	_ =	shalt  }
0x73: {  	_ =	shalt  }
0x74: {  	_ =	shalt  }
0x75: {  	_ =	shalt  }
0x76: {  	_ =	shalt  }
0x77: {  	_ =	shalt  }
0x78: {  	_ =	shalt  }
0x79: {  	_ =	shalt  }
0x7a: {  	_ =	shalt  }
0x7b: {  	_ =	shalt  }
0x7c: {  	_ =	shalt  }
0x7d: {  	_ =	shalt  }
0x7e: {  	_ =	shalt  }
0x7f: {  	_ =	shalt  }
0x80: {  	_ =	shalt  }
0x81: {  	_ =	shalt  }
0x82: {  	_ =	shalt  }
0x83: {  	_ =	shalt  }
0x84: {  	_ =	shalt  }
0x85: {  	_ =	shalt  }
0x86: {  	_ =	shalt  }
0x87: {  	_ =	shalt  }
.Lfunc_end0:
.L_simem_size_0:
called_computation_lowered:
.L_overlay_start_0:
0x88: {  	s2 =	sld [smem:$0x3FD9]  }
0x89: {  	s3 =	sld [smem:$0x3FFE];
	_ =	sdelay $0x1  }
0x8a: {  	s1 =	srdreg.scid  }
0x8b: {  	s0 =	sand.u32 $0x1, s1  }
0x8c: {  	s16 =	sshll.u32 s0, $0xA;
	s2 =	sadd.s32 s3, s2  }
0x8d: {  	s2 =	sadd.s32 s2, s16  }
0x8e: {  	[smem:$0x3FB7] =	sst s2  }
0x8f: {  	_ = 	snop  }
0x90: {  	(tm) =	ssettm $0x1  }
0x91: {  	s17 =	sld [smem:$0x3FFB];
	_ =	sdelay $0x3  }
0x92: {  	_ =	strace s17  }
0x93: {  	s2 =	sld [smem:$0x3FFC];
	_ =	sdelay $0x3  }
0x94: {  	_ =	strace s2  }
0x95: {  	s2 =	sld [smem:$0x3FFD];
	_ =	sdelay $0x3  }
0x96: {  	_ =	strace s2  }
0x97: {  	_ =	strace $0x8FFFFFFF  }
0x98: {  	s18 =	sld [smem:$0x3FDB];
	_ =	sdelay $0x1  }
0x99: {  	s19 =	simm.s32 $_scs_section_size  }
0x9a: {  	s4 =	simm.s32 $_size__tile_overlayer_lowered;
	s5 =	simm.s32 $_tile_overlayer_lowered  }
0x9b: {  	s22 =	simm.s32 $0x1BFF;
	s21 =	sshll.u32 s5, $0x1;
	s2 =	sadd.s32 s19, s18  }
0x9c: {  	s6 =	simm.s32 $0x0;
	s20 =	sshll.u32 s4, $0x1;
	s4 =	sadd.s32 s21, s2  }
0x9d: {  	[timem:s6], [sflag:s22] =	dma.local [hbm:s4], s20  }
0x9e: {  	_ =	swait.ge [sflag:s22], s20  }
0x9f: {  	s3 =	ssub.s32 $0x0, s20;
	[sflag:s22] =	ssyncset.done $0x0  }
0xa0: {  	[sflag:s22] =	ssyncadd.s32 s3;
	_ =	sdelay $0x1  }
0xa1: {  	s23 =	simm.s32 $0x1B8B  }
0xa2: {  	_ =	swait.ge [sflag:s23], $0x1  }
0xa3: {  	[sflag:s23] =	ssyncset.done $0x0  }
0xa4: {  	s25 =	simm.s32 $0x1B8E;
	s24 =	sld [smem:$0x3FFE];
	[sflag:s23] =	ssyncadd.s32 $0xFFFFFFFF  }
0xa5: {  	s26 =	simm.s32 $execute0_lowered;
	[smem:$0x3FD2] =	sst s25  }
0xa6: {  	s4 =	sshll.u32 s26, $0x1;
	_ =	strace $0x80000046;
	[dreg:$0x1] =	wrdreg $0xFFFFFFFF  }
0xa7: {  	s28 =	simm.s32 $_size_execute0_lowered;
	s2 =	sadd.s32 s2, s4;
	[dreg:$0x0] =	wrdreg $0x0  }
0xa8: {  	s4 =	sshll.u32 s28, $0x1;
	[dreg:$0x2] =	wrdreg s2  }
0xa9: {  	[dreg:$0x3] =	wrdreg s4  }
0xaa: {  	[dreg:$0x4] =	wrdreg $0xC0  }
0xab: {  	_ =	task [dreg:s6], $0x5FFFF  }
0xac: {  	[dreg:$0x1] =	wrdreg $0xFFFFFFFF  }
0xad: {  	[dreg:$0x0] =	wrdreg $0x60  }
0xae: {  	[dreg:$0x2] =	wrdreg s24  }
0xaf: {  	[dreg:$0x3] =	wrdreg $0x9  }
0xb0: {  	_ =	task.clear_ibuf [dreg:s6], $0x4FFFF;
	_ =	strace $0x90000046  }
0xb1: {  	s29 =	simm.s32 $0x9;
	_ =	strace $0x80000048  }
0xb2: {  	_ =	swait.ge [sflag:s29], $0x1  }
0xb3: {  	[sflag:s29] =	ssyncadd.s32 $0xFFFFFFFF  }
0xb4: {  	_ =	strace $0x90000048  }
0xb5: {  	_ =	sfence  }
0xb6: {  	s30 =	sld [smem:$0x0];
	_ =	sdelay $0x2  }
0xb7: {  	s31 =	sshll.u32 s1, $0xD;
	s1 =	sshrl.u32 s1, $0x2  }
0xb8: {  	s3 =	sand.u32 $0x4000, s31;
	s1 =	sadd.s32 s1, s30  }
0xb9: {  	s0 =	sor.u32 s3, s0;
	s1 =	sshll.u32 s1, $0x11  }
0xba: {  	s0 =	sor.u32 s1, s0  }
0xbb: {  	s0 =	sadd.s32 $0x8F2B, s0  }
0xbc: {  	[sflag:s0] =	ssyncadd.remote.s32 $0x1  }
0xbd: {  	_ =	sfence.sel $0xFFFF  }
0xbe: {  	[dreg:$0x0] =	wrdreg $0xFFFFFFFF;
	(pc) =	sbr.abs _section_cstart, $3  }
0xbf: {  	[dreg:$0x1] =	wrdreg $0xFFFFFFFF  }
0xc0: {  	_ =	task.clear_ibuf [dreg:s6], $0x2FFFF;
	_ =	strace $0x9FFFFFFF  }
0xc1: {  	(tm) =	ssettm $0x7FFFFFFF  }
tec
execute0_lowered:
.L_overlay_start_1:
0x0: {  	(tag) =	ssettag $0x1  }
0x1: {  	s5 =	rddreg [dreg:$0x0]  }
0x2: {  	s0 =	rddreg [dreg:$0x1];
	s2 =	simm.s32 $0x0;
	s3 =	srdreg.scid  }
0x3: {  	s1 =	stileid.u32;
	s12 =	simm.s32 $0x880;
	s13 =	simm.s32 $0x1080  }
0x4: {  	s14 =	simm.s32 $0x1880;
	s15 =	simm.s32 $0x2080;
	s16 =	simm.s32 $0x2880  }
0x5: {  	s17 =	simm.s32 $0x3080;
	s18 =	simm.s32 $0x3880;
	s19 =	simm.s32 $0x4080  }
0x6: {  	s20 =	simm.s32 $0x4880;
	s21 =	simm.s32 $0x1;
	s7 =	smul.u32 $0x4E20, s1  }
0x7: {  	s22 =	simm.s32 $0x0;
	s6 =	sand.u32 $0x1, s3;
	s9 =	smul.u32 $0x9C400, s1  }
0x8: {  	[smem:$0x7FF] =	sst s2;
	s3 =	sadd.s32 $0x66C00, s5;
	s8 =	smul.u32 $0x2710, s6  }
0x9: {  	s4 =	sadd.s32 $0x18A00, s5;
	s29 =	ssub.s32 $0x2, s6;
	s6 =	smul.u32 $0x4E200, s6  }
0xa: {  	_ =	strace $0x80000047;
	s9 =	sadd.s32 s9, s5;
	s10 =	sshrl.u32 s29, $0x1  }
0xb: {  	s7 =	sadd.s32 s8, s7;
	s30 =	ssub.s32 s29, s10;
	s31 =	sadd.s32 s6, s9  }
0xc: {  	v2 =	vlaneseq.u32;
	s10 =	simm.s32 $0x2;
	s7 =	sshrl.u32 s7, $0x3;
	s6 =	sadd.s32 $0xB4E00, s31  }
0xd: {  	vm0 =	vmmov $0xffff;
	v1 =	vshrl.u32 v2, $0x3;
	s11 =	sadd.s32 s7, s5;
	s5 =	smax.u32 s30, $0x1;
	s7 =	sadd.s32 $0xA78E00, s31  }
0xe: {  	v0 =	vand.u32 $0x7, v2;
	v2 =	vor.u32 $0x8, v2;
	v1 =	vmul.u32 $0x8, v1;
	s8 =	sadd.s32 $0xEC00, s11;
	s9 =	sadd.s32 $0x4E00, s11;
	s11 =	simm.s32 $0x80  }
.LBB2_1:
0xf: {  	s23 =	smov.u32 s7;
	s24 =	smov.u32 s6;
	s25 =	simm.s32 $0x0  }
.LBB2_2:
0x10: {  	s26 =	sadd.s32 s25, s9  }
0x11: {  	[tilespmem:s2], [sflag:$0x2] =	stream.linear.gather [hbm4b:s26+s2], $0x50, $0x38;
	[tilespmem:$0x5080] =	vst v63  }
0x12: {  	_ =	swait.ge [sflag:s10], $0x50  }
0x13: {  	[sflag:s10] =	ssyncset.done $0x0  }
0x14: {  	[sflag:s10] =	ssyncadd.s32 $0xFFFFFFB0  }
0x15: {  	v3 =	vld [tilespmem:$0x0];
	_ =	sdelay $0x4  }
0x16: {  	v4 =	vshll.u32 v3, $0x1  }
0x17: {  	v3 =	vand.u32 $0x7, v3;
	v4 =	vand.u32 $0xFFFFFFF0, v4  }
0x18: {  	v3 =	vor.u32 v3, v4  }
0x19: {  	v4 =	vperm.xlane v3, v0;
	_ =	sdelay $0x1  }
0x1a: {  	v3 =	vperm.xlane v3, v2;
	v4 =	vadd.s32 v1, v4;
	_ =	sdelay $0x1  }
0x1b: {  	v3 =	vadd.s32 v1, v3;
	_ =	sdelay $0x2  }
0x1c: {  	[tilespmem:s11], [sflag:$0x1] =	stream.indirect_vreg.gather [hbm4b:s3+s2], $0x80, v4, vm0, $0xb8;
	[tilespmem:$0x5080] =	vst v63  }
0x1d: {  	_ = 	snop  }
0x1e: {  	[tilespmem:s12], [sflag:$0x1] =	stream.indirect_vreg.gather [hbm4b:s3+s2], $0x80, v3, vm0, $0xb8;
	[tilespmem:$0x5080] =	vst v63  }
0x1f: {  	v3 =	vld [tilespmem:$0x10];
	_ =	sdelay $0x4  }
0x20: {  	v55 =	vshll.u32 v3, $0x1  }
0x21: {  	v3 =	vand.u32 $0x7, v3;
	v4 =	vand.u32 $0xFFFFFFF0, v55  }
0x22: {  	v3 =	vor.u32 v3, v4  }
0x23: {  	v4 =	vperm.xlane v3, v0;
	_ =	sdelay $0x1  }
0x24: {  	v3 =	vperm.xlane v3, v2;
	v4 =	vadd.s32 v1, v4;
	_ =	sdelay $0x1  }
0x25: {  	v3 =	vadd.s32 v1, v3;
	_ =	sdelay $0x2  }
0x26: {  	[tilespmem:s13], [sflag:$0x1] =	stream.indirect_vreg.gather [hbm4b:s3+s2], $0x80, v4, vm0, $0xb8;
	[tilespmem:$0x5080] =	vst v63  }
0x27: {  	_ = 	snop  }
0x28: {  	[tilespmem:s14], [sflag:$0x1] =	stream.indirect_vreg.gather [hbm4b:s3+s2], $0x80, v3, vm0, $0xb8;
	[tilespmem:$0x5080] =	vst v63  }
0x29: {  	v3 =	vld [tilespmem:$0x20];
	_ =	sdelay $0x4  }
0x2a: {  	v56 =	vshll.u32 v3, $0x1  }
0x2b: {  	v3 =	vand.u32 $0x7, v3;
	v4 =	vand.u32 $0xFFFFFFF0, v56  }
0x2c: {  	v3 =	vor.u32 v3, v4  }
0x2d: {  	v4 =	vperm.xlane v3, v0;
	_ =	sdelay $0x1  }
0x2e: {  	v3 =	vperm.xlane v3, v2;
	v4 =	vadd.s32 v1, v4;
	_ =	sdelay $0x1  }
0x2f: {  	v3 =	vadd.s32 v1, v3;
	_ =	sdelay $0x2  }
0x30: {  	[tilespmem:s15], [sflag:$0x1] =	stream.indirect_vreg.gather [hbm4b:s3+s2], $0x80, v4, vm0, $0xb8;
	[tilespmem:$0x5080] =	vst v63  }
0x31: {  	_ = 	snop  }
0x32: {  	[tilespmem:s16], [sflag:$0x1] =	stream.indirect_vreg.gather [hbm4b:s3+s2], $0x80, v3, vm0, $0xb8;
	[tilespmem:$0x5080] =	vst v63  }
0x33: {  	v3 =	vld [tilespmem:$0x30];
	_ =	sdelay $0x4  }
0x34: {  	v57 =	vshll.u32 v3, $0x1  }
0x35: {  	v3 =	vand.u32 $0x7, v3;
	v4 =	vand.u32 $0xFFFFFFF0, v57  }
0x36: {  	v3 =	vor.u32 v3, v4  }
0x37: {  	v4 =	vperm.xlane v3, v0;
	_ =	sdelay $0x1  }
0x38: {  	v3 =	vperm.xlane v3, v2;
	v4 =	vadd.s32 v1, v4;
	_ =	sdelay $0x1  }
0x39: {  	v3 =	vadd.s32 v1, v3;
	_ =	sdelay $0x2  }
0x3a: {  	[tilespmem:s17], [sflag:$0x1] =	stream.indirect_vreg.gather [hbm4b:s3+s2], $0x80, v4, vm0, $0xb8;
	[tilespmem:$0x5080] =	vst v63  }
0x3b: {  	_ = 	snop  }
0x3c: {  	[tilespmem:s18], [sflag:$0x1] =	stream.indirect_vreg.gather [hbm4b:s3+s2], $0x80, v3, vm0, $0xb8;
	[tilespmem:$0x5080] =	vst v63  }
0x3d: {  	v3 =	vld [tilespmem:$0x40];
	_ =	sdelay $0x4  }
0x3e: {  	v58 =	vshll.u32 v3, $0x1  }
0x3f: {  	v3 =	vand.u32 $0x7, v3;
	v4 =	vand.u32 $0xFFFFFFF0, v58  }
0x40: {  	v3 =	vor.u32 v3, v4  }
0x41: {  	v4 =	vperm.xlane v3, v0;
	_ =	sdelay $0x1  }
0x42: {  	v3 =	vperm.xlane v3, v2;
	v4 =	vadd.s32 v1, v4;
	_ =	sdelay $0x1  }
0x43: {  	v3 =	vadd.s32 v1, v3;
	_ =	sdelay $0x2  }
0x44: {  	[tilespmem:s19], [sflag:$0x1] =	stream.indirect_vreg.gather [hbm4b:s3+s2], $0x80, v4, vm0, $0xb8;
	[tilespmem:$0x5080] =	vst v63  }
0x45: {  	_ = 	snop  }
0x46: {  	[tilespmem:s20], [sflag:$0x1] =	stream.indirect_vreg.gather [hbm4b:s3+s2], $0x80, v3, vm0, $0xb8;
	[tilespmem:$0x5080] =	vst v63  }
0x47: {  	_ =	swait.ge [sflag:s21], $0x5000  }
0x48: {  	[sflag:s21] =	ssyncset.done $0x0  }
0x49: {  	[sflag:s21] =	ssyncadd.s32 $0xFFFFB000  }
0x4a: {  	[hbm4b:s24+s2] =	stream.linear.scatter [tilespmem:s11], [sflag:$0x2], $0x5000, $0x38;
	[tilespmem:$0x5080] =	vst v63  }
0x4b: {  	_ =	swait.ge [sflag:s10], $0x5000  }
0x4c: {  	[sflag:s10] =	ssyncset.done $0x0  }
0x4d: {  	s31 =	sadd.s32 s25, s8;
	[sflag:s10] =	ssyncadd.s32 $0xFFFFB000  }
0x4e: {  	[tilespmem:s2], [sflag:$0x2] =	stream.linear.gather [hbm4b:s31+s2], $0x50, $0x38;
	[tilespmem:$0x5080] =	vst v63  }
0x4f: {  	_ =	swait.ge [sflag:s10], $0x50  }
0x50: {  	[sflag:s10] =	ssyncset.done $0x0  }
0x51: {  	[sflag:s10] =	ssyncadd.s32 $0xFFFFFFB0  }
0x52: {  	v3 =	vld [tilespmem:$0x0];
	_ =	sdelay $0x4  }
0x53: {  	v59 =	vshll.u32 v3, $0x1  }
0x54: {  	v3 =	vand.u32 $0x7, v3;
	v4 =	vand.u32 $0xFFFFFFF0, v59  }
0x55: {  	v3 =	vor.u32 v3, v4  }
0x56: {  	v4 =	vperm.xlane v3, v0;
	_ =	sdelay $0x1  }
0x57: {  	v3 =	vperm.xlane v3, v2;
	v4 =	vadd.s32 v1, v4;
	_ =	sdelay $0x1  }
0x58: {  	v3 =	vadd.s32 v1, v3;
	_ =	sdelay $0x2  }
0x59: {  	[tilespmem:s11], [sflag:$0x1] =	stream.indirect_vreg.gather [hbm4b:s4+s2], $0x80, v4, vm0, $0xb8;
	[tilespmem:$0x5080] =	vst v63  }
0x5a: {  	_ = 	snop  }
0x5b: {  	[tilespmem:s12], [sflag:$0x1] =	stream.indirect_vreg.gather [hbm4b:s4+s2], $0x80, v3, vm0, $0xb8;
	[tilespmem:$0x5080] =	vst v63  }
0x5c: {  	v3 =	vld [tilespmem:$0x10];
	_ =	sdelay $0x4  }
0x5d: {  	v60 =	vshll.u32 v3, $0x1  }
0x5e: {  	v3 =	vand.u32 $0x7, v3;
	v4 =	vand.u32 $0xFFFFFFF0, v60  }
0x5f: {  	v3 =	vor.u32 v3, v4  }
0x60: {  	v4 =	vperm.xlane v3, v0;
	_ =	sdelay $0x1  }
0x61: {  	v3 =	vperm.xlane v3, v2;
	v4 =	vadd.s32 v1, v4;
	_ =	sdelay $0x1  }
0x62: {  	v3 =	vadd.s32 v1, v3;
	_ =	sdelay $0x2  }
0x63: {  	[tilespmem:s13], [sflag:$0x1] =	stream.indirect_vreg.gather [hbm4b:s4+s2], $0x80, v4, vm0, $0xb8;
	[tilespmem:$0x5080] =	vst v63  }
0x64: {  	_ = 	snop  }
0x65: {  	[tilespmem:s14], [sflag:$0x1] =	stream.indirect_vreg.gather [hbm4b:s4+s2], $0x80, v3, vm0, $0xb8;
	[tilespmem:$0x5080] =	vst v63  }
0x66: {  	v3 =	vld [tilespmem:$0x20];
	_ =	sdelay $0x4  }
0x67: {  	v61 =	vshll.u32 v3, $0x1  }
0x68: {  	v3 =	vand.u32 $0x7, v3;
	v4 =	vand.u32 $0xFFFFFFF0, v61  }
0x69: {  	v3 =	vor.u32 v3, v4  }
0x6a: {  	v4 =	vperm.xlane v3, v0;
	_ =	sdelay $0x1  }
0x6b: {  	v3 =	vperm.xlane v3, v2;
	v4 =	vadd.s32 v1, v4;
	_ =	sdelay $0x1  }
0x6c: {  	v3 =	vadd.s32 v1, v3;
	_ =	sdelay $0x2  }
0x6d: {  	[tilespmem:s15], [sflag:$0x1] =	stream.indirect_vreg.gather [hbm4b:s4+s2], $0x80, v4, vm0, $0xb8;
	[tilespmem:$0x5080] =	vst v63  }
0x6e: {  	_ = 	snop  }
0x6f: {  	[tilespmem:s16], [sflag:$0x1] =	stream.indirect_vreg.gather [hbm4b:s4+s2], $0x80, v3, vm0, $0xb8;
	[tilespmem:$0x5080] =	vst v63  }
0x70: {  	v3 =	vld [tilespmem:$0x30];
	_ =	sdelay $0x4  }
0x71: {  	v62 =	vshll.u32 v3, $0x1  }
0x72: {  	v3 =	vand.u32 $0x7, v3;
	v4 =	vand.u32 $0xFFFFFFF0, v62  }
0x73: {  	v3 =	vor.u32 v3, v4  }
0x74: {  	v4 =	vperm.xlane v3, v0;
	_ =	sdelay $0x1  }
0x75: {  	v3 =	vperm.xlane v3, v2;
	v4 =	vadd.s32 v1, v4;
	_ =	sdelay $0x1  }
0x76: {  	v3 =	vadd.s32 v1, v3;
	_ =	sdelay $0x2  }
0x77: {  	[tilespmem:s17], [sflag:$0x1] =	stream.indirect_vreg.gather [hbm4b:s4+s2], $0x80, v4, vm0, $0xb8;
	[tilespmem:$0x5080] =	vst v63  }
0x78: {  	_ = 	snop  }
0x79: {  	[tilespmem:s18], [sflag:$0x1] =	stream.indirect_vreg.gather [hbm4b:s4+s2], $0x80, v3, vm0, $0xb8;
	[tilespmem:$0x5080] =	vst v63  }
0x7a: {  	v3 =	vld [tilespmem:$0x40];
	_ =	sdelay $0x4  }
0x7b: {  	v63 =	vshll.u32 v3, $0x1  }
0x7c: {  	v3 =	vand.u32 $0x7, v3;
	v4 =	vand.u32 $0xFFFFFFF0, v63  }
0x7d: {  	v3 =	vor.u32 v3, v4  }
0x7e: {  	v4 =	vperm.xlane v3, v0;
	_ =	sdelay $0x1  }
0x7f: {  	v3 =	vperm.xlane v3, v2;
	v4 =	vadd.s32 v1, v4;
	_ =	sdelay $0x1  }
0x80: {  	v3 =	vadd.s32 v1, v3;
	_ =	sdelay $0x2  }
0x81: {  	[tilespmem:s19], [sflag:$0x1] =	stream.indirect_vreg.gather [hbm4b:s4+s2], $0x80, v4, vm0, $0xb8;
	[tilespmem:$0x5080] =	vst v63  }
0x82: {  	_ = 	snop  }
0x83: {  	[tilespmem:s20], [sflag:$0x1] =	stream.indirect_vreg.gather [hbm4b:s4+s2], $0x80, v3, vm0, $0xb8;
	[tilespmem:$0x5080] =	vst v63  }
0x84: {  	_ =	swait.ge [sflag:s21], $0x5000  }
0x85: {  	p0 =	sne.s32 s25, $0x4D8;
	[sflag:s21] =	ssyncset.done $0x0  }
.Ltmp0:
0x86: {  	[sflag:s21] =	ssyncadd.s32 $0xFFFFB000;
	(pc) =	sbr.rel @p0 .LBB2_2-.Ltmp0, $4  }
0x87: {  	[hbm4b:s23+s2] =	stream.linear.scatter [tilespmem:s11], [sflag:$0x2], $0x5000, $0x38;
	[tilespmem:$0x5080] =	vst v63  }
0x88: {  	_ =	swait.ge [sflag:s10], $0x5000  }
0x89: {  	s25 =	sadd.s32 $0xA, s25;
	[sflag:s10] =	ssyncset.done $0x0  }
0x8a: {  	s24 =	sadd.s32 $0xA00, s24;
	s23 =	sadd.s32 $0xA00, s23;
	[sflag:s10] =	ssyncadd.s32 $0xFFFFB000  }
0x8b: {  	s22 =	sadd.s32 $0x1, s22  }
0x8c: {  	p0 =	sne.s32 s22, s5  }
.Ltmp1:
0x8d: {  	_ = 	snop;
	(pc) =	sbr.rel @p0 .LBB2_1-.Ltmp1, $1  }
0x8e: {  	_ =	sdelay $0x3  }
0x8f: {  	_ =	sfence.sel $0x180000  }
0x90: {  	[bflag:$0x0] =	sbarrier.arrive $0xFFFF  }
0x91: {  	p0 =	sne.s32 s1, $0x0;
	_ =	strace $0x90000047  }
0x92: {  	s0 =	sadd.s32 @!p0 $0x100000, s0;
	[bflag:$0x2] =	sbarrier.arrive $0xFFFF  }
0x93: {  	[sflag:s0] =	ssyncadd.tile.s32 @!p0 $0x1;
	_ =	shalt  }
.Lfunc_end2:
_tile_overlayer_lowered:
.L_overlay_start_2:
0x94: {  	(tag) =	ssettag $0x2  }
0x95: {  	s0 =	rddreg [dreg:$0x0];
	s2 =	stileid.u32  }
0x96: {  	s1 =	rddreg [dreg:$0x1];
	p0 =	sne.s32 s2, $0x0  }
0x97: {  	s3 =	rddreg [dreg:$0x2];
	[bflag:$0x3] =	sbarrier.arrive $0xFFFF;
	s2 =	simm.s32 @!p0 $0x1C02  }
0x98: {  	[timem:s3], [sflag:s2] =	dma.local @!p0 [hbm:s0], s1  }
0x99: {  	s0 =	simm.s32 @!p0 $0x2  }
0x9a: {  	_ =	swait.ge @!p0 [sflag:s0], s1  }
0x9b: {  	s1 =	ssub.s32 @!p0 $0x0, s1;
	[sflag:s0] =	ssyncset.done @!p0 $0x0  }
0x9c: {  	[sflag:s0] =	ssyncadd.s32 @!p0 s1  }
0x9d: {  	[bflag:$0x3] =	sbarrier.arrive $0xFFFF  }
0x9e: {  	_ =	shalt  }

// kernel: kernel.15.cloned.1.call-start
scs
__scs_entry_jumppad:
0x0: {  	(pc) =	sbr.rel $0x88, $3  }
0x1: {  	(tag) =	ssettag $0x0;
	lr =	simm.s32 $0x1  }
0x2: {  	[smem:$0x3F90] =	sst lr;
	_ =	strace $0xD0000000  }
0x3: {  	_ = 	snop  }
0x4: {  	_ = 	snop  }
0x5: {  	_ = 	snop  }
0x6: {  	_ = 	snop  }
0x7: {  	_ = 	snop  }
__scs_overlays_trampoline_lowered:
0x8: {  	[smem:$0x3F9F] =	sst s0  }
0x9: {  	[smem:$0x3FA0] =	sst s1  }
0xa: {  	[smem:$0x3FA1] =	sst s2  }
0xb: {  	[smem:$0x3FA2] =	sst s3  }
0xc: {  	[smem:$0x3FA3] =	sst s4  }
0xd: {  	[smem:$0x3FA4] =	sst s5  }
0xe: {  	[smem:$0x3FA5] =	sst s6  }
0xf: {  	[smem:$0x3FA6] =	sst s7  }
0x10: {  	[smem:$0x3FA7] =	sst s8  }
0x11: {  	[smem:$0x3FA8] =	sst s9;
	s0 =	simm.s32 @!p0 $0x0  }
0x12: {  	s1 =	sld [smem:$0x3F8E];
	s0 =	simm.s32 @p0 $0x1  }
0x13: {  	[smem:$0x3FA9] =	sst s0;
	s0 =	simm.s32 @!p1 $0x0  }
0x14: {  	s2 =	sld [smem:$0x3F8D];
	s0 =	simm.s32 @p1 $0x1  }
0x15: {  	[smem:$0x3FAA] =	sst s0;
	s0 =	simm.s32 @!p2 $0x0  }
0x16: {  	s3 =	sld [smem:$0x3FDB];
	s0 =	simm.s32 @p2 $0x1  }
0x17: {  	s4 =	simm.s32 $0x1BF5;
	[smem:$0x3FAC] =	sst s0  }
0x18: {  	s0 =	sld [smem:$0x3F8F];
	_ =	swait.ge [sflag:s4], $0x0  }
0x19: {  	s7 =	sld [smem:$0x3F90]  }
0x1a: {  	s8 =	sadd.s32 $0xFFFFE003, lr  }
0x1b: {  	s9 =	sadd.s32 $0xFFFFFEF7, lr;
	s5 =	simm.s32 $0xFFFFFFFF;
	p2 =	slt.u32 s8, $0xFFFFF086  }
0x1c: {  	p1 =	slt.u32 s9, $0xF7A;
	s5 =	simm.s32 @!p2 $0x0  }
0x1d: {  	s5 =	simm.s32 @p1 $0x1;
	p0 =	seq.s32 s7, s2  }
0x1e: {  	s7 =	smul.u32 @!p0 $0xF7A, s2;
	p2 =	seq.s32 @!p0 s5, $0x0  }
0x1f: {  	s9 =	smul.u32 $0xF7A, s1;
	s8 =	simm.s32 @!p0 $0x1BF5;
	p2 =	por !p2, p0  }
0x20: {  	[sflag:s8] =	ssyncset.s32 @!p0 $0xFFFFF086;
	s6 =	sadd.s32 @!p0 s3, s7;
	s7 =	simm.s32 @!p0 $0x108  }
0x21: {  	s3 =	sadd.s32 s3, s9;
	s6 =	sadd.s32 @!p0 $0x88, s6;
	s7 =	simm.s32 @p2 $0x1082  }
0x22: {  	[simem:s7], [sflag:s8] =	dma.local @!p0 [hbm:s6], $0xF7A  }
0x23: {  	s9 =	sor.u32 $0xD0000000, s2;
	s6 =	simm.s32 $0x108;
	_ =	swait.ge @!p0 [sflag:s8], $0x0  }
0x24: {  	s3 =	sadd.s32 $0x88, s3;
	s6 =	simm.s32 @!p1 $0x1082;
	[sflag:s4] =	ssyncset.s32 $0xFFFFF086  }
0x25: {  	[simem:s6], [sflag:s4] =	dma.local [hbm:s3], $0xF7A  }
0x26: {  	[smem:$0x3F90] =	sst s1;
	(tag) =	ssettag s2;
	_ =	strace s9  }
0x27: {  	s1 =	sld [smem:$0x3FA0]  }
0x28: {  	s2 =	sld [smem:$0x3FA1]  }
0x29: {  	s4 =	sld [smem:$0x3FA3]  }
0x2a: {  	p0 =	seq.s32 s5, $0x0;
	s5 =	sld [smem:$0x3FA4]  }
0x2b: {  	s6 =	sld [smem:$0x3FA5]  }
0x2c: {  	s7 =	sld [smem:$0x3FA6]  }
0x2d: {  	s3 =	simm.s32 $0x108;
	s8 =	sld [smem:$0x3FA7]  }
0x2e: {  	s3 =	simm.s32 @!p0 $0x1082;
	s9 =	sld [smem:$0x3FA8]  }
0x2f: {  	lr =	sadd.s32 s0, s3;
	s0 =	sld [smem:$0x3F9F]  }
0x30: {  	s3 =	sld [smem:$0x3FA2]  }
0x31: {  	[smem:$0x3FAB] =	sst s10  }
0x32: {  	s10 =	sld [smem:$0x3FA9];
	_ =	sdelay $0x3  }
0x33: {  	p0 =	seq.s32 s10, $0x1;
	s10 =	sld [smem:$0x3FAB];
	_ =	sdelay $0x3  }
0x34: {  	[smem:$0x3FAB] =	sst s10  }
0x35: {  	s10 =	sld [smem:$0x3FAA];
	_ =	sdelay $0x3  }
0x36: {  	p1 =	seq.s32 s10, $0x1;
	s10 =	sld [smem:$0x3FAB];
	_ =	sdelay $0x3  }
0x37: {  	[smem:$0x3FAB] =	sst s10  }
0x38: {  	s10 =	sld [smem:$0x3FAC]  }
0x39: {  	_ = 	snop;
	(pc) =	sbr.ind lr, $3  }
0x3a: {  	_ = 	snop  }
0x3b: {  	_ = 	snop  }
0x3c: {  	p2 =	seq.s32 s10, $0x1;
	s10 =	sld [smem:$0x3FAB]  }
0x3d: {  	_ =	shalt  }
0x3e: {  	_ =	shalt  }
0x3f: {  	_ =	shalt  }
0x40: {  	_ =	shalt  }
0x41: {  	_ =	shalt  }
0x42: {  	_ =	shalt  }
0x43: {  	_ =	shalt  }
0x44: {  	_ =	shalt  }
0x45: {  	_ =	shalt  }
0x46: {  	_ =	shalt  }
0x47: {  	_ =	shalt  }
0x48: {  	_ =	shalt  }
0x49: {  	_ =	shalt  }
0x4a: {  	_ =	shalt  }
0x4b: {  	_ =	shalt  }
0x4c: {  	_ =	shalt  }
0x4d: {  	_ =	shalt  }
0x4e: {  	_ =	shalt  }
0x4f: {  	_ =	shalt  }
0x50: {  	_ =	shalt  }
0x51: {  	_ =	shalt  }
0x52: {  	_ =	shalt  }
0x53: {  	_ =	shalt  }
0x54: {  	_ =	shalt  }
0x55: {  	_ =	shalt  }
0x56: {  	_ =	shalt  }
0x57: {  	_ =	shalt  }
0x58: {  	_ =	shalt  }
0x59: {  	_ =	shalt  }
0x5a: {  	_ =	shalt  }
0x5b: {  	_ =	shalt  }
0x5c: {  	_ =	shalt  }
0x5d: {  	_ =	shalt  }
0x5e: {  	_ =	shalt  }
0x5f: {  	_ =	shalt  }
0x60: {  	_ =	shalt  }
0x61: {  	_ =	shalt  }
0x62: {  	_ =	shalt  }
0x63: {  	_ =	shalt  }
0x64: {  	_ =	shalt  }
0x65: {  	_ =	shalt  }
0x66: {  	_ =	shalt  }
0x67: {  	_ =	shalt  }
0x68: {  	_ =	shalt  }
0x69: {  	_ =	shalt  }
0x6a: {  	_ =	shalt  }
0x6b: {  	_ =	shalt  }
0x6c: {  	_ =	shalt  }
0x6d: {  	_ =	shalt  }
0x6e: {  	_ =	shalt  }
0x6f: {  	_ =	shalt  }
0x70: {  	_ =	shalt  }
0x71: {  	_ =	shalt  }
0x72: {  	_ =	shalt  }
0x73: {  	_ =	shalt  }
0x74: {  	_ =	shalt  }
0x75: {  	_ =	shalt  }
0x76: {  	_ =	shalt  }
0x77: {  	_ =	shalt  }
0x78: {  	_ =	shalt  }
0x79: {  	_ =	shalt  }
0x7a: {  	_ =	shalt  }
0x7b: {  	_ =	shalt  }
0x7c: {  	_ =	shalt  }
0x7d: {  	_ =	shalt  }
0x7e: {  	_ =	shalt  }
0x7f: {  	_ =	shalt  }
0x80: {  	_ =	shalt  }
0x81: {  	_ =	shalt  }
0x82: {  	_ =	shalt  }
0x83: {  	_ =	shalt  }
0x84: {  	_ =	shalt  }
0x85: {  	_ =	shalt  }
0x86: {  	_ =	shalt  }
0x87: {  	_ =	shalt  }
.Lfunc_end0:
.L_simem_size_0:
called_computation.1_lowered:
.L_overlay_start_0:
0x88: {  	s2 =	sld [smem:$0x3FD9]  }
0x89: {  	s3 =	sld [smem:$0x3FFE];
	_ =	sdelay $0x1  }
0x8a: {  	s1 =	srdreg.scid  }
0x8b: {  	s0 =	sand.u32 $0x1, s1  }
0x8c: {  	s17 =	sshll.u32 s0, $0xA;
	s2 =	sadd.s32 s3, s2  }
0x8d: {  	s2 =	sadd.s32 s2, s17  }
0x8e: {  	[smem:$0x3FB7] =	sst s2  }
0x8f: {  	_ = 	snop  }
0x90: {  	s2 =	sld [smem:$0x3FD0];
	(tm) =	ssettm $0x1  }
0x91: {  	s18 =	sld [smem:$0x3FFB];
	_ =	sdelay $0x3  }
0x92: {  	_ =	strace s18  }
0x93: {  	s3 =	sld [smem:$0x3FFC];
	_ =	sdelay $0x3  }
0x94: {  	_ =	strace s3  }
0x95: {  	s3 =	sld [smem:$0x3FFD];
	_ =	sdelay $0x3  }
0x96: {  	_ =	strace s3  }
0x97: {  	_ =	strace $0x8FFFFFFF  }
0x98: {  	s19 =	sld [smem:$0x3FDB];
	_ =	sdelay $0x1  }
0x99: {  	s4 =	simm.s32 $_scs_section_size  }
0x9a: {  	s5 =	simm.s32 $_size__tile_overlayer_lowered;
	s6 =	simm.s32 $_tile_overlayer_lowered  }
0x9b: {  	s22 =	simm.s32 $0x1BFF;
	s21 =	sshll.u32 s6, $0x1;
	s3 =	sadd.s32 s4, s19  }
0x9c: {  	s7 =	simm.s32 $0x0;
	s20 =	sshll.u32 s5, $0x1;
	s5 =	sadd.s32 s21, s3  }
0x9d: {  	[timem:s7], [sflag:s22] =	dma.local [hbm:s5], s20  }
0x9e: {  	_ =	swait.ge [sflag:s22], s20  }
0x9f: {  	s4 =	ssub.s32 $0x0, s20;
	[sflag:s22] =	ssyncset.done $0x0  }
0xa0: {  	[sflag:s22] =	ssyncadd.s32 s4;
	_ =	sdelay $0x1  }
0xa1: {  	s23 =	simm.s32 $0x1B8B  }
0xa2: {  	_ =	swait.ge [sflag:s23], $0x1  }
0xa3: {  	[sflag:s23] =	ssyncset.done $0x0  }
0xa4: {  	s25 =	simm.s32 $0x1B8E;
	s24 =	sld [smem:$0x3FFE];
	[sflag:s23] =	ssyncadd.s32 $0xFFFFFFFF  }
0xa5: {  	s26 =	simm.s32 $execute0_lowered;
	[smem:$0x3FD2] =	sst s25  }
0xa6: {  	s5 =	sshll.u32 s26, $0x1;
	_ =	strace $0x80000049;
	[dreg:$0x1] =	wrdreg $0xFFFFFFFF  }
0xa7: {  	s28 =	simm.s32 $_size_execute0_lowered;
	s3 =	sadd.s32 s3, s5;
	[dreg:$0x0] =	wrdreg $0x0  }
0xa8: {  	s5 =	sshll.u32 s28, $0x1;
	[dreg:$0x2] =	wrdreg s3  }
0xa9: {  	[dreg:$0x3] =	wrdreg s5  }
0xaa: {  	[dreg:$0x4] =	wrdreg $0xC0  }
0xab: {  	_ =	task [dreg:s7], $0x5FFFF  }
0xac: {  	[dreg:$0x1] =	wrdreg $0xFFFFFFFF  }
0xad: {  	[dreg:$0x0] =	wrdreg $0x60  }
0xae: {  	[dreg:$0x2] =	wrdreg s24  }
0xaf: {  	[dreg:$0x3] =	wrdreg s2  }
0xb0: {  	[dreg:$0x4] =	wrdreg $0x78800  }
0xb1: {  	[dreg:$0x5] =	wrdreg $0x9  }
0xb2: {  	_ =	task.clear_ibuf [dreg:s7], $0x6FFFF;
	_ =	strace $0x90000049  }
0xb3: {  	s29 =	simm.s32 $0x9;
	_ =	strace $0x8000004B  }
0xb4: {  	_ =	swait.ge [sflag:s29], $0x1  }
0xb5: {  	[sflag:s29] =	ssyncadd.s32 $0xFFFFFFFF  }
0xb6: {  	_ =	strace $0x9000004B  }
0xb7: {  	_ =	sfence  }
0xb8: {  	s30 =	sld [smem:$0x0];
	_ =	sdelay $0x2  }
0xb9: {  	s31 =	sshll.u32 s1, $0xD;
	s1 =	sshrl.u32 s1, $0x2  }
0xba: {  	s3 =	sand.u32 $0x4000, s31;
	s1 =	sadd.s32 s1, s30  }
0xbb: {  	s0 =	sor.u32 s3, s0;
	s1 =	sshll.u32 s1, $0x11  }
0xbc: {  	s0 =	sor.u32 s1, s0  }
0xbd: {  	s0 =	sadd.s32 $0x8F2B, s0  }
0xbe: {  	[sflag:s0] =	ssyncadd.remote.s32 $0x1  }
0xbf: {  	_ =	sfence.sel $0xFFFF  }
0xc0: {  	[dreg:$0x0] =	wrdreg $0xFFFFFFFF;
	(pc) =	sbr.abs _section_cstart, $3  }
0xc1: {  	[dreg:$0x1] =	wrdreg $0xFFFFFFFF  }
0xc2: {  	_ =	task.clear_ibuf [dreg:s7], $0x2FFFF;
	_ =	strace $0x9FFFFFFF  }
0xc3: {  	(tm) =	ssettm $0x7FFFFFFF  }
tec
execute0_lowered:
.L_overlay_start_1:
0x0: {  	(tag) =	ssettag $0x1  }
0x1: {  	s4 =	rddreg [dreg:$0x0];
	s2 =	srdreg.scid  }
0x2: {  	s10 =	rddreg [dreg:$0x1];
	s5 =	sand.u32 $0x1, s2  }
0x3: {  	s2 =	stileid.u32;
	s6 =	smul.u32 $0x2710000, s5  }
0x4: {  	s1 =	rddreg [dreg:$0x2];
	s7 =	smul.u32 $0x271000, s2  }
0x5: {  	s0 =	rddreg [dreg:$0x3];
	s8 =	smul.u32 $0x138800, s5  }
0x6: {  	s3 =	simm.s32 $0x0;
	s16 =	simm.s32 $0x2880;
	s22 =	smul.u32 $0x2800, s2  }
0x7: {  	s17 =	simm.s32 $0x5100;
	s18 =	simm.s32 $0x400;
	s11 =	smul.u32 $0x9C4, s2  }
0x8: {  	s19 =	simm.s32 $0x0;
	[smem:$0x7FF] =	sst s3;
	s26 =	smul.u32 $0x4E20, s2  }
0x9: {  	_ =	strace $0x8000004A;
	s9 =	sshll.u32 s5, $0x4;
	s13 =	smul.u32 $0x4E200, s5  }
0xa: {  	s29 =	ssub.s32 $0x2, s5;
	s14 =	ssub.s32 $0x8C, s2;
	s15 =	smul.u32 $0xA000, s2  }
0xb: {  	s9 =	sor.u32 s2, s9;
	s30 =	sshrl.u32 s29, $0x1;
	s6 =	sadd.s32 s7, s6  }
0xc: {  	s23 =	sadd.s32 s22, s8;
	s24 =	smul.u32 $0x2780, s9;
	s25 =	sadd.s32 s11, s4  }
0xd: {  	s31 =	sshrl.u32 s15, $0x2;
	s8 =	sadd.s32 s26, s13;
	s15 =	simm.s32 $0x50  }
0xe: {  	s6 =	sshrl.u32 s6, $0x3;
	s13 =	sshrl.u32 s8, $0x3;
	s9 =	sadd.s32 $0xEC00, s25  }
0xf: {  	s12 =	sadd.s32 s6, s4;
	s6 =	sshrl.u32 s23, $0x3;
	s7 =	sadd.s32 s24, s4  }
0x10: {  	s10 =	sadd.s32 s13, s10;
	s13 =	simm.s32 $0x1;
	s28 =	sadd.s32 s6, s4  }
0x11: {  	s6 =	ssub.s32 s29, s30;
	s4 =	sshrl.u32 s14, $0x4;
	s5 =	sadd.s32 $0x66C00, s7  }
0x12: {  	s7 =	sadd.s32 s31, s1;
	s8 =	sadd.s32 $0x191EE00, s12;
	s12 =	simm.s32 $0x2900  }
0x13: {  	v0 =	vimm.f32 $0.0e+00;
	s14 =	simm.s32 $0x80;
	s6 =	smax.u32 s6, $0x1;
	s11 =	sadd.s32 $0x18A00, s28  }
.LBB2_1:
0x14: {  	s20 =	simm.s32 $0x0;
	s21 =	simm.s32 $0x200  }
.LBB2_2:
0x15: {  	p0 =	sne.s32 s21, $0x9E00;
	[tilespmem:s20+$0x2970] =	vst v0  }
0x16: {  	[tilespmem:s20+$0x2900] =	vst v0  }
0x17: {  	[tilespmem:s20+$0x2910] =	vst v0  }
.Ltmp0:
0x18: {  	[tilespmem:s20+$0x2920] =	vst v0;
	(pc) =	sbr.rel @p0 .LBB2_2-.Ltmp0, $4  }
0x19: {  	[tilespmem:s20+$0x2930] =	vst v0  }
0x1a: {  	[tilespmem:s20+$0x2940] =	vst v0  }
0x1b: {  	[tilespmem:s20+$0x2950] =	vst v0  }
0x1c: {  	[tilespmem:s20+$0x2960] =	vst v0;
	s20 =	sshra.s32 s21, $0x2;
	s21 =	sadd.s32 $0x200, s21  }
0x1d: {  	[tilespmem:s20+$0x2970] =	vst v0  }
0x1e: {  	[tilespmem:s20+$0x2900] =	vst v0  }
0x1f: {  	[tilespmem:s20+$0x2910] =	vst v0  }
0x20: {  	[tilespmem:s20+$0x2920] =	vst v0  }
0x21: {  	[tilespmem:s20+$0x2930] =	vst v0  }
0x22: {  	[tilespmem:s20+$0x2940] =	vst v0  }
0x23: {  	[tilespmem:s20+$0x2950] =	vst v0  }
0x24: {  	[tilespmem:s20+$0x2960] =	vst v0;
	s20 =	simm.s32 $0x40;
	s21 =	simm.s32 $0x0  }
.LBB2_4:
0x25: {  	p0 =	sne.s32 s20, $0x9C00;
	[tilespmem:s21+$0x5100] =	vst v0;
	s21 =	smov.u32 s20;
	s20 =	sadd.s32 $0x40, s20  }
.Ltmp1:
0x26: {  	(pc) =	sbr.rel @p0 .LBB2_4-.Ltmp1, $2  }
0x27: {  	_ =	sdelay $0x2  }
0x28: {  	s21 =	sshra.s32 s21, $0x2  }
0x29: {  	p0 =	sne.s32 s4, $0x1  }
.Ltmp2:
0x2a: {  	_ = 	snop;
	(pc) =	sbr.rel @!p0 .LBB2_7-.Ltmp2, $4  }
0x2b: {  	[tilespmem:s21+$0x5100] =	vst v0  }
0x2c: {  	[spmem:s7] =	stream.linear.scatter [tilespmem:s12], [sflag:$0x1], $0x2800, $0x38;
	[tilespmem:$0x1B100] =	vst v63  }
0x2d: {  	_ =	swait.ge [sflag:s13], $0x2800  }
0x2e: {  	s20 =	sadd.s32 $0xFFFFFFFF, s4;
	s21 =	smov.u32 s7;
	[sflag:s13] =	ssyncset.done $0x0  }
.LBB2_6:
0x2f: {  	p1 =	sne.s32 s20, $0x1;
	[sflag:s13] =	ssyncadd.s32 $0xFFFFD800;
	s21 =	sadd.s32 $0x28000, s21  }
.Ltmp3:
0x30: {  	s20 =	sadd.s32 $0xFFFFFFFF, s20;
	(pc) =	sbr.rel @p1 .LBB2_6-.Ltmp3, $4  }
0x31: {  	_ = 	snop  }
0x32: {  	[spmem:s21] =	stream.linear.scatter [tilespmem:s12], [sflag:$0x1], $0x2800, $0x38;
	[tilespmem:$0x1B100] =	vst v63  }
0x33: {  	_ =	swait.ge [sflag:s13], $0x2800  }
0x34: {  	[sflag:s13] =	ssyncset.done $0x0  }
.LBB2_7:
0x35: {  	[sflag:s13] =	ssyncadd.s32 $0xFFFFD800  }
0x36: {  	s20 =	simm.s32 $0x0;
	s21 =	smov.u32 s8;
	[bflag:$0x0] =	sbarrier.arrive $0xFFFF  }
.LBB2_8:
0x37: {  	s22 =	sadd.s32 s20, s9  }
0x38: {  	[tilespmem:s3], [sflag:$0x1] =	stream.linear.gather [hbm4b:s22+s3], $0x50, $0x38;
	[tilespmem:$0x1B100] =	vst v63  }
0x39: {  	_ =	swait.ge [sflag:s13], $0x50  }
0x3a: {  	[sflag:s13] =	ssyncset.done $0x0  }
0x3b: {  	[sflag:s13] =	ssyncadd.s32 $0xFFFFFFB0  }
0x3c: {  	[tilespmem:s14], [sflag:$0x1] =	stream.linear.gather [hbm4b:s21+s3], $0x2800, $0x38;
	[tilespmem:$0x1B100] =	vst v63  }
0x3d: {  	_ =	swait.ge [sflag:s13], $0x2800  }
0x3e: {  	[sflag:s13] =	ssyncset.done $0x0  }
0x3f: {  	[sflag:s13] =	ssyncadd.s32 $0xFFFFD800  }
0x40: {  	[spmem:s1] =	stream.indirect.scatter.add.f32 [tilespmem:s14], [sflag:$0x1], $0x80, s3, s15, $0xb8;
	[tilespmem:$0x1B100] =	vst v63  }
0x41: {  	_ =	swait.ge [sflag:s13], $0x2800  }
0x42: {  	[sflag:s13] =	ssyncset.done $0x0  }
0x43: {  	s31 =	sadd.s32 s20, s10;
	[sflag:s13] =	ssyncadd.s32 $0xFFFFD800  }
0x44: {  	[tilespmem:s16], [sflag:$0x1] =	stream.linear.gather [hbm4b:s31+s3], $0x50, $0x38;
	[tilespmem:$0x1B100] =	vst v63  }
0x45: {  	_ =	swait.ge [sflag:s13], $0x50  }
0x46: {  	[sflag:s13] =	ssyncset.done $0x0  }
0x47: {  	[sflag:s13] =	ssyncadd.s32 $0xFFFFFFB0  }
0x48: {  	v1 =	vld [tilespmem:$0x0];
	_ =	sdelay $0x2  }
0x49: {  	v2 =	vld [tilespmem:$0x2880];
	_ =	sdelay $0x4  }
0x4a: {  	[tilespmem:v1+s17+$0x0] =	vst.idx.add.f32.msk $0xffff, v2  }
0x4b: {  	v1 =	vld [tilespmem:$0x10];
	_ =	sdelay $0x2  }
0x4c: {  	v2 =	vld [tilespmem:$0x2890];
	_ =	sdelay $0x4  }
0x4d: {  	[tilespmem:v1+s17+$0x0] =	vst.idx.add.f32.msk $0xffff, v2  }
0x4e: {  	v1 =	vld [tilespmem:$0x20];
	_ =	sdelay $0x2  }
0x4f: {  	v2 =	vld [tilespmem:$0x28A0];
	_ =	sdelay $0x4  }
0x50: {  	[tilespmem:v1+s17+$0x0] =	vst.idx.add.f32.msk $0xffff, v2  }
0x51: {  	v1 =	vld [tilespmem:$0x30];
	_ =	sdelay $0x2  }
0x52: {  	v2 =	vld [tilespmem:$0x28B0];
	_ =	sdelay $0x4  }
0x53: {  	[tilespmem:v1+s17+$0x0] =	vst.idx.add.f32.msk $0xffff, v2  }
0x54: {  	v1 =	vld [tilespmem:$0x40];
	_ =	sdelay $0x2  }
0x55: {  	p1 =	sne.s32 s20, $0x9BA;
	v2 =	vld [tilespmem:$0x28C0]  }
.Ltmp4:
0x56: {  	_ = 	snop;
	(pc) =	sbr.rel @p1 .LBB2_8-.Ltmp4, $2  }
0x57: {  	_ =	sdelay $0x2  }
0x58: {  	s20 =	sadd.s32 $0xA, s20;
	s21 =	sadd.s32 $0x500, s21;
	[tilespmem:v1+s17+$0x0] =	vst.idx.add.f32.msk $0xffff, v2  }
0x59: {  	[bflag:$0x0] =	sbarrier.arrive $0xFFFF  }
0x5a: {  	[tilespmem:s12], [sflag:$0x1] =	stream.linear.gather [spmem:s7], $0x2800, $0x38;
	[tilespmem:$0x1B100] =	vst v63  }
0x5b: {  	_ =	swait.ge [sflag:s13], $0x2800  }
.Ltmp5:
0x5c: {  	[sflag:s13] =	ssyncset.done $0x0;
	(pc) =	sbr.rel @!p0 .LBB2_11-.Ltmp5, $4  }
0x5d: {  	[sflag:s13] =	ssyncadd.s32 $0xFFFFD800  }
0x5e: {  	[hbm4b:s11+s3] =	stream.linear.scatter [tilespmem:s12], [sflag:$0x1], $0x2800, $0x38;
	[tilespmem:$0x1B100] =	vst v63  }
0x5f: {  	s20 =	sadd.s32 $0xFFFFFFFF, s4;
	_ =	swait.ge [sflag:s13], $0x2800  }
0x60: {  	s21 =	smov.u32 s7;
	s22 =	smov.u32 s11;
	[sflag:s13] =	ssyncset.done $0x0  }
.LBB2_10:
0x61: {  	[sflag:s13] =	ssyncadd.s32 $0xFFFFD800;
	s21 =	sadd.s32 $0x28000, s21;
	s22 =	sadd.s32 $0x5000, s22  }
0x62: {  	[tilespmem:s12], [sflag:$0x1] =	stream.linear.gather [spmem:s21], $0x2800, $0x38;
	[tilespmem:$0x1B100] =	vst v63  }
0x63: {  	p0 =	sne.s32 s20, $0x1;
	s20 =	sadd.s32 $0xFFFFFFFF, s20;
	_ =	swait.ge [sflag:s13], $0x2800  }
.Ltmp6:
0x64: {  	[sflag:s13] =	ssyncset.done $0x0;
	(pc) =	sbr.rel @p0 .LBB2_10-.Ltmp6, $4  }
0x65: {  	[sflag:s13] =	ssyncadd.s32 $0xFFFFD800  }
0x66: {  	[hbm4b:s22+s3] =	stream.linear.scatter [tilespmem:s12], [sflag:$0x1], $0x2800, $0x38;
	[tilespmem:$0x1B100] =	vst v63  }
0x67: {  	_ =	swait.ge [sflag:s13], $0x2800  }
0x68: {  	[sflag:s13] =	ssyncset.done $0x0  }
.LBB2_11:
0x69: {  	s19 =	sadd.s32 $0x1, s19  }
0x6a: {  	p0 =	sne.s32 s19, s6  }
.Ltmp7:
0x6b: {  	[sflag:s13] =	ssyncadd.s32 $0xFFFFD800;
	(pc) =	sbr.rel @p0 .LBB2_1-.Ltmp7, $4  }
0x6c: {  	[hbm4b:s5+s14] =	stream.strided.scatter [tilespmem:s17], [sflag:$0x1], $0x2780, s18, s14, $0x38;
	[tilespmem:$0x1B100] =	vst v63  }
0x6d: {  	_ =	swait.ge [sflag:s13], $0x2780  }
0x6e: {  	[sflag:s13] =	ssyncset.done $0x0  }
0x6f: {  	[sflag:s13] =	ssyncadd.s32 $0xFFFFD880  }
0x70: {  	_ =	sfence.sel $0x180000  }
0x71: {  	[bflag:$0x0] =	sbarrier.arrive $0xFFFF  }
0x72: {  	p0 =	sne.s32 s2, $0x0;
	_ =	strace $0x9000004A  }
0x73: {  	s0 =	sadd.s32 @!p0 $0x100000, s0;
	[bflag:$0x2] =	sbarrier.arrive $0xFFFF  }
0x74: {  	[sflag:s0] =	ssyncadd.tile.s32 @!p0 $0x1;
	_ =	shalt  }
.Lfunc_end2:
_tile_overlayer_lowered:
.L_overlay_start_2:
0x75: {  	(tag) =	ssettag $0x2  }
0x76: {  	s0 =	rddreg [dreg:$0x0];
	s2 =	stileid.u32  }
0x77: {  	s1 =	rddreg [dreg:$0x1];
	p0 =	sne.s32 s2, $0x0  }
0x78: {  	s3 =	rddreg [dreg:$0x2];
	[bflag:$0x3] =	sbarrier.arrive $0xFFFF;
	s2 =	simm.s32 @!p0 $0x1C01  }
0x79: {  	[timem:s3], [sflag:s2] =	dma.local @!p0 [hbm:s0], s1  }
0x7a: {  	s0 =	simm.s32 @!p0 $0x1  }
0x7b: {  	_ =	swait.ge @!p0 [sflag:s0], s1  }
0x7c: {  	s1 =	ssub.s32 @!p0 $0x0, s1;
	[sflag:s0] =	ssyncset.done @!p0 $0x0  }
0x7d: {  	[sflag:s0] =	ssyncadd.s32 @!p0 s1  }
0x7e: {  	[bflag:$0x3] =	sbarrier.arrive $0xFFFF  }
0x7f: {  	_ =	shalt  }

// kernel: kernel.18.cloned.1.call-start
scs
__scs_entry_jumppad:
0x0: {  	(pc) =	sbr.rel $0x88, $3  }
0x1: {  	(tag) =	ssettag $0x0;
	lr =	simm.s32 $0x1  }
0x2: {  	[smem:$0x3F90] =	sst lr;
	_ =	strace $0xD0000000  }
0x3: {  	_ = 	snop  }
0x4: {  	_ = 	snop  }
0x5: {  	_ = 	snop  }
0x6: {  	_ = 	snop  }
0x7: {  	_ = 	snop  }
__scs_overlays_trampoline_lowered:
0x8: {  	[smem:$0x3F9F] =	sst s0  }
0x9: {  	[smem:$0x3FA0] =	sst s1  }
0xa: {  	[smem:$0x3FA1] =	sst s2  }
0xb: {  	[smem:$0x3FA2] =	sst s3  }
0xc: {  	[smem:$0x3FA3] =	sst s4  }
0xd: {  	[smem:$0x3FA4] =	sst s5  }
0xe: {  	[smem:$0x3FA5] =	sst s6  }
0xf: {  	[smem:$0x3FA6] =	sst s7  }
0x10: {  	[smem:$0x3FA7] =	sst s8  }
0x11: {  	[smem:$0x3FA8] =	sst s9;
	s0 =	simm.s32 @!p0 $0x0  }
0x12: {  	s1 =	sld [smem:$0x3F8E];
	s0 =	simm.s32 @p0 $0x1  }
0x13: {  	[smem:$0x3FA9] =	sst s0;
	s0 =	simm.s32 @!p1 $0x0  }
0x14: {  	s2 =	sld [smem:$0x3F8D];
	s0 =	simm.s32 @p1 $0x1  }
0x15: {  	[smem:$0x3FAA] =	sst s0;
	s0 =	simm.s32 @!p2 $0x0  }
0x16: {  	s3 =	sld [smem:$0x3FDB];
	s0 =	simm.s32 @p2 $0x1  }
0x17: {  	s4 =	simm.s32 $0x1BF5;
	[smem:$0x3FAC] =	sst s0  }
0x18: {  	s0 =	sld [smem:$0x3F8F];
	_ =	swait.ge [sflag:s4], $0x0  }
0x19: {  	s7 =	sld [smem:$0x3F90]  }
0x1a: {  	s8 =	sadd.s32 $0xFFFFE003, lr  }
0x1b: {  	s9 =	sadd.s32 $0xFFFFFEF7, lr;
	s5 =	simm.s32 $0xFFFFFFFF;
	p2 =	slt.u32 s8, $0xFFFFF086  }
0x1c: {  	p1 =	slt.u32 s9, $0xF7A;
	s5 =	simm.s32 @!p2 $0x0  }
0x1d: {  	s5 =	simm.s32 @p1 $0x1;
	p0 =	seq.s32 s7, s2  }
0x1e: {  	s7 =	smul.u32 @!p0 $0xF7A, s2;
	p2 =	seq.s32 @!p0 s5, $0x0  }
0x1f: {  	s9 =	smul.u32 $0xF7A, s1;
	s8 =	simm.s32 @!p0 $0x1BF5;
	p2 =	por !p2, p0  }
0x20: {  	[sflag:s8] =	ssyncset.s32 @!p0 $0xFFFFF086;
	s6 =	sadd.s32 @!p0 s3, s7;
	s7 =	simm.s32 @!p0 $0x108  }
0x21: {  	s3 =	sadd.s32 s3, s9;
	s6 =	sadd.s32 @!p0 $0x88, s6;
	s7 =	simm.s32 @p2 $0x1082  }
0x22: {  	[simem:s7], [sflag:s8] =	dma.local @!p0 [hbm:s6], $0xF7A  }
0x23: {  	s9 =	sor.u32 $0xD0000000, s2;
	s6 =	simm.s32 $0x108;
	_ =	swait.ge @!p0 [sflag:s8], $0x0  }
0x24: {  	s3 =	sadd.s32 $0x88, s3;
	s6 =	simm.s32 @!p1 $0x1082;
	[sflag:s4] =	ssyncset.s32 $0xFFFFF086  }
0x25: {  	[simem:s6], [sflag:s4] =	dma.local [hbm:s3], $0xF7A  }
0x26: {  	[smem:$0x3F90] =	sst s1;
	(tag) =	ssettag s2;
	_ =	strace s9  }
0x27: {  	s1 =	sld [smem:$0x3FA0]  }
0x28: {  	s2 =	sld [smem:$0x3FA1]  }
0x29: {  	s4 =	sld [smem:$0x3FA3]  }
0x2a: {  	p0 =	seq.s32 s5, $0x0;
	s5 =	sld [smem:$0x3FA4]  }
0x2b: {  	s6 =	sld [smem:$0x3FA5]  }
0x2c: {  	s7 =	sld [smem:$0x3FA6]  }
0x2d: {  	s3 =	simm.s32 $0x108;
	s8 =	sld [smem:$0x3FA7]  }
0x2e: {  	s3 =	simm.s32 @!p0 $0x1082;
	s9 =	sld [smem:$0x3FA8]  }
0x2f: {  	lr =	sadd.s32 s0, s3;
	s0 =	sld [smem:$0x3F9F]  }
0x30: {  	s3 =	sld [smem:$0x3FA2]  }
0x31: {  	[smem:$0x3FAB] =	sst s10  }
0x32: {  	s10 =	sld [smem:$0x3FA9];
	_ =	sdelay $0x3  }
0x33: {  	p0 =	seq.s32 s10, $0x1;
	s10 =	sld [smem:$0x3FAB];
	_ =	sdelay $0x3  }
0x34: {  	[smem:$0x3FAB] =	sst s10  }
0x35: {  	s10 =	sld [smem:$0x3FAA];
	_ =	sdelay $0x3  }
0x36: {  	p1 =	seq.s32 s10, $0x1;
	s10 =	sld [smem:$0x3FAB];
	_ =	sdelay $0x3  }
0x37: {  	[smem:$0x3FAB] =	sst s10  }
0x38: {  	s10 =	sld [smem:$0x3FAC]  }
0x39: {  	_ = 	snop;
	(pc) =	sbr.ind lr, $3  }
0x3a: {  	_ = 	snop  }
0x3b: {  	_ = 	snop  }
0x3c: {  	p2 =	seq.s32 s10, $0x1;
	s10 =	sld [smem:$0x3FAB]  }
0x3d: {  	_ =	shalt  }
0x3e: {  	_ =	shalt  }
0x3f: {  	_ =	shalt  }
0x40: {  	_ =	shalt  }
0x41: {  	_ =	shalt  }
0x42: {  	_ =	shalt  }
0x43: {  	_ =	shalt  }
0x44: {  	_ =	shalt  }
0x45: {  	_ =	shalt  }
0x46: {  	_ =	shalt  }
0x47: {  	_ =	shalt  }
0x48: {  	_ =	shalt  }
0x49: {  	_ =	shalt  }
0x4a: {  	_ =	shalt  }
0x4b: {  	_ =	shalt  }
0x4c: {  	_ =	shalt  }
0x4d: {  	_ =	shalt  }
0x4e: {  	_ =	shalt  }
0x4f: {  	_ =	shalt  }
0x50: {  	_ =	shalt  }
0x51: {  	_ =	shalt  }
0x52: {  	_ =	shalt  }
0x53: {  	_ =	shalt  }
0x54: {  	_ =	shalt  }
0x55: {  	_ =	shalt  }
0x56: {  	_ =	shalt  }
0x57: {  	_ =	shalt  }
0x58: {  	_ =	shalt  }
0x59: {  	_ =	shalt  }
0x5a: {  	_ =	shalt  }
0x5b: {  	_ =	shalt  }
0x5c: {  	_ =	shalt  }
0x5d: {  	_ =	shalt  }
0x5e: {  	_ =	shalt  }
0x5f: {  	_ =	shalt  }
0x60: {  	_ =	shalt  }
0x61: {  	_ =	shalt  }
0x62: {  	_ =	shalt  }
0x63: {  	_ =	shalt  }
0x64: {  	_ =	shalt  }
0x65: {  	_ =	shalt  }
0x66: {  	_ =	shalt  }
0x67: {  	_ =	shalt  }
0x68: {  	_ =	shalt  }
0x69: {  	_ =	shalt  }
0x6a: {  	_ =	shalt  }
0x6b: {  	_ =	shalt  }
0x6c: {  	_ =	shalt  }
0x6d: {  	_ =	shalt  }
0x6e: {  	_ =	shalt  }
0x6f: {  	_ =	shalt  }
0x70: {  	_ =	shalt  }
0x71: {  	_ =	shalt  }
0x72: {  	_ =	shalt  }
0x73: {  	_ =	shalt  }
0x74: {  	_ =	shalt  }
0x75: {  	_ =	shalt  }
0x76: {  	_ =	shalt  }
0x77: {  	_ =	shalt  }
0x78: {  	_ =	shalt  }
0x79: {  	_ =	shalt  }
0x7a: {  	_ =	shalt  }
0x7b: {  	_ =	shalt  }
0x7c: {  	_ =	shalt  }
0x7d: {  	_ =	shalt  }
0x7e: {  	_ =	shalt  }
0x7f: {  	_ =	shalt  }
0x80: {  	_ =	shalt  }
0x81: {  	_ =	shalt  }
0x82: {  	_ =	shalt  }
0x83: {  	_ =	shalt  }
0x84: {  	_ =	shalt  }
0x85: {  	_ =	shalt  }
0x86: {  	_ =	shalt  }
0x87: {  	_ =	shalt  }
.Lfunc_end0:
.L_simem_size_0:
called_computation.2_lowered:
.L_overlay_start_0:
0x88: {  	s2 =	sld [smem:$0x3FD9]  }
0x89: {  	s3 =	sld [smem:$0x3FFE];
	_ =	sdelay $0x1  }
0x8a: {  	s1 =	srdreg.scid  }
0x8b: {  	s0 =	sand.u32 $0x1, s1  }
0x8c: {  	s17 =	sshll.u32 s0, $0xA;
	s2 =	sadd.s32 s3, s2  }
0x8d: {  	s2 =	sadd.s32 s2, s17  }
0x8e: {  	[smem:$0x3FB7] =	sst s2  }
0x8f: {  	_ = 	snop  }
0x90: {  	s2 =	sld [smem:$0x3FD0];
	(tm) =	ssettm $0x1  }
0x91: {  	s18 =	sld [smem:$0x3FFB];
	_ =	sdelay $0x3  }
0x92: {  	_ =	strace s18  }
0x93: {  	s3 =	sld [smem:$0x3FFC];
	_ =	sdelay $0x3  }
0x94: {  	_ =	strace s3  }
0x95: {  	s3 =	sld [smem:$0x3FFD];
	_ =	sdelay $0x3  }
0x96: {  	_ =	strace s3  }
0x97: {  	_ =	strace $0x8FFFFFFF  }
0x98: {  	s19 =	sld [smem:$0x3FDB];
	_ =	sdelay $0x1  }
0x99: {  	s4 =	simm.s32 $_scs_section_size  }
0x9a: {  	s5 =	simm.s32 $_size__tile_overlayer_lowered;
	s6 =	simm.s32 $_tile_overlayer_lowered  }
0x9b: {  	s22 =	simm.s32 $0x1BFF;
	s21 =	sshll.u32 s6, $0x1;
	s3 =	sadd.s32 s4, s19  }
0x9c: {  	s7 =	simm.s32 $0x0;
	s20 =	sshll.u32 s5, $0x1;
	s5 =	sadd.s32 s21, s3  }
0x9d: {  	[timem:s7], [sflag:s22] =	dma.local [hbm:s5], s20  }
0x9e: {  	_ =	swait.ge [sflag:s22], s20  }
0x9f: {  	s4 =	ssub.s32 $0x0, s20;
	[sflag:s22] =	ssyncset.done $0x0  }
0xa0: {  	[sflag:s22] =	ssyncadd.s32 s4;
	_ =	sdelay $0x1  }
0xa1: {  	s23 =	simm.s32 $0x1B8B  }
0xa2: {  	_ =	swait.ge [sflag:s23], $0x1  }
0xa3: {  	[sflag:s23] =	ssyncset.done $0x0  }
0xa4: {  	s25 =	simm.s32 $0x1B8E;
	s24 =	sld [smem:$0x3FFE];
	[sflag:s23] =	ssyncadd.s32 $0xFFFFFFFF  }
0xa5: {  	s26 =	simm.s32 $execute0_lowered;
	[smem:$0x3FD2] =	sst s25  }
0xa6: {  	s5 =	sshll.u32 s26, $0x1;
	_ =	strace $0x8000004C;
	[dreg:$0x1] =	wrdreg $0xFFFFFFFF  }
0xa7: {  	s28 =	simm.s32 $_size_execute0_lowered;
	s3 =	sadd.s32 s3, s5;
	[dreg:$0x0] =	wrdreg $0x0  }
0xa8: {  	s5 =	sshll.u32 s28, $0x1;
	[dreg:$0x2] =	wrdreg s3  }
0xa9: {  	[dreg:$0x3] =	wrdreg s5  }
0xaa: {  	[dreg:$0x4] =	wrdreg $0xC0  }
0xab: {  	_ =	task [dreg:s7], $0x5FFFF  }
0xac: {  	[dreg:$0x1] =	wrdreg $0xFFFFFFFF  }
0xad: {  	[dreg:$0x0] =	wrdreg $0x60  }
0xae: {  	[dreg:$0x2] =	wrdreg s2  }
0xaf: {  	[dreg:$0x3] =	wrdreg s24  }
0xb0: {  	[dreg:$0x4] =	wrdreg $0x9  }
0xb1: {  	_ =	task.clear_ibuf [dreg:s7], $0x5FFFF;
	_ =	strace $0x9000004C  }
0xb2: {  	s29 =	simm.s32 $0x9;
	_ =	strace $0x8000004E  }
0xb3: {  	_ =	swait.ge [sflag:s29], $0x1  }
0xb4: {  	[sflag:s29] =	ssyncadd.s32 $0xFFFFFFFF  }
0xb5: {  	_ =	strace $0x9000004E  }
0xb6: {  	_ =	sfence  }
0xb7: {  	s30 =	sld [smem:$0x0];
	_ =	sdelay $0x2  }
0xb8: {  	s31 =	sshll.u32 s1, $0xD;
	s1 =	sshrl.u32 s1, $0x2  }
0xb9: {  	s3 =	sand.u32 $0x4000, s31;
	s1 =	sadd.s32 s1, s30  }
0xba: {  	s0 =	sor.u32 s3, s0;
	s1 =	sshll.u32 s1, $0x11  }
0xbb: {  	s0 =	sor.u32 s1, s0  }
0xbc: {  	s0 =	sadd.s32 $0x8F2B, s0  }
0xbd: {  	[sflag:s0] =	ssyncadd.remote.s32 $0x1  }
0xbe: {  	_ =	sfence.sel $0xFFFF  }
0xbf: {  	[dreg:$0x0] =	wrdreg $0xFFFFFFFF;
	(pc) =	sbr.abs _section_cstart, $3  }
0xc0: {  	[dreg:$0x1] =	wrdreg $0xFFFFFFFF  }
0xc1: {  	_ =	task.clear_ibuf [dreg:s7], $0x2FFFF;
	_ =	strace $0x9FFFFFFF  }
0xc2: {  	(tm) =	ssettm $0x7FFFFFFF  }
0xc3: {  	_ =	shalt  }
tec
execute0_lowered:
.L_overlay_start_1:
0x0: {  	(tag) =	ssettag $0x1  }
0x1: {  	s1 =	rddreg [dreg:$0x0]  }
0x2: {  	s5 =	rddreg [dreg:$0x1]  }
0x3: {  	s0 =	rddreg [dreg:$0x2];
	s3 =	simm.s32 $0x0;
	s4 =	srdreg.scid  }
0x4: {  	s2 =	stileid.u32;
	s11 =	simm.s32 $0x50;
	s12 =	simm.s32 $0x80  }
0x5: {  	s13 =	simm.s32 $0x1;
	s14 =	simm.s32 $0x0;
	s7 =	smul.u32 $0x4E20, s2  }
0x6: {  	[smem:$0x7FF] =	sst s3;
	s6 =	sand.u32 $0x1, s4;
	s9 =	smul.u32 $0x4E200, s2  }
0x7: {  	s4 =	sadd.s32 $0x18A00, s5;
	s8 =	smul.u32 $0x2710, s6;
	s10 =	ssub.s32 $0x2, s6  }
0x8: {  	_ =	strace $0x8000004D;
	s6 =	smul.u32 $0x27100, s6;
	s29 =	sshrl.u32 s10, $0x1  }
0x9: {  	s9 =	sadd.s32 s9, s5;
	s7 =	sadd.s32 s8, s7;
	s8 =	ssub.s32 s10, s29  }
0xa: {  	s31 =	sadd.s32 s6, s9;
	s10 =	simm.s32 $0x2;
	s7 =	sshrl.u32 s7, $0x3  }
0xb: {  	s6 =	sadd.s32 $0x3FC00, s31;
	s30 =	sadd.s32 s7, s5;
	s5 =	smax.u32 s8, $0x1  }
0xc: {  	s7 =	sadd.s32 $0x521C00, s31;
	s8 =	sadd.s32 $0xEC00, s30;
	s9 =	sadd.s32 $0x4E00, s30  }
.LBB2_1:
0xd: {  	s15 =	sadd.s32 $0x0, s9  }
0xe: {  	[tilespmem:s3], [sflag:$0x2] =	stream.linear.gather [hbm4b:s15+s3], $0x50, $0x38;
	[tilespmem:$0x2880] =	vst v63  }
0xf: {  	_ =	swait.ge [sflag:s10], $0x50  }
0x10: {  	[sflag:s10] =	ssyncset.done $0x0  }
0x11: {  	[sflag:s10] =	ssyncadd.s32 $0xFFFFFFB0  }
0x12: {  	[tilespmem:s12], [sflag:$0x1] =	stream.indirect.gather [hbm4b:s1+s11], $0x80, s3, s11, $0xb8;
	[tilespmem:$0x2880] =	vst v63  }
0x13: {  	_ =	swait.ge [sflag:s13], $0x2800  }
0x14: {  	[sflag:s13] =	ssyncset.done $0x0  }
0x15: {  	[sflag:s13] =	ssyncadd.s32 $0xFFFFD800  }
0x16: {  	[hbm4b:s6+s3] =	stream.linear.scatter [tilespmem:s12], [sflag:$0x2], $0x2800, $0x38;
	[tilespmem:$0x2880] =	vst v63  }
0x17: {  	_ =	swait.ge [sflag:s10], $0x2800  }
0x18: {  	[sflag:s10] =	ssyncset.done $0x0  }
0x19: {  	s31 =	sadd.s32 $0x0, s8;
	[sflag:s10] =	ssyncadd.s32 $0xFFFFD800  }
0x1a: {  	[tilespmem:s3], [sflag:$0x2] =	stream.linear.gather [hbm4b:s31+s3], $0x50, $0x38;
	[tilespmem:$0x2880] =	vst v63  }
0x1b: {  	_ =	swait.ge [sflag:s10], $0x50  }
0x1c: {  	[sflag:s10] =	ssyncset.done $0x0  }
0x1d: {  	[sflag:s10] =	ssyncadd.s32 $0xFFFFFFB0  }
0x1e: {  	[tilespmem:s12], [sflag:$0x1] =	stream.indirect.gather [hbm4b:s4+s11], $0x80, s3, s11, $0xb8;
	[tilespmem:$0x2880] =	vst v63  }
0x1f: {  	_ =	swait.ge [sflag:s13], $0x2800  }
0x20: {  	[sflag:s13] =	ssyncset.done $0x0  }
0x21: {  	[sflag:s13] =	ssyncadd.s32 $0xFFFFD800  }
0x22: {  	[hbm4b:s7+s3] =	stream.linear.scatter [tilespmem:s12], [sflag:$0x2], $0x2800, $0x38;
	[tilespmem:$0x2880] =	vst v63  }
0x23: {  	s16 =	simm.s32 $0xA;
	s18 =	simm.s32 $0x14;
	_ =	swait.ge [sflag:s10], $0x2800  }
0x24: {  	s17 =	sadd.s32 $0x500, s6;
	s15 =	sadd.s32 $0x500, s7;
	[sflag:s10] =	ssyncset.done $0x0  }
.LBB2_2:
0x25: {  	s19 =	sadd.s32 s16, s9  }
0x26: {  	[sflag:s10] =	ssyncadd.s32 $0xFFFFD800;
	s20 =	smov.u32 s18;
	s21 =	sadd.s32 $0xA, s18  }
0x27: {  	[tilespmem:s3], [sflag:$0x2] =	stream.linear.gather [hbm4b:s19+s3], $0x50, $0x38;
	[tilespmem:$0x2880] =	vst v63  }
0x28: {  	p0 =	sne.s32 s18, $0x4D8;
	_ =	swait.ge [sflag:s10], $0x50  }
0x29: {  	[sflag:s10] =	ssyncset.done $0x0  }
0x2a: {  	[sflag:s10] =	ssyncadd.s32 $0xFFFFFFB0  }
0x2b: {  	[tilespmem:s12], [sflag:$0x1] =	stream.indirect.gather [hbm4b:s1+s11], $0x80, s3, s11, $0xb8;
	[tilespmem:$0x2880] =	vst v63  }
0x2c: {  	_ =	swait.ge [sflag:s13], $0x2800  }
0x2d: {  	[sflag:s13] =	ssyncset.done $0x0  }
0x2e: {  	[sflag:s13] =	ssyncadd.s32 $0xFFFFD800  }
0x2f: {  	[hbm4b:s17+s3] =	stream.linear.scatter [tilespmem:s12], [sflag:$0x2], $0x2800, $0x38;
	[tilespmem:$0x2880] =	vst v63  }
0x30: {  	_ =	swait.ge [sflag:s10], $0x2800  }
0x31: {  	[sflag:s10] =	ssyncset.done $0x0  }
0x32: {  	s18 =	sadd.s32 s16, s8;
	s16 =	smov.u32 s20;
	[sflag:s10] =	ssyncadd.s32 $0xFFFFD800  }
0x33: {  	[tilespmem:s3], [sflag:$0x2] =	stream.linear.gather [hbm4b:s18+s3], $0x50, $0x38;
	[tilespmem:$0x2880] =	vst v63  }
0x34: {  	_ =	swait.ge [sflag:s10], $0x50  }
0x35: {  	[sflag:s10] =	ssyncset.done $0x0  }
0x36: {  	[sflag:s10] =	ssyncadd.s32 $0xFFFFFFB0  }
0x37: {  	[tilespmem:s12], [sflag:$0x1] =	stream.indirect.gather [hbm4b:s4+s11], $0x80, s3, s11, $0xb8;
	[tilespmem:$0x2880] =	vst v63  }
0x38: {  	_ =	swait.ge [sflag:s13], $0x2800  }
.Ltmp0:
0x39: {  	[sflag:s13] =	ssyncset.done $0x0;
	(pc) =	sbr.rel @p0 .LBB2_2-.Ltmp0, $4  }
0x3a: {  	[sflag:s13] =	ssyncadd.s32 $0xFFFFD800  }
0x3b: {  	[hbm4b:s15+s3] =	stream.linear.scatter [tilespmem:s12], [sflag:$0x2], $0x2800, $0x38;
	[tilespmem:$0x2880] =	vst v63  }
0x3c: {  	s17 =	sadd.s32 $0x500, s17;
	_ =	swait.ge [sflag:s10], $0x2800  }
0x3d: {  	s18 =	smov.u32 s21;
	s15 =	sadd.s32 $0x500, s15;
	[sflag:s10] =	ssyncset.done $0x0  }
0x3e: {  	s18 =	sadd.s32 s16, s9;
	[sflag:s10] =	ssyncadd.s32 $0xFFFFD800  }
0x3f: {  	[tilespmem:s3], [sflag:$0x2] =	stream.linear.gather [hbm4b:s18+s3], $0x50, $0x38;
	[tilespmem:$0x2880] =	vst v63  }
0x40: {  	_ =	swait.ge [sflag:s10], $0x50  }
0x41: {  	[sflag:s10] =	ssyncset.done $0x0  }
0x42: {  	[sflag:s10] =	ssyncadd.s32 $0xFFFFFFB0  }
0x43: {  	[tilespmem:s12], [sflag:$0x1] =	stream.indirect.gather [hbm4b:s1+s11], $0x80, s3, s11, $0xb8;
	[tilespmem:$0x2880] =	vst v63  }
0x44: {  	_ =	swait.ge [sflag:s13], $0x2800  }
0x45: {  	[sflag:s13] =	ssyncset.done $0x0  }
0x46: {  	[sflag:s13] =	ssyncadd.s32 $0xFFFFD800  }
0x47: {  	[hbm4b:s17+s3] =	stream.linear.scatter [tilespmem:s12], [sflag:$0x2], $0x2800, $0x38;
	[tilespmem:$0x2880] =	vst v63  }
0x48: {  	_ =	swait.ge [sflag:s10], $0x2800  }
0x49: {  	[sflag:s10] =	ssyncset.done $0x0  }
0x4a: {  	s31 =	sadd.s32 s16, s8;
	[sflag:s10] =	ssyncadd.s32 $0xFFFFD800  }
0x4b: {  	[tilespmem:s3], [sflag:$0x2] =	stream.linear.gather [hbm4b:s31+s3], $0x50, $0x38;
	[tilespmem:$0x2880] =	vst v63  }
0x4c: {  	_ =	swait.ge [sflag:s10], $0x50  }
0x4d: {  	[sflag:s10] =	ssyncset.done $0x0  }
0x4e: {  	[sflag:s10] =	ssyncadd.s32 $0xFFFFFFB0  }
0x4f: {  	[tilespmem:s12], [sflag:$0x1] =	stream.indirect.gather [hbm4b:s4+s11], $0x80, s3, s11, $0xb8;
	[tilespmem:$0x2880] =	vst v63  }
0x50: {  	s14 =	sadd.s32 $0x1, s14;
	_ =	swait.ge [sflag:s13], $0x2800  }
0x51: {  	p0 =	sne.s32 s14, s5;
	[sflag:s13] =	ssyncset.done $0x0  }
.Ltmp1:
0x52: {  	[sflag:s13] =	ssyncadd.s32 $0xFFFFD800;
	(pc) =	sbr.rel @p0 .LBB2_1-.Ltmp1, $4  }
0x53: {  	[hbm4b:s15+s3] =	stream.linear.scatter [tilespmem:s12], [sflag:$0x2], $0x2800, $0x38;
	[tilespmem:$0x2880] =	vst v63  }
0x54: {  	_ =	swait.ge [sflag:s10], $0x2800  }
0x55: {  	[sflag:s10] =	ssyncset.done $0x0  }
0x56: {  	[sflag:s10] =	ssyncadd.s32 $0xFFFFD800  }
0x57: {  	_ =	sfence.sel $0x180000  }
0x58: {  	[bflag:$0x0] =	sbarrier.arrive $0xFFFF  }
0x59: {  	p0 =	sne.s32 s2, $0x0;
	_ =	strace $0x9000004D  }
0x5a: {  	s0 =	sadd.s32 @!p0 $0x100000, s0;
	[bflag:$0x2] =	sbarrier.arrive $0xFFFF  }
0x5b: {  	[sflag:s0] =	ssyncadd.tile.s32 @!p0 $0x1;
	_ =	shalt  }
.Lfunc_end2:
_tile_overlayer_lowered:
.L_overlay_start_2:
0x5c: {  	(tag) =	ssettag $0x2  }
0x5d: {  	s0 =	rddreg [dreg:$0x0];
	s2 =	stileid.u32  }
0x5e: {  	s1 =	rddreg [dreg:$0x1];
	p0 =	sne.s32 s2, $0x0  }
0x5f: {  	s3 =	rddreg [dreg:$0x2];
	[bflag:$0x3] =	sbarrier.arrive $0xFFFF;
	s2 =	simm.s32 @!p0 $0x1C02  }
0x60: {  	[timem:s3], [sflag:s2] =	dma.local @!p0 [hbm:s0], s1  }
0x61: {  	s0 =	simm.s32 @!p0 $0x2  }
0x62: {  	_ =	swait.ge @!p0 [sflag:s0], s1  }
0x63: {  	s1 =	ssub.s32 @!p0 $0x0, s1;
	[sflag:s0] =	ssyncset.done @!p0 $0x0  }
0x64: {  	[sflag:s0] =	ssyncadd.s32 @!p0 s1  }
0x65: {  	[bflag:$0x3] =	sbarrier.arrive $0xFFFF  }
0x66: {  	_ =	shalt  }

// kernel: kernel.21.cloned.1.call-start
scs
__scs_entry_jumppad:
0x0: {  	(pc) =	sbr.rel $0x88, $3  }
0x1: {  	(tag) =	ssettag $0x0;
	lr =	simm.s32 $0x1  }
0x2: {  	[smem:$0x3F90] =	sst lr;
	_ =	strace $0xD0000000  }
0x3: {  	_ = 	snop  }
0x4: {  	_ = 	snop  }
0x5: {  	_ = 	snop  }
0x6: {  	_ = 	snop  }
0x7: {  	_ = 	snop  }
__scs_overlays_trampoline_lowered:
0x8: {  	[smem:$0x3F9F] =	sst s0  }
0x9: {  	[smem:$0x3FA0] =	sst s1  }
0xa: {  	[smem:$0x3FA1] =	sst s2  }
0xb: {  	[smem:$0x3FA2] =	sst s3  }
0xc: {  	[smem:$0x3FA3] =	sst s4  }
0xd: {  	[smem:$0x3FA4] =	sst s5  }
0xe: {  	[smem:$0x3FA5] =	sst s6  }
0xf: {  	[smem:$0x3FA6] =	sst s7  }
0x10: {  	[smem:$0x3FA7] =	sst s8  }
0x11: {  	[smem:$0x3FA8] =	sst s9;
	s0 =	simm.s32 @!p0 $0x0  }
0x12: {  	s1 =	sld [smem:$0x3F8E];
	s0 =	simm.s32 @p0 $0x1  }
0x13: {  	[smem:$0x3FA9] =	sst s0;
	s0 =	simm.s32 @!p1 $0x0  }
0x14: {  	s2 =	sld [smem:$0x3F8D];
	s0 =	simm.s32 @p1 $0x1  }
0x15: {  	[smem:$0x3FAA] =	sst s0;
	s0 =	simm.s32 @!p2 $0x0  }
0x16: {  	s3 =	sld [smem:$0x3FDB];
	s0 =	simm.s32 @p2 $0x1  }
0x17: {  	s4 =	simm.s32 $0x1BF5;
	[smem:$0x3FAC] =	sst s0  }
0x18: {  	s0 =	sld [smem:$0x3F8F];
	_ =	swait.ge [sflag:s4], $0x0  }
0x19: {  	s7 =	sld [smem:$0x3F90]  }
0x1a: {  	s8 =	sadd.s32 $0xFFFFE003, lr  }
0x1b: {  	s9 =	sadd.s32 $0xFFFFFEF7, lr;
	s5 =	simm.s32 $0xFFFFFFFF;
	p2 =	slt.u32 s8, $0xFFFFF086  }
0x1c: {  	p1 =	slt.u32 s9, $0xF7A;
	s5 =	simm.s32 @!p2 $0x0  }
0x1d: {  	s5 =	simm.s32 @p1 $0x1;
	p0 =	seq.s32 s7, s2  }
0x1e: {  	s7 =	smul.u32 @!p0 $0xF7A, s2;
	p2 =	seq.s32 @!p0 s5, $0x0  }
0x1f: {  	s9 =	smul.u32 $0xF7A, s1;
	s8 =	simm.s32 @!p0 $0x1BF5;
	p2 =	por !p2, p0  }
0x20: {  	[sflag:s8] =	ssyncset.s32 @!p0 $0xFFFFF086;
	s6 =	sadd.s32 @!p0 s3, s7;
	s7 =	simm.s32 @!p0 $0x108  }
0x21: {  	s3 =	sadd.s32 s3, s9;
	s6 =	sadd.s32 @!p0 $0x88, s6;
	s7 =	simm.s32 @p2 $0x1082  }
0x22: {  	[simem:s7], [sflag:s8] =	dma.local @!p0 [hbm:s6], $0xF7A  }
0x23: {  	s9 =	sor.u32 $0xD0000000, s2;
	s6 =	simm.s32 $0x108;
	_ =	swait.ge @!p0 [sflag:s8], $0x0  }
0x24: {  	s3 =	sadd.s32 $0x88, s3;
	s6 =	simm.s32 @!p1 $0x1082;
	[sflag:s4] =	ssyncset.s32 $0xFFFFF086  }
0x25: {  	[simem:s6], [sflag:s4] =	dma.local [hbm:s3], $0xF7A  }
0x26: {  	[smem:$0x3F90] =	sst s1;
	(tag) =	ssettag s2;
	_ =	strace s9  }
0x27: {  	s1 =	sld [smem:$0x3FA0]  }
0x28: {  	s2 =	sld [smem:$0x3FA1]  }
0x29: {  	s4 =	sld [smem:$0x3FA3]  }
0x2a: {  	p0 =	seq.s32 s5, $0x0;
	s5 =	sld [smem:$0x3FA4]  }
0x2b: {  	s6 =	sld [smem:$0x3FA5]  }
0x2c: {  	s7 =	sld [smem:$0x3FA6]  }
0x2d: {  	s3 =	simm.s32 $0x108;
	s8 =	sld [smem:$0x3FA7]  }
0x2e: {  	s3 =	simm.s32 @!p0 $0x1082;
	s9 =	sld [smem:$0x3FA8]  }
0x2f: {  	lr =	sadd.s32 s0, s3;
	s0 =	sld [smem:$0x3F9F]  }
0x30: {  	s3 =	sld [smem:$0x3FA2]  }
0x31: {  	[smem:$0x3FAB] =	sst s10  }
0x32: {  	s10 =	sld [smem:$0x3FA9];
	_ =	sdelay $0x3  }
0x33: {  	p0 =	seq.s32 s10, $0x1;
	s10 =	sld [smem:$0x3FAB];
	_ =	sdelay $0x3  }
0x34: {  	[smem:$0x3FAB] =	sst s10  }
0x35: {  	s10 =	sld [smem:$0x3FAA];
	_ =	sdelay $0x3  }
0x36: {  	p1 =	seq.s32 s10, $0x1;
	s10 =	sld [smem:$0x3FAB];
	_ =	sdelay $0x3  }
0x37: {  	[smem:$0x3FAB] =	sst s10  }
0x38: {  	s10 =	sld [smem:$0x3FAC]  }
0x39: {  	_ = 	snop;
	(pc) =	sbr.ind lr, $3  }
0x3a: {  	_ = 	snop  }
0x3b: {  	_ = 	snop  }
0x3c: {  	p2 =	seq.s32 s10, $0x1;
	s10 =	sld [smem:$0x3FAB]  }
0x3d: {  	_ =	shalt  }
0x3e: {  	_ =	shalt  }
0x3f: {  	_ =	shalt  }
0x40: {  	_ =	shalt  }
0x41: {  	_ =	shalt  }
0x42: {  	_ =	shalt  }
0x43: {  	_ =	shalt  }
0x44: {  	_ =	shalt  }
0x45: {  	_ =	shalt  }
0x46: {  	_ =	shalt  }
0x47: {  	_ =	shalt  }
0x48: {  	_ =	shalt  }
0x49: {  	_ =	shalt  }
0x4a: {  	_ =	shalt  }
0x4b: {  	_ =	shalt  }
0x4c: {  	_ =	shalt  }
0x4d: {  	_ =	shalt  }
0x4e: {  	_ =	shalt  }
0x4f: {  	_ =	shalt  }
0x50: {  	_ =	shalt  }
0x51: {  	_ =	shalt  }
0x52: {  	_ =	shalt  }
0x53: {  	_ =	shalt  }
0x54: {  	_ =	shalt  }
0x55: {  	_ =	shalt  }
0x56: {  	_ =	shalt  }
0x57: {  	_ =	shalt  }
0x58: {  	_ =	shalt  }
0x59: {  	_ =	shalt  }
0x5a: {  	_ =	shalt  }
0x5b: {  	_ =	shalt  }
0x5c: {  	_ =	shalt  }
0x5d: {  	_ =	shalt  }
0x5e: {  	_ =	shalt  }
0x5f: {  	_ =	shalt  }
0x60: {  	_ =	shalt  }
0x61: {  	_ =	shalt  }
0x62: {  	_ =	shalt  }
0x63: {  	_ =	shalt  }
0x64: {  	_ =	shalt  }
0x65: {  	_ =	shalt  }
0x66: {  	_ =	shalt  }
0x67: {  	_ =	shalt  }
0x68: {  	_ =	shalt  }
0x69: {  	_ =	shalt  }
0x6a: {  	_ =	shalt  }
0x6b: {  	_ =	shalt  }
0x6c: {  	_ =	shalt  }
0x6d: {  	_ =	shalt  }
0x6e: {  	_ =	shalt  }
0x6f: {  	_ =	shalt  }
0x70: {  	_ =	shalt  }
0x71: {  	_ =	shalt  }
0x72: {  	_ =	shalt  }
0x73: {  	_ =	shalt  }
0x74: {  	_ =	shalt  }
0x75: {  	_ =	shalt  }
0x76: {  	_ =	shalt  }
0x77: {  	_ =	shalt  }
0x78: {  	_ =	shalt  }
0x79: {  	_ =	shalt  }
0x7a: {  	_ =	shalt  }
0x7b: {  	_ =	shalt  }
0x7c: {  	_ =	shalt  }
0x7d: {  	_ =	shalt  }
0x7e: {  	_ =	shalt  }
0x7f: {  	_ =	shalt  }
0x80: {  	_ =	shalt  }
0x81: {  	_ =	shalt  }
0x82: {  	_ =	shalt  }
0x83: {  	_ =	shalt  }
0x84: {  	_ =	shalt  }
0x85: {  	_ =	shalt  }
0x86: {  	_ =	shalt  }
0x87: {  	_ =	shalt  }
.Lfunc_end0:
.L_simem_size_0:
called_computation.3_lowered:
.L_overlay_start_0:
0x88: {  	s2 =	sld [smem:$0x3FD9]  }
0x89: {  	s3 =	sld [smem:$0x3FFE];
	_ =	sdelay $0x1  }
0x8a: {  	s1 =	srdreg.scid  }
0x8b: {  	s0 =	sand.u32 $0x1, s1  }
0x8c: {  	s17 =	sshll.u32 s0, $0xA;
	s2 =	sadd.s32 s3, s2  }
0x8d: {  	s2 =	sadd.s32 s2, s17  }
0x8e: {  	[smem:$0x3FB7] =	sst s2  }
0x8f: {  	_ = 	snop  }
0x90: {  	s2 =	sld [smem:$0x3FD0];
	(tm) =	ssettm $0x1  }
0x91: {  	s18 =	sld [smem:$0x3FFB];
	_ =	sdelay $0x3  }
0x92: {  	_ =	strace s18  }
0x93: {  	s3 =	sld [smem:$0x3FFC];
	_ =	sdelay $0x3  }
0x94: {  	_ =	strace s3  }
0x95: {  	s3 =	sld [smem:$0x3FFD];
	_ =	sdelay $0x3  }
0x96: {  	_ =	strace s3  }
0x97: {  	_ =	strace $0x8FFFFFFF  }
0x98: {  	s19 =	sld [smem:$0x3FDB];
	_ =	sdelay $0x1  }
0x99: {  	s4 =	simm.s32 $_scs_section_size  }
0x9a: {  	s5 =	simm.s32 $_size__tile_overlayer_lowered;
	s6 =	simm.s32 $_tile_overlayer_lowered  }
0x9b: {  	s22 =	simm.s32 $0x1BFF;
	s21 =	sshll.u32 s6, $0x1;
	s3 =	sadd.s32 s4, s19  }
0x9c: {  	s7 =	simm.s32 $0x0;
	s20 =	sshll.u32 s5, $0x1;
	s5 =	sadd.s32 s21, s3  }
0x9d: {  	[timem:s7], [sflag:s22] =	dma.local [hbm:s5], s20  }
0x9e: {  	_ =	swait.ge [sflag:s22], s20  }
0x9f: {  	s4 =	ssub.s32 $0x0, s20;
	[sflag:s22] =	ssyncset.done $0x0  }
0xa0: {  	[sflag:s22] =	ssyncadd.s32 s4;
	_ =	sdelay $0x1  }
0xa1: {  	s23 =	simm.s32 $0x1B8B  }
0xa2: {  	_ =	swait.ge [sflag:s23], $0x1  }
0xa3: {  	[sflag:s23] =	ssyncset.done $0x0  }
0xa4: {  	s25 =	simm.s32 $0x1B8E;
	s24 =	sld [smem:$0x3FFE];
	[sflag:s23] =	ssyncadd.s32 $0xFFFFFFFF  }
0xa5: {  	s26 =	simm.s32 $execute0_lowered;
	[smem:$0x3FD2] =	sst s25  }
0xa6: {  	s5 =	sshll.u32 s26, $0x1;
	_ =	strace $0x8000004F;
	[dreg:$0x1] =	wrdreg $0xFFFFFFFF  }
0xa7: {  	s28 =	simm.s32 $_size_execute0_lowered;
	s3 =	sadd.s32 s3, s5;
	[dreg:$0x0] =	wrdreg $0x0  }
0xa8: {  	s5 =	sshll.u32 s28, $0x1;
	[dreg:$0x2] =	wrdreg s3  }
0xa9: {  	[dreg:$0x3] =	wrdreg s5  }
0xaa: {  	[dreg:$0x4] =	wrdreg $0xC0  }
0xab: {  	_ =	task [dreg:s7], $0x5FFFF  }
0xac: {  	[dreg:$0x1] =	wrdreg $0xFFFFFFFF  }
0xad: {  	[dreg:$0x0] =	wrdreg $0x60  }
0xae: {  	[dreg:$0x2] =	wrdreg s24  }
0xaf: {  	[dreg:$0x3] =	wrdreg s2  }
0xb0: {  	[dreg:$0x4] =	wrdreg $0x78800  }
0xb1: {  	[dreg:$0x5] =	wrdreg $0x9  }
0xb2: {  	_ =	task.clear_ibuf [dreg:s7], $0x6FFFF;
	_ =	strace $0x9000004F  }
0xb3: {  	s29 =	simm.s32 $0x9;
	_ =	strace $0x80000051  }
0xb4: {  	_ =	swait.ge [sflag:s29], $0x1  }
0xb5: {  	[sflag:s29] =	ssyncadd.s32 $0xFFFFFFFF  }
0xb6: {  	_ =	strace $0x90000051  }
0xb7: {  	_ =	sfence  }
0xb8: {  	s30 =	sld [smem:$0x0];
	_ =	sdelay $0x2  }
0xb9: {  	s31 =	sshll.u32 s1, $0xD;
	s1 =	sshrl.u32 s1, $0x2  }
0xba: {  	s3 =	sand.u32 $0x4000, s31;
	s1 =	sadd.s32 s1, s30  }
0xbb: {  	s0 =	sor.u32 s3, s0;
	s1 =	sshll.u32 s1, $0x11  }
0xbc: {  	s0 =	sor.u32 s1, s0  }
0xbd: {  	s0 =	sadd.s32 $0x8F2B, s0  }
0xbe: {  	[sflag:s0] =	ssyncadd.remote.s32 $0x1  }
0xbf: {  	_ =	sfence.sel $0xFFFF  }
0xc0: {  	[dreg:$0x0] =	wrdreg $0xFFFFFFFF;
	(pc) =	sbr.abs _section_cstart, $3  }
0xc1: {  	[dreg:$0x1] =	wrdreg $0xFFFFFFFF  }
0xc2: {  	_ =	task.clear_ibuf [dreg:s7], $0x2FFFF;
	_ =	strace $0x9FFFFFFF  }
0xc3: {  	(tm) =	ssettm $0x7FFFFFFF  }
tec
execute0_lowered:
.L_overlay_start_1:
0x0: {  	(tag) =	ssettag $0x1  }
0x1: {  	s4 =	rddreg [dreg:$0x0]  }
0x2: {  	s0 =	srdreg.scid;
	s9 =	rddreg [dreg:$0x1]  }
0x3: {  	s2 =	rddreg [dreg:$0x2];
	s5 =	sand.u32 $0x1, s0  }
0x4: {  	s1 =	rddreg [dreg:$0x3];
	s3 =	simm.s32 $0x0;
	s6 =	smul.u32 $0x271000, s5  }
0x5: {  	s15 =	simm.s32 $0x50;
	s0 =	stileid.u32;
	s7 =	smul.u32 $0x27100, s5  }
0x6: {  	s16 =	simm.s32 $0x2880;
	s17 =	simm.s32 $0x5100;
	s8 =	smul.u32 $0x2710, s0  }
0x7: {  	s18 =	simm.s32 $0x400;
	[smem:$0x7FF] =	sst s3;
	s10 =	smul.u32 $0x138800, s5  }
0x8: {  	s19 =	simm.s32 $0x0;
	s11 =	smul.u32 $0x2800, s0;
	_ =	strace $0x80000050  }
0x9: {  	s21 =	sshll.u32 s5, $0x4;
	s5 =	ssub.s32 $0x2, s5;
	s28 =	smul.u32 $0xA000, s0  }
0xa: {  	s30 =	ssub.s32 $0x8C, s0;
	s14 =	smul.u32 $0x27100, s0;
	s26 =	sshrl.u32 s5, $0x1  }
0xb: {  	s12 =	sadd.s32 s6, s4;
	s7 =	sadd.s32 s8, s7;
	s22 =	sadd.s32 s11, s10  }
0xc: {  	s6 =	sor.u32 s0, s21;
	s29 =	ssub.s32 s5, s26;
	s23 =	sshrl.u32 s7, $0x3  }
0xd: {  	s24 =	sshrl.u32 s22, $0x3;
	s6 =	smul.u32 $0x2780, s6;
	s7 =	sshrl.u32 s28, $0x2  }
0xe: {  	s31 =	sadd.s32 s14, s12;
	s12 =	simm.s32 $0x2900;
	s14 =	simm.s32 $0x80  }
0xf: {  	s25 =	sadd.s32 s23, s4;
	s13 =	sadd.s32 s24, s4;
	s7 =	sadd.s32 s7, s2  }
0x10: {  	s8 =	sadd.s32 $0xA03C00, s31;
	s9 =	sadd.s32 s23, s9;
	s6 =	sadd.s32 s6, s4  }
0x11: {  	s4 =	sshrl.u32 s30, $0x4;
	s10 =	sadd.s32 $0xEC00, s25;
	s11 =	sadd.s32 $0x67A00, s13  }
0x12: {  	v0 =	vimm.f32 $0.0e+00;
	s13 =	simm.s32 $0x1;
	s5 =	sadd.s32 $0x18A00, s6;
	s6 =	smax.u32 s29, $0x1  }
.LBB2_1:
0x13: {  	s20 =	simm.s32 $0x0;
	s21 =	simm.s32 $0x200  }
.LBB2_2:
0x14: {  	p0 =	sne.s32 s21, $0x9E00;
	[tilespmem:s20+$0x2970] =	vst v0  }
0x15: {  	[tilespmem:s20+$0x2900] =	vst v0  }
0x16: {  	[tilespmem:s20+$0x2910] =	vst v0  }
.Ltmp0:
0x17: {  	[tilespmem:s20+$0x2920] =	vst v0;
	(pc) =	sbr.rel @p0 .LBB2_2-.Ltmp0, $4  }
0x18: {  	[tilespmem:s20+$0x2930] =	vst v0  }
0x19: {  	[tilespmem:s20+$0x2940] =	vst v0  }
0x1a: {  	[tilespmem:s20+$0x2950] =	vst v0  }
0x1b: {  	[tilespmem:s20+$0x2960] =	vst v0;
	s20 =	sshra.s32 s21, $0x2;
	s21 =	sadd.s32 $0x200, s21  }
0x1c: {  	[tilespmem:s20+$0x2970] =	vst v0  }
0x1d: {  	[tilespmem:s20+$0x2900] =	vst v0  }
0x1e: {  	[tilespmem:s20+$0x2910] =	vst v0  }
0x1f: {  	[tilespmem:s20+$0x2920] =	vst v0  }
0x20: {  	[tilespmem:s20+$0x2930] =	vst v0  }
0x21: {  	[tilespmem:s20+$0x2940] =	vst v0  }
0x22: {  	[tilespmem:s20+$0x2950] =	vst v0  }
0x23: {  	[tilespmem:s20+$0x2960] =	vst v0;
	s20 =	simm.s32 $0x40;
	s21 =	simm.s32 $0x0  }
.LBB2_4:
0x24: {  	p0 =	sne.s32 s20, $0x9C00;
	[tilespmem:s21+$0x5100] =	vst v0;
	s21 =	smov.u32 s20;
	s20 =	sadd.s32 $0x40, s20  }
.Ltmp1:
0x25: {  	(pc) =	sbr.rel @p0 .LBB2_4-.Ltmp1, $2  }
0x26: {  	_ =	sdelay $0x2  }
0x27: {  	s21 =	sshra.s32 s21, $0x2  }
0x28: {  	p0 =	sne.s32 s4, $0x1  }
.Ltmp2:
0x29: {  	_ = 	snop;
	(pc) =	sbr.rel @!p0 .LBB2_7-.Ltmp2, $4  }
0x2a: {  	[tilespmem:s21+$0x5100] =	vst v0  }
0x2b: {  	[spmem:s7] =	stream.linear.scatter [tilespmem:s12], [sflag:$0x1], $0x2800, $0x38;
	[tilespmem:$0x1B100] =	vst v63  }
0x2c: {  	_ =	swait.ge [sflag:s13], $0x2800  }
0x2d: {  	s20 =	sadd.s32 $0xFFFFFFFF, s4;
	s21 =	smov.u32 s7;
	[sflag:s13] =	ssyncset.done $0x0  }
.LBB2_6:
0x2e: {  	p1 =	sne.s32 s20, $0x1;
	[sflag:s13] =	ssyncadd.s32 $0xFFFFD800;
	s21 =	sadd.s32 $0x28000, s21  }
.Ltmp3:
0x2f: {  	s20 =	sadd.s32 $0xFFFFFFFF, s20;
	(pc) =	sbr.rel @p1 .LBB2_6-.Ltmp3, $4  }
0x30: {  	_ = 	snop  }
0x31: {  	[spmem:s21] =	stream.linear.scatter [tilespmem:s12], [sflag:$0x1], $0x2800, $0x38;
	[tilespmem:$0x1B100] =	vst v63  }
0x32: {  	_ =	swait.ge [sflag:s13], $0x2800  }
0x33: {  	[sflag:s13] =	ssyncset.done $0x0  }
.LBB2_7:
0x34: {  	[sflag:s13] =	ssyncadd.s32 $0xFFFFD800  }
0x35: {  	s20 =	simm.s32 $0x0;
	s21 =	smov.u32 s8;
	[bflag:$0x0] =	sbarrier.arrive $0xFFFF  }
.LBB2_8:
0x36: {  	s22 =	sadd.s32 s20, s10  }
0x37: {  	[tilespmem:s3], [sflag:$0x1] =	stream.linear.gather [hbm4b:s22+s3], $0x50, $0x38;
	[tilespmem:$0x1B100] =	vst v63  }
0x38: {  	_ =	swait.ge [sflag:s13], $0x50  }
0x39: {  	[sflag:s13] =	ssyncset.done $0x0  }
0x3a: {  	[sflag:s13] =	ssyncadd.s32 $0xFFFFFFB0  }
0x3b: {  	[tilespmem:s14], [sflag:$0x1] =	stream.linear.gather [hbm4b:s21+s3], $0x2800, $0x38;
	[tilespmem:$0x1B100] =	vst v63  }
0x3c: {  	_ =	swait.ge [sflag:s13], $0x2800  }
0x3d: {  	[sflag:s13] =	ssyncset.done $0x0  }
0x3e: {  	[sflag:s13] =	ssyncadd.s32 $0xFFFFD800  }
0x3f: {  	[spmem:s2] =	stream.indirect.scatter.add.f32 [tilespmem:s14], [sflag:$0x1], $0x80, s3, s15, $0xb8;
	[tilespmem:$0x1B100] =	vst v63  }
0x40: {  	_ =	swait.ge [sflag:s13], $0x2800  }
0x41: {  	[sflag:s13] =	ssyncset.done $0x0  }
0x42: {  	s31 =	sadd.s32 s20, s9;
	[sflag:s13] =	ssyncadd.s32 $0xFFFFD800  }
0x43: {  	[tilespmem:s16], [sflag:$0x1] =	stream.linear.gather [hbm4b:s31+s3], $0x50, $0x38;
	[tilespmem:$0x1B100] =	vst v63  }
0x44: {  	_ =	swait.ge [sflag:s13], $0x50  }
0x45: {  	[sflag:s13] =	ssyncset.done $0x0  }
0x46: {  	[sflag:s13] =	ssyncadd.s32 $0xFFFFFFB0  }
0x47: {  	v1 =	vld [tilespmem:$0x0];
	_ =	sdelay $0x2  }
0x48: {  	v2 =	vld [tilespmem:$0x2880];
	_ =	sdelay $0x4  }
0x49: {  	[tilespmem:v1+s17+$0x0] =	vst.idx.add.f32.msk $0xffff, v2  }
0x4a: {  	v1 =	vld [tilespmem:$0x10];
	_ =	sdelay $0x2  }
0x4b: {  	v2 =	vld [tilespmem:$0x2890];
	_ =	sdelay $0x4  }
0x4c: {  	[tilespmem:v1+s17+$0x0] =	vst.idx.add.f32.msk $0xffff, v2  }
0x4d: {  	v1 =	vld [tilespmem:$0x20];
	_ =	sdelay $0x2  }
0x4e: {  	v2 =	vld [tilespmem:$0x28A0];
	_ =	sdelay $0x4  }
0x4f: {  	[tilespmem:v1+s17+$0x0] =	vst.idx.add.f32.msk $0xffff, v2  }
0x50: {  	v1 =	vld [tilespmem:$0x30];
	_ =	sdelay $0x2  }
0x51: {  	v2 =	vld [tilespmem:$0x28B0];
	_ =	sdelay $0x4  }
0x52: {  	[tilespmem:v1+s17+$0x0] =	vst.idx.add.f32.msk $0xffff, v2  }
0x53: {  	v1 =	vld [tilespmem:$0x40];
	_ =	sdelay $0x2  }
0x54: {  	p1 =	sne.s32 s20, $0x4D8;
	v2 =	vld [tilespmem:$0x28C0]  }
.Ltmp4:
0x55: {  	_ = 	snop;
	(pc) =	sbr.rel @p1 .LBB2_8-.Ltmp4, $2  }
0x56: {  	_ =	sdelay $0x2  }
0x57: {  	s20 =	sadd.s32 $0xA, s20;
	s21 =	sadd.s32 $0x500, s21;
	[tilespmem:v1+s17+$0x0] =	vst.idx.add.f32.msk $0xffff, v2  }
0x58: {  	[bflag:$0x0] =	sbarrier.arrive $0xFFFF  }
0x59: {  	[tilespmem:s12], [sflag:$0x1] =	stream.linear.gather [spmem:s7], $0x2800, $0x38;
	[tilespmem:$0x1B100] =	vst v63  }
0x5a: {  	_ =	swait.ge [sflag:s13], $0x2800  }
.Ltmp5:
0x5b: {  	[sflag:s13] =	ssyncset.done $0x0;
	(pc) =	sbr.rel @!p0 .LBB2_11-.Ltmp5, $4  }
0x5c: {  	[sflag:s13] =	ssyncadd.s32 $0xFFFFD800  }
0x5d: {  	[hbm4b:s11+s3] =	stream.linear.scatter [tilespmem:s12], [sflag:$0x1], $0x2800, $0x38;
	[tilespmem:$0x1B100] =	vst v63  }
0x5e: {  	s20 =	sadd.s32 $0xFFFFFFFF, s4;
	_ =	swait.ge [sflag:s13], $0x2800  }
0x5f: {  	s21 =	smov.u32 s7;
	s22 =	smov.u32 s11;
	[sflag:s13] =	ssyncset.done $0x0  }
.LBB2_10:
0x60: {  	[sflag:s13] =	ssyncadd.s32 $0xFFFFD800;
	s21 =	sadd.s32 $0x28000, s21;
	s22 =	sadd.s32 $0x5000, s22  }
0x61: {  	[tilespmem:s12], [sflag:$0x1] =	stream.linear.gather [spmem:s21], $0x2800, $0x38;
	[tilespmem:$0x1B100] =	vst v63  }
0x62: {  	p0 =	sne.s32 s20, $0x1;
	s20 =	sadd.s32 $0xFFFFFFFF, s20;
	_ =	swait.ge [sflag:s13], $0x2800  }
.Ltmp6:
0x63: {  	[sflag:s13] =	ssyncset.done $0x0;
	(pc) =	sbr.rel @p0 .LBB2_10-.Ltmp6, $4  }
0x64: {  	[sflag:s13] =	ssyncadd.s32 $0xFFFFD800  }
0x65: {  	[hbm4b:s22+s3] =	stream.linear.scatter [tilespmem:s12], [sflag:$0x1], $0x2800, $0x38;
	[tilespmem:$0x1B100] =	vst v63  }
0x66: {  	_ =	swait.ge [sflag:s13], $0x2800  }
0x67: {  	[sflag:s13] =	ssyncset.done $0x0  }
.LBB2_11:
0x68: {  	s19 =	sadd.s32 $0x1, s19  }
0x69: {  	p0 =	sne.s32 s19, s6  }
.Ltmp7:
0x6a: {  	[sflag:s13] =	ssyncadd.s32 $0xFFFFD800;
	(pc) =	sbr.rel @p0 .LBB2_1-.Ltmp7, $4  }
0x6b: {  	[hbm4b:s5+s14] =	stream.strided.scatter [tilespmem:s17], [sflag:$0x1], $0x2780, s18, s14, $0x38;
	[tilespmem:$0x1B100] =	vst v63  }
0x6c: {  	_ =	swait.ge [sflag:s13], $0x2780  }
0x6d: {  	[sflag:s13] =	ssyncset.done $0x0  }
0x6e: {  	[sflag:s13] =	ssyncadd.s32 $0xFFFFD880  }
0x6f: {  	_ =	sfence.sel $0x180000  }
0x70: {  	[bflag:$0x0] =	sbarrier.arrive $0xFFFF  }
0x71: {  	p0 =	sne.s32 s0, $0x0;
	_ =	strace $0x90000050  }
0x72: {  	s0 =	sadd.s32 @!p0 $0x100000, s1;
	[bflag:$0x2] =	sbarrier.arrive $0xFFFF  }
0x73: {  	[sflag:s0] =	ssyncadd.tile.s32 @!p0 $0x1;
	_ =	shalt  }
.Lfunc_end2:
_tile_overlayer_lowered:
.L_overlay_start_2:
0x74: {  	(tag) =	ssettag $0x2  }
0x75: {  	s0 =	rddreg [dreg:$0x0];
	s2 =	stileid.u32  }
0x76: {  	s1 =	rddreg [dreg:$0x1];
	p0 =	sne.s32 s2, $0x0  }
0x77: {  	s3 =	rddreg [dreg:$0x2];
	[bflag:$0x3] =	sbarrier.arrive $0xFFFF;
	s2 =	simm.s32 @!p0 $0x1C01  }
0x78: {  	[timem:s3], [sflag:s2] =	dma.local @!p0 [hbm:s0], s1  }
0x79: {  	s0 =	simm.s32 @!p0 $0x1  }
0x7a: {  	_ =	swait.ge @!p0 [sflag:s0], s1  }
0x7b: {  	s1 =	ssub.s32 @!p0 $0x0, s1;
	[sflag:s0] =	ssyncset.done @!p0 $0x0  }
0x7c: {  	[sflag:s0] =	ssyncadd.s32 @!p0 s1  }
0x7d: {  	[bflag:$0x3] =	sbarrier.arrive $0xFFFF  }
0x7e: {  	_ =	shalt  }

</sc_bundles>
